<compile_context>
chip_gen: v7x
topology: tpu7x:2x2x1
jax: 0.10.2.dev20260603
libtpu: 0.0.44.dev20260713+nightly
codegen_flags: <defaults>
</compile_context>

<pallas_src>
import functools

import jax
import jax.numpy as jnp
from jax import lax
from jax.experimental import pallas as pl
from jax.experimental.pallas import tpu as pltpu
from jax.experimental.pallas import tpu_sc as plsc

N = 10000
D = 128
BN_EPS = 1e-5

NUM_CORES = 2
NUM_SUBCORES = 16
NUM_TILES = NUM_CORES * NUM_SUBCORES

W = 128
KW = 20
NB = 2
E_IN = 320000
STEP = KW * W
CPT = -(-E_IN // (STEP * NUM_TILES))
EPAD = NUM_TILES * CPT * STEP
NPAD = 10112
RPT = NPAD // NUM_SUBCORES


@jax.jit
def _sc_aggregate(x, ei):
    _vector_mesh = plsc.VectorSubcoreMesh(
        core_axis_name="core", subcore_axis_name="subcore",
        num_cores=NUM_CORES, num_subcores=NUM_SUBCORES)
    ei5 = ei.reshape(2, NUM_TILES, CPT, KW, W)

    @functools.partial(
        pl.kernel,
        out_type=jax.ShapeDtypeStruct((NUM_CORES, NPAD, D), jnp.float32),
        mesh=_vector_mesh,
        scratch_types=(
            [pltpu.VMEM_SHARED((NPAD, D), jnp.float32)]
            + [pltpu.VMEM((W, D), jnp.float32)] * NB
            + [pltpu.SemaphoreType.DMA] * (2 * NB)
        ),
    )
    def agg_kernel(x_hbm, ei_hbm, out_hbm, acc_spmem, *scratch):
        cid = lax.axis_index("core")
        sid = lax.axis_index("subcore")
        rows = scratch[:NB]
        gsem = scratch[NB:2 * NB]
        ssem = scratch[2 * NB:3 * NB]
        rows_a = rows[0]

        @pl.loop(0, W)
        def _(i):
            for r in rows:
                for g in range(D // 16):
                    r[pl.ds(i, 1), pl.ds(g * 16, 16)] = jnp.zeros(
                        (1, 16), jnp.float32)

        zbase = sid * RPT
        nfull = RPT // W
        for k in range(nfull):
            pltpu.sync_copy(rows[k % NB],
                            acc_spmem.at[pl.ds(zbase + k * W, W)])
        zrem = RPT % W
        if zrem:
            pltpu.sync_copy(rows_a.at[pl.ds(0, zrem)],
                            acc_spmem.at[pl.ds(zbase + nfull * W, zrem)])
        plsc.subcore_barrier()

        def window(src_idx, dst_idx):
            gd = [None] * KW
            sd = [None] * KW
            for j in range(NB - 1):
                gd[j] = pltpu.async_copy(
                    x_hbm.at[src_idx.at[0, 0, 0, j]], rows[j % NB],
                    gsem[j % NB])
            for j in range(KW):
                b = j % NB
                jn = j + NB - 1
                if jn < KW:
                    if j >= 1:
                        sd[j - 1].wait()
                    gd[jn] = pltpu.async_copy(
                        x_hbm.at[src_idx.at[0, 0, 0, jn]], rows[jn % NB],
                        gsem[jn % NB])
                gd[j].wait()
                sd[j] = pltpu.async_copy(
                    rows[b], acc_spmem.at[dst_idx.at[0, 0, 0, j]], ssem[b],
                    add=True)
            for j in range(KW - NB + 1, KW):
                if j >= 0 and sd[j] is not None:
                    sd[j].wait()
            sd[KW - NB].wait()

        pltpu.emit_pipeline(
            window,
            grid=(NUM_TILES, CPT),
            in_specs=[
                pl.BlockSpec((1, 1, 1, KW, W), lambda t, i: (0, t, i, 0, 0)),
                pl.BlockSpec((1, 1, 1, KW, W), lambda t, i: (1, t, i, 0, 0)),
            ],
            core_axis_name=("core", "subcore"),
            dimension_semantics=(pltpu.PARALLEL, pltpu.ARBITRARY),
        )(ei_hbm, ei_hbm)

        plsc.subcore_barrier()
        obase = sid * RPT
        pltpu.sync_copy(acc_spmem.at[pl.ds(obase, RPT)],
                        out_hbm.at[cid, pl.ds(obase, RPT)])

    return agg_kernel(x, ei5)


def _mlp_body(x_ref, p_ref, w1t_ref, b1_ref, gamma_ref, beta_ref, w2t_ref,
              b2_ref, o_ref):
    h = x_ref[...] + p_ref[0, pl.ds(0, N)] + p_ref[1, pl.ds(0, N)]
    h1 = jnp.dot(h, w1t_ref[...], preferred_element_type=jnp.float32)
    h1 = h1 + b1_ref[...]
    mean = jnp.mean(h1, axis=0, keepdims=True)
    c = h1 - mean
    var = jnp.mean(c * c, axis=0, keepdims=True)
    hn = c * lax.rsqrt(var + BN_EPS) * gamma_ref[...] + beta_ref[...]
    h2 = jnp.maximum(hn, 0.0)
    o = jnp.dot(h2, w2t_ref[...], preferred_element_type=jnp.float32)
    o = o + b2_ref[...]
    o_ref[...] = jnp.maximum(o, 0.0)


@jax.jit
def _tc_mlp(x, p, w1t, b1, gamma, beta, w2t, b2):
    return pl.pallas_call(
        _mlp_body,
        out_shape=jax.ShapeDtypeStruct((N, D), jnp.float32),
        compiler_params=pltpu.CompilerParams(
            vmem_limit_bytes=100 * 1024 * 1024),
    )(x, p, w1t, b1.reshape(1, D), gamma.reshape(1, D), beta.reshape(1, D),
      w2t, b2.reshape(1, D))


def kernel(x, edge_index, W1, b1, gamma, beta, W2, b2):
    npad = EPAD - E_IN
    pad_ids = jnp.arange(npad, dtype=jnp.int32)
    pads = jnp.stack([(pad_ids * 37) % N, N + pad_ids % (NPAD - N)])
    ei_full = jnp.concatenate([edge_index.astype(jnp.int32), pads], axis=1)
    p = _sc_aggregate(x, ei_full)
    return _tc_mlp(x, p, W1.T, b1, gamma, beta, W2.T, b2)

# --- scband reference (transcript-rebuilt; emitter-appended) ---
"""Pipeline reference for scband-ginlayer-55783035240590 (READ-ONLY COPY).

The authoritative reference and input builder live on the scoring server;
editing this copy changes nothing except your own understanding.
"""

import jax, jax.numpy as jnp
import numpy as np

N = 10000
E = 320000
D = 128
BN_EPS = 1e-5

def setup_inputs(seed: int = 0) -> dict:
    key = jax.random.key(seed)
    ks = jax.random.split(key, 8)
    x = jax.random.normal(ks[0], (N, D), dtype=jnp.float32)
    edge_index = jax.random.randint(ks[1], (2, E), 0, N, dtype=jnp.int64)
    s = 1.0 / np.sqrt(D)
    W1 = jax.random.normal(ks[2], (D, D), dtype=jnp.float32) * s
    b1 = jax.random.normal(ks[3], (D,), dtype=jnp.float32) * s
    gamma = jnp.ones((D,), dtype=jnp.float32)
    beta = jnp.zeros((D,), dtype=jnp.float32)
    W2 = jax.random.normal(ks[4], (D, D), dtype=jnp.float32) * s
    b2 = jax.random.normal(ks[5], (D,), dtype=jnp.float32) * s
    return {"x": x, "edge_index": edge_index, "W1": W1, "b1": b1, "gamma": gamma, "beta": beta, "W2": W2, "b2": b2}

def reference(x, edge_index, W1, b1, gamma, beta, W2, b2):
    # GINConv with eps=0 (train_eps=False): h = MLP((1+eps)*x + sum_{j in N(i)} x_j)
    src = edge_index[0]
    dst = edge_index[1]
    msgs = jnp.take(x, src, axis=0)                      # gather  [E, D]
    agg = jax.ops.segment_sum(msgs, dst, num_segments=x.shape[0])  # scatter-add [N, D]
    h = x + agg
    # MLP: Linear -> BatchNorm1d (training-mode batch stats) -> ReLU -> Linear
    h = h @ W1.T + b1
    mean = jnp.mean(h, axis=0)
    var = jnp.var(h, axis=0)
    h = (h - mean) / jnp.sqrt(var + BN_EPS) * gamma + beta
    h = jax.nn.relu(h)
    h = h @ W2.T + b2
    # outer activation from GINLayer ('relu'); normalization=False, dropout=0.0
    h = jax.nn.relu(h)
    return h

if __name__ == "__main__":
    import jax
    _d = setup_inputs()
    print(jax.jit(kernel)(*tuple(_d.values())))

</pallas_src>

<mosaic_0001>
#map = affine_map<(d0, d1) -> (0, 0)>
#map1 = affine_map<(d0, d1) -> (0, 0, 0, 0, 0)>
#map2 = affine_map<(d0, d1) -> (0, 0, 0)>
module attributes {stable_mosaic.version = 14 : i64} {
  func.func @agg_kernel(%arg0: i32, %arg1: i32, %arg2: memref<10000x128xf32, #tpu.memory_space<hbm>>, %arg3: memref<2x32x4x20x128xi32, #tpu.memory_space<hbm>>, %arg4: memref<2x10112x128xf32, #tpu.memory_space<hbm>>, %arg5: memref<10112x128xf32, #tpu.memory_space<vmem_shared>>, %arg6: memref<128x128xf32, #tpu.memory_space<vmem>>, %arg7: memref<128x128xf32, #tpu.memory_space<vmem>>, %arg8: memref<!tpu.dma_semaphore, #tpu.memory_space<semaphore_mem>>, %arg9: memref<!tpu.dma_semaphore, #tpu.memory_space<semaphore_mem>>, %arg10: memref<!tpu.dma_semaphore, #tpu.memory_space<semaphore_mem>>, %arg11: memref<!tpu.dma_semaphore, #tpu.memory_space<semaphore_mem>>) attributes {dimension_semantics = [#tpu.dimension_semantics<core_parallel>, #tpu.dimension_semantics<subcore_parallel>], iteration_bounds = array<i64: 2, 16>, scalar_prefetch = 0 : i64, scratch_operands = 7 : i64, tpu.core_type = #tpu.core_type<sc_vector_subcore>, window_params = [{transform_indices = #map}, {transform_indices = #map1}, {transform_indices = #map2}]} {
    %scan3A = arith.constant 0 : i32
    %scan3A_0 = arith.constant 128 : i32
    %scan3A_1 = arith.addi %scan3A, %scan3A_0 : i32
    %scan3A_2 = arith.constant 1 : i32
    scf.for %scan3A_26 = %scan3A to %scan3A_1 step %scan3A_2  : i32 {
      %mul3A_27 = arith.constant 1 : i32
      %mul3A_28 = arith.muli %scan3A_26, %mul3A_27 : i32
      %add3A_29 = arith.constant 0 : i32
      %add3A_30 = arith.addi %add3A_29, %mul3A_28 : i32
      %broadcast_in_dim3A = arith.constant 0.000000e+00 : f32
      %broadcast_in_dim3A_31 = vector.broadcast %broadcast_in_dim3A : f32 to vector<1x16xf32>
      %swap3A = arith.index_cast %add3A_30 : i32 to index
      %swap3A_32 = arith.constant 0 : index
      %swap3A_33 = tpu.vector_load %arg6[%swap3A, %swap3A_32] {strides = array<i32>} : memref<128x128xf32, #tpu.memory_space<vmem>>, vector<1x16xf32>,
      %swap3A_34 = vector.shape_cast %swap3A_33 : vector<1x16xf32> to vector<1x16xf32>
      %swap3A_35 = vector.shape_cast %broadcast_in_dim3A_31 : vector<1x16xf32> to vector<1x16xf32>
      tpu.vector_store %arg6[%swap3A, %swap3A_32], %swap3A_35 {strides = array<i32>} : memref<128x128xf32, #tpu.memory_space<vmem>>, vector<1x16xf32>,
      %broadcast_in_dim3A_36 = arith.constant 0.000000e+00 : f32
      %broadcast_in_dim3A_37 = vector.broadcast %broadcast_in_dim3A_36 : f32 to vector<1x16xf32>
      %swap3A_38 = arith.index_cast %add3A_30 : i32 to index
      %swap3A_39 = arith.constant 16 : index
      %swap3A_40 = tpu.vector_load %arg6[%swap3A_38, %swap3A_39] {strides = array<i32>} : memref<128x128xf32, #tpu.memory_space<vmem>>, vector<1x16xf32>,
      %swap3A_41 = vector.shape_cast %swap3A_40 : vector<1x16xf32> to vector<1x16xf32>
      %swap3A_42 = vector.shape_cast %broadcast_in_dim3A_37 : vector<1x16xf32> to vector<1x16xf32>
      tpu.vector_store %arg6[%swap3A_38, %swap3A_39], %swap3A_42 {strides = array<i32>} : memref<128x128xf32, #tpu.memory_space<vmem>>, vector<1x16xf32>,
      %broadcast_in_dim3A_43 = arith.constant 0.000000e+00 : f32
      %broadcast_in_dim3A_44 = vector.broadcast %broadcast_in_dim3A_43 : f32 to vector<1x16xf32>
      %swap3A_45 = arith.index_cast %add3A_30 : i32 to index
      %swap3A_46 = arith.constant 32 : index
      %swap3A_47 = tpu.vector_load %arg6[%swap3A_45, %swap3A_46] {strides = array<i32>} : memref<128x128xf32, #tpu.memory_space<vmem>>, vector<1x16xf32>,
      %swap3A_48 = vector.shape_cast %swap3A_47 : vector<1x16xf32> to vector<1x16xf32>
      %swap3A_49 = vector.shape_cast %broadcast_in_dim3A_44 : vector<1x16xf32> to vector<1x16xf32>
      tpu.vector_store %arg6[%swap3A_45, %swap3A_46], %swap3A_49 {strides = array<i32>} : memref<128x128xf32, #tpu.memory_space<vmem>>, vector<1x16xf32>,
      %broadcast_in_dim3A_50 = arith.constant 0.000000e+00 : f32
      %broadcast_in_dim3A_51 = vector.broadcast %broadcast_in_dim3A_50 : f32 to vector<1x16xf32>
      %swap3A_52 = arith.index_cast %add3A_30 : i32 to index
      %swap3A_53 = arith.constant 48 : index
      %swap3A_54 = tpu.vector_load %arg6[%swap3A_52, %swap3A_53] {strides = array<i32>} : memref<128x128xf32, #tpu.memory_space<vmem>>, vector<1x16xf32>,
      %swap3A_55 = vector.shape_cast %swap3A_54 : vector<1x16xf32> to vector<1x16xf32>
      %swap3A_56 = vector.shape_cast %broadcast_in_dim3A_51 : vector<1x16xf32> to vector<1x16xf32>
      tpu.vector_store %arg6[%swap3A_52, %swap3A_53], %swap3A_56 {strides = array<i32>} : memref<128x128xf32, #tpu.memory_space<vmem>>, vector<1x16xf32>,
      %broadcast_in_dim3A_57 = arith.constant 0.000000e+00 : f32
      %broadcast_in_dim3A_58 = vector.broadcast %broadcast_in_dim3A_57 : f32 to vector<1x16xf32>
      %swap3A_59 = arith.index_cast %add3A_30 : i32 to index
      %swap3A_60 = arith.constant 64 : index
      %swap3A_61 = tpu.vector_load %arg6[%swap3A_59, %swap3A_60] {strides = array<i32>} : memref<128x128xf32, #tpu.memory_space<vmem>>, vector<1x16xf32>,
      %swap3A_62 = vector.shape_cast %swap3A_61 : vector<1x16xf32> to vector<1x16xf32>
      %swap3A_63 = vector.shape_cast %broadcast_in_dim3A_58 : vector<1x16xf32> to vector<1x16xf32>
      tpu.vector_store %arg6[%swap3A_59, %swap3A_60], %swap3A_63 {strides = array<i32>} : memref<128x128xf32, #tpu.memory_space<vmem>>, vector<1x16xf32>,
      %broadcast_in_dim3A_64 = arith.constant 0.000000e+00 : f32
      %broadcast_in_dim3A_65 = vector.broadcast %broadcast_in_dim3A_64 : f32 to vector<1x16xf32>
      %swap3A_66 = arith.index_cast %add3A_30 : i32 to index
      %swap3A_67 = arith.constant 80 : index
      %swap3A_68 = tpu.vector_load %arg6[%swap3A_66, %swap3A_67] {strides = array<i32>} : memref<128x128xf32, #tpu.memory_space<vmem>>, vector<1x16xf32>,
      %swap3A_69 = vector.shape_cast %swap3A_68 : vector<1x16xf32> to vector<1x16xf32>
      %swap3A_70 = vector.shape_cast %broadcast_in_dim3A_65 : vector<1x16xf32> to vector<1x16xf32>
      tpu.vector_store %arg6[%swap3A_66, %swap3A_67], %swap3A_70 {strides = array<i32>} : memref<128x128xf32, #tpu.memory_space<vmem>>, vector<1x16xf32>,
      %broadcast_in_dim3A_71 = arith.constant 0.000000e+00 : f32
      %broadcast_in_dim3A_72 = vector.broadcast %broadcast_in_dim3A_71 : f32 to vector<1x16xf32>
      %swap3A_73 = arith.index_cast %add3A_30 : i32 to index
      %swap3A_74 = arith.constant 96 : index
      %swap3A_75 = tpu.vector_load %arg6[%swap3A_73, %swap3A_74] {strides = array<i32>} : memref<128x128xf32, #tpu.memory_space<vmem>>, vector<1x16xf32>,
      %swap3A_76 = vector.shape_cast %swap3A_75 : vector<1x16xf32> to vector<1x16xf32>
      %swap3A_77 = vector.shape_cast %broadcast_in_dim3A_72 : vector<1x16xf32> to vector<1x16xf32>
      tpu.vector_store %arg6[%swap3A_73, %swap3A_74], %swap3A_77 {strides = array<i32>} : memref<128x128xf32, #tpu.memory_space<vmem>>, vector<1x16xf32>,
      %broadcast_in_dim3A_78 = arith.constant 0.000000e+00 : f32
      %broadcast_in_dim3A_79 = vector.broadcast %broadcast_in_dim3A_78 : f32 to vector<1x16xf32>
      %swap3A_80 = arith.index_cast %add3A_30 : i32 to index
      %swap3A_81 = arith.constant 112 : index
      %swap3A_82 = tpu.vector_load %arg6[%swap3A_80, %swap3A_81] {strides = array<i32>} : memref<128x128xf32, #tpu.memory_space<vmem>>, vector<1x16xf32>,
      %swap3A_83 = vector.shape_cast %swap3A_82 : vector<1x16xf32> to vector<1x16xf32>
      %swap3A_84 = vector.shape_cast %broadcast_in_dim3A_79 : vector<1x16xf32> to vector<1x16xf32>
      tpu.vector_store %arg6[%swap3A_80, %swap3A_81], %swap3A_84 {strides = array<i32>} : memref<128x128xf32, #tpu.memory_space<vmem>>, vector<1x16xf32>,
      %broadcast_in_dim3A_85 = arith.constant 0.000000e+00 : f32
      %broadcast_in_dim3A_86 = vector.broadcast %broadcast_in_dim3A_85 : f32 to vector<1x16xf32>
      %swap3A_87 = arith.index_cast %add3A_30 : i32 to index
      %swap3A_88 = arith.constant 0 : index
      %swap3A_89 = tpu.vector_load %arg7[%swap3A_87, %swap3A_88] {strides = array<i32>} : memref<128x128xf32, #tpu.memory_space<vmem>>, vector<1x16xf32>,
      %swap3A_90 = vector.shape_cast %swap3A_89 : vector<1x16xf32> to vector<1x16xf32>
      %swap3A_91 = vector.shape_cast %broadcast_in_dim3A_86 : vector<1x16xf32> to vector<1x16xf32>
      tpu.vector_store %arg7[%swap3A_87, %swap3A_88], %swap3A_91 {strides = array<i32>} : memref<128x128xf32, #tpu.memory_space<vmem>>, vector<1x16xf32>,
      %broadcast_in_dim3A_92 = arith.constant 0.000000e+00 : f32
      %broadcast_in_dim3A_93 = vector.broadcast %broadcast_in_dim3A_92 : f32 to vector<1x16xf32>
      %swap3A_94 = arith.index_cast %add3A_30 : i32 to index
      %swap3A_95 = arith.constant 16 : index
      %swap3A_96 = tpu.vector_load %arg7[%swap3A_94, %swap3A_95] {strides = array<i32>} : memref<128x128xf32, #tpu.memory_space<vmem>>, vector<1x16xf32>,
      %swap3A_97 = vector.shape_cast %swap3A_96 : vector<1x16xf32> to vector<1x16xf32>
      %swap3A_98 = vector.shape_cast %broadcast_in_dim3A_93 : vector<1x16xf32> to vector<1x16xf32>
      tpu.vector_store %arg7[%swap3A_94, %swap3A_95], %swap3A_98 {strides = array<i32>} : memref<128x128xf32, #tpu.memory_space<vmem>>, vector<1x16xf32>,
      %broadcast_in_dim3A_99 = arith.constant 0.000000e+00 : f32
      %broadcast_in_dim3A_100 = vector.broadcast %broadcast_in_dim3A_99 : f32 to vector<1x16xf32>
      %swap3A_101 = arith.index_cast %add3A_30 : i32 to index
      %swap3A_102 = arith.constant 32 : index
      %swap3A_103 = tpu.vector_load %arg7[%swap3A_101, %swap3A_102] {strides = array<i32>} : memref<128x128xf32, #tpu.memory_space<vmem>>, vector<1x16xf32>,
      %swap3A_104 = vector.shape_cast %swap3A_103 : vector<1x16xf32> to vector<1x16xf32>
      %swap3A_105 = vector.shape_cast %broadcast_in_dim3A_100 : vector<1x16xf32> to vector<1x16xf32>
      tpu.vector_store %arg7[%swap3A_101, %swap3A_102], %swap3A_105 {strides = array<i32>} : memref<128x128xf32, #tpu.memory_space<vmem>>, vector<1x16xf32>,
      %broadcast_in_dim3A_106 = arith.constant 0.000000e+00 : f32
      %broadcast_in_dim3A_107 = vector.broadcast %broadcast_in_dim3A_106 : f32 to vector<1x16xf32>
      %swap3A_108 = arith.index_cast %add3A_30 : i32 to index
      %swap3A_109 = arith.constant 48 : index
      %swap3A_110 = tpu.vector_load %arg7[%swap3A_108, %swap3A_109] {strides = array<i32>} : memref<128x128xf32, #tpu.memory_space<vmem>>, vector<1x16xf32>,
      %swap3A_111 = vector.shape_cast %swap3A_110 : vector<1x16xf32> to vector<1x16xf32>
      %swap3A_112 = vector.shape_cast %broadcast_in_dim3A_107 : vector<1x16xf32> to vector<1x16xf32>
      tpu.vector_store %arg7[%swap3A_108, %swap3A_109], %swap3A_112 {strides = array<i32>} : memref<128x128xf32, #tpu.memory_space<vmem>>, vector<1x16xf32>,
      %broadcast_in_dim3A_113 = arith.constant 0.000000e+00 : f32
      %broadcast_in_dim3A_114 = vector.broadcast %broadcast_in_dim3A_113 : f32 to vector<1x16xf32>
      %swap3A_115 = arith.index_cast %add3A_30 : i32 to index
      %swap3A_116 = arith.constant 64 : index
      %swap3A_117 = tpu.vector_load %arg7[%swap3A_115, %swap3A_116] {strides = array<i32>} : memref<128x128xf32, #tpu.memory_space<vmem>>, vector<1x16xf32>,
      %swap3A_118 = vector.shape_cast %swap3A_117 : vector<1x16xf32> to vector<1x16xf32>
      %swap3A_119 = vector.shape_cast %broadcast_in_dim3A_114 : vector<1x16xf32> to vector<1x16xf32>
      tpu.vector_store %arg7[%swap3A_115, %swap3A_116], %swap3A_119 {strides = array<i32>} : memref<128x128xf32, #tpu.memory_space<vmem>>, vector<1x16xf32>,
      %broadcast_in_dim3A_120 = arith.constant 0.000000e+00 : f32
      %broadcast_in_dim3A_121 = vector.broadcast %broadcast_in_dim3A_120 : f32 to vector<1x16xf32>
      %swap3A_122 = arith.index_cast %add3A_30 : i32 to index
      %swap3A_123 = arith.constant 80 : index
      %swap3A_124 = tpu.vector_load %arg7[%swap3A_122, %swap3A_123] {strides = array<i32>} : memref<128x128xf32, #tpu.memory_space<vmem>>, vector<1x16xf32>,
      %swap3A_125 = vector.shape_cast %swap3A_124 : vector<1x16xf32> to vector<1x16xf32>
      %swap3A_126 = vector.shape_cast %broadcast_in_dim3A_121 : vector<1x16xf32> to vector<1x16xf32>
      tpu.vector_store %arg7[%swap3A_122, %swap3A_123], %swap3A_126 {strides = array<i32>} : memref<128x128xf32, #tpu.memory_space<vmem>>, vector<1x16xf32>,
      %broadcast_in_dim3A_127 = arith.constant 0.000000e+00 : f32
      %broadcast_in_dim3A_128 = vector.broadcast %broadcast_in_dim3A_127 : f32 to vector<1x16xf32>
      %swap3A_129 = arith.index_cast %add3A_30 : i32 to index
      %swap3A_130 = arith.constant 96 : index
      %swap3A_131 = tpu.vector_load %arg7[%swap3A_129, %swap3A_130] {strides = array<i32>} : memref<128x128xf32, #tpu.memory_space<vmem>>, vector<1x16xf32>,
      %swap3A_132 = vector.shape_cast %swap3A_131 : vector<1x16xf32> to vector<1x16xf32>
      %swap3A_133 = vector.shape_cast %broadcast_in_dim3A_128 : vector<1x16xf32> to vector<1x16xf32>
      tpu.vector_store %arg7[%swap3A_129, %swap3A_130], %swap3A_133 {strides = array<i32>} : memref<128x128xf32, #tpu.memory_space<vmem>>, vector<1x16xf32>,
      %broadcast_in_dim3A_134 = arith.constant 0.000000e+00 : f32
      %broadcast_in_dim3A_135 = vector.broadcast %broadcast_in_dim3A_134 : f32 to vector<1x16xf32>
      %swap3A_136 = arith.index_cast %add3A_30 : i32 to index
      %swap3A_137 = arith.constant 112 : index
      %swap3A_138 = tpu.vector_load %arg7[%swap3A_136, %swap3A_137] {strides = array<i32>} : memref<128x128xf32, #tpu.memory_space<vmem>>, vector<1x16xf32>,
      %swap3A_139 = vector.shape_cast %swap3A_138 : vector<1x16xf32> to vector<1x16xf32>
      %swap3A_140 = vector.shape_cast %broadcast_in_dim3A_135 : vector<1x16xf32> to vector<1x16xf32>
      tpu.vector_store %arg7[%swap3A_136, %swap3A_137], %swap3A_140 {strides = array<i32>} : memref<128x128xf32, #tpu.memory_space<vmem>>, vector<1x16xf32>,
    }
    %scan3A_3 = arith.constant 128 : i32
    %mul3A = arith.constant 632 : i32
    %mul3A_4 = arith.muli %arg1, %mul3A : i32
    %add3A = arith.constant 0 : i32
    %add3A_5 = arith.addi %mul3A_4, %add3A : i32
    "tpu.region"() ({
      %run_scoped3A = tpu.sem_alloc : memref<!tpu.dma_semaphore, #tpu.memory_space<semaphore_mem>>
      %dma_start3A = arith.constant 0 : i32
      %dma_start3A_26 = tpu.memref_slice %arg5[%add3A_5, %dma_start3A] : memref<10112x128xf32, #tpu.memory_space<vmem_shared>> -> memref<128x128xf32, #tpu.memory_space<vmem_shared>>
      %dma_start3A_27 = arith.constant 0 : i32
      %dma_start3A_28 = tpu.memref_slice %arg5[%add3A_5, %dma_start3A_27] : memref<10112x128xf32, #tpu.memory_space<vmem_shared>> -> memref<128x128xf32, #tpu.memory_space<vmem_shared>>
      tpu.enqueue_dma source(%arg6 : memref<128x128xf32, #tpu.memory_space<vmem>>) target(%dma_start3A_28 : memref<128x128xf32, #tpu.memory_space<vmem_shared>>) target_semaphore(%run_scoped3A : memref<!tpu.dma_semaphore, #tpu.memory_space<semaphore_mem>>)
      %dma_wait3A = arith.constant 0 : i32
      %dma_wait3A_29 = tpu.memref_slice %arg5[%add3A_5, %dma_wait3A] : memref<10112x128xf32, #tpu.memory_space<vmem_shared>> -> memref<128x128xf32, #tpu.memory_space<vmem_shared>>
      %dma_wait3A_30 = arith.constant 0 : i32
      %dma_wait3A_31 = tpu.memref_slice %arg5[%add3A_5, %dma_wait3A_30] : memref<10112x128xf32, #tpu.memory_space<vmem_shared>> -> memref<128x128xf32, #tpu.memory_space<vmem_shared>>
      tpu.wait_dma2 semaphore(%run_scoped3A : memref<!tpu.dma_semaphore, #tpu.memory_space<semaphore_mem>>) src(%arg6 : memref<128x128xf32, #tpu.memory_space<vmem>>) dst(%dma_wait3A_31 : memref<128x128xf32, #tpu.memory_space<vmem_shared>>)
      tpu.yield
    }) : () -> ()
    %add3A_6 = arith.constant 128 : i32
    %add3A_7 = arith.addi %mul3A_4, %add3A_6 : i32
    "tpu.region"() ({
      %run_scoped3A = tpu.sem_alloc : memref<!tpu.dma_semaphore, #tpu.memory_space<semaphore_mem>>
      %dma_start3A = arith.constant 0 : i32
      %dma_start3A_26 = tpu.memref_slice %arg5[%add3A_7, %dma_start3A] : memref<10112x128xf32, #tpu.memory_space<vmem_shared>> -> memref<128x128xf32, #tpu.memory_space<vmem_shared>>
      %dma_start3A_27 = arith.constant 0 : i32
      %dma_start3A_28 = tpu.memref_slice %arg5[%add3A_7, %dma_start3A_27] : memref<10112x128xf32, #tpu.memory_space<vmem_shared>> -> memref<128x128xf32, #tpu.memory_space<vmem_shared>>
      tpu.enqueue_dma source(%arg7 : memref<128x128xf32, #tpu.memory_space<vmem>>) target(%dma_start3A_28 : memref<128x128xf32, #tpu.memory_space<vmem_shared>>) target_semaphore(%run_scoped3A : memref<!tpu.dma_semaphore, #tpu.memory_space<semaphore_mem>>)
      %dma_wait3A = arith.constant 0 : i32
      %dma_wait3A_29 = tpu.memref_slice %arg5[%add3A_7, %dma_wait3A] : memref<10112x128xf32, #tpu.memory_space<vmem_shared>> -> memref<128x128xf32, #tpu.memory_space<vmem_shared>>
      %dma_wait3A_30 = arith.constant 0 : i32
      %dma_wait3A_31 = tpu.memref_slice %arg5[%add3A_7, %dma_wait3A_30] : memref<10112x128xf32, #tpu.memory_space<vmem_shared>> -> memref<128x128xf32, #tpu.memory_space<vmem_shared>>
      tpu.wait_dma2 semaphore(%run_scoped3A : memref<!tpu.dma_semaphore, #tpu.memory_space<semaphore_mem>>) src(%arg7 : memref<128x128xf32, #tpu.memory_space<vmem>>) dst(%dma_wait3A_31 : memref<128x128xf32, #tpu.memory_space<vmem_shared>>)
      tpu.yield
    }) : () -> ()
    %add3A_8 = arith.constant 256 : i32
    %add3A_9 = arith.addi %mul3A_4, %add3A_8 : i32
    "tpu.region"() ({
      %run_scoped3A = tpu.sem_alloc : memref<!tpu.dma_semaphore, #tpu.memory_space<semaphore_mem>>
      %dma_start3A = arith.constant 0 : i32
      %dma_start3A_26 = tpu.memref_slice %arg5[%add3A_9, %dma_start3A] : memref<10112x128xf32, #tpu.memory_space<vmem_shared>> -> memref<128x128xf32, #tpu.memory_space<vmem_shared>>
      %dma_start3A_27 = arith.constant 0 : i32
      %dma_start3A_28 = tpu.memref_slice %arg5[%add3A_9, %dma_start3A_27] : memref<10112x128xf32, #tpu.memory_space<vmem_shared>> -> memref<128x128xf32, #tpu.memory_space<vmem_shared>>
      tpu.enqueue_dma source(%arg6 : memref<128x128xf32, #tpu.memory_space<vmem>>) target(%dma_start3A_28 : memref<128x128xf32, #tpu.memory_space<vmem_shared>>) target_semaphore(%run_scoped3A : memref<!tpu.dma_semaphore, #tpu.memory_space<semaphore_mem>>)
      %dma_wait3A = arith.constant 0 : i32
      %dma_wait3A_29 = tpu.memref_slice %arg5[%add3A_9, %dma_wait3A] : memref<10112x128xf32, #tpu.memory_space<vmem_shared>> -> memref<128x128xf32, #tpu.memory_space<vmem_shared>>
      %dma_wait3A_30 = arith.constant 0 : i32
      %dma_wait3A_31 = tpu.memref_slice %arg5[%add3A_9, %dma_wait3A_30] : memref<10112x128xf32, #tpu.memory_space<vmem_shared>> -> memref<128x128xf32, #tpu.memory_space<vmem_shared>>
      tpu.wait_dma2 semaphore(%run_scoped3A : memref<!tpu.dma_semaphore, #tpu.memory_space<semaphore_mem>>) src(%arg6 : memref<128x128xf32, #tpu.memory_space<vmem>>) dst(%dma_wait3A_31 : memref<128x128xf32, #tpu.memory_space<vmem_shared>>)
      tpu.yield
    }) : () -> ()
    %add3A_10 = arith.constant 384 : i32
    %add3A_11 = arith.addi %mul3A_4, %add3A_10 : i32
    "tpu.region"() ({
      %run_scoped3A = tpu.sem_alloc : memref<!tpu.dma_semaphore, #tpu.memory_space<semaphore_mem>>
      %dma_start3A = arith.constant 0 : i32
      %dma_start3A_26 = tpu.memref_slice %arg5[%add3A_11, %dma_start3A] : memref<10112x128xf32, #tpu.memory_space<vmem_shared>> -> memref<128x128xf32, #tpu.memory_space<vmem_shared>>
      %dma_start3A_27 = arith.constant 0 : i32
      %dma_start3A_28 = tpu.memref_slice %arg5[%add3A_11, %dma_start3A_27] : memref<10112x128xf32, #tpu.memory_space<vmem_shared>> -> memref<128x128xf32, #tpu.memory_space<vmem_shared>>
      tpu.enqueue_dma source(%arg7 : memref<128x128xf32, #tpu.memory_space<vmem>>) target(%dma_start3A_28 : memref<128x128xf32, #tpu.memory_space<vmem_shared>>) target_semaphore(%run_scoped3A : memref<!tpu.dma_semaphore, #tpu.memory_space<semaphore_mem>>)
      %dma_wait3A = arith.constant 0 : i32
      %dma_wait3A_29 = tpu.memref_slice %arg5[%add3A_11, %dma_wait3A] : memref<10112x128xf32, #tpu.memory_space<vmem_shared>> -> memref<128x128xf32, #tpu.memory_space<vmem_shared>>
      %dma_wait3A_30 = arith.constant 0 : i32
      %dma_wait3A_31 = tpu.memref_slice %arg5[%add3A_11, %dma_wait3A_30] : memref<10112x128xf32, #tpu.memory_space<vmem_shared>> -> memref<128x128xf32, #tpu.memory_space<vmem_shared>>
      tpu.wait_dma2 semaphore(%run_scoped3A : memref<!tpu.dma_semaphore, #tpu.memory_space<semaphore_mem>>) src(%arg7 : memref<128x128xf32, #tpu.memory_space<vmem>>) dst(%dma_wait3A_31 : memref<128x128xf32, #tpu.memory_space<vmem_shared>>)
      tpu.yield
    }) : () -> ()
    %add3A_12 = arith.constant 512 : i32
    %add3A_13 = arith.addi %mul3A_4, %add3A_12 : i32
    "tpu.region"() ({
      %run_scoped3A = tpu.sem_alloc : memref<!tpu.dma_semaphore, #tpu.memory_space<semaphore_mem>>
      %dma_start3A = arith.constant 0 : i32
      %dma_start3A_26 = arith.constant 0 : i32
      %dma_start3A_27 = tpu.memref_slice %arg6[%dma_start3A, %dma_start3A_26] : memref<128x128xf32, #tpu.memory_space<vmem>> -> memref<120x128xf32, #tpu.memory_space<vmem>>
      %dma_start3A_28 = arith.constant 0 : i32
      %dma_start3A_29 = tpu.memref_slice %arg5[%add3A_13, %dma_start3A_28] : memref<10112x128xf32, #tpu.memory_space<vmem_shared>> -> memref<120x128xf32, #tpu.memory_space<vmem_shared>>
      %dma_start3A_30 = arith.constant 0 : i32
      %dma_start3A_31 = tpu.memref_slice %arg5[%add3A_13, %dma_start3A_30] : memref<10112x128xf32, #tpu.memory_space<vmem_shared>> -> memref<120x128xf32, #tpu.memory_space<vmem_shared>>
      %dma_start3A_32 = arith.constant 0 : i32
      %dma_start3A_33 = arith.constant 0 : i32
      %dma_start3A_34 = tpu.memref_slice %arg6[%dma_start3A_32, %dma_start3A_33] : memref<128x128xf32, #tpu.memory_space<vmem>> -> memref<120x128xf32, #tpu.memory_space<vmem>>
      tpu.enqueue_dma source(%dma_start3A_34 : memref<120x128xf32, #tpu.memory_space<vmem>>) target(%dma_start3A_31 : memref<120x128xf32, #tpu.memory_space<vmem_shared>>) target_semaphore(%run_scoped3A : memref<!tpu.dma_semaphore, #tpu.memory_space<semaphore_mem>>)
      %dma_wait3A = arith.constant 0 : i32
      %dma_wait3A_35 = arith.constant 0 : i32
      %dma_wait3A_36 = tpu.memref_slice %arg6[%dma_wait3A, %dma_wait3A_35] : memref<128x128xf32, #tpu.memory_space<vmem>> -> memref<120x128xf32, #tpu.memory_space<vmem>>
      %dma_wait3A_37 = arith.constant 0 : i32
      %dma_wait3A_38 = tpu.memref_slice %arg5[%add3A_13, %dma_wait3A_37] : memref<10112x128xf32, #tpu.memory_space<vmem_shared>> -> memref<120x128xf32, #tpu.memory_space<vmem_shared>>
      %dma_wait3A_39 = arith.constant 0 : i32
      %dma_wait3A_40 = tpu.memref_slice %arg5[%add3A_13, %dma_wait3A_39] : memref<10112x128xf32, #tpu.memory_space<vmem_shared>> -> memref<120x128xf32, #tpu.memory_space<vmem_shared>>
      %dma_wait3A_41 = arith.constant 0 : i32
      %dma_wait3A_42 = arith.constant 0 : i32
      %dma_wait3A_43 = tpu.memref_slice %arg6[%dma_wait3A_41, %dma_wait3A_42] : memref<128x128xf32, #tpu.memory_space<vmem>> -> memref<120x128xf32, #tpu.memory_space<vmem>>
      tpu.wait_dma2 semaphore(%run_scoped3A : memref<!tpu.dma_semaphore, #tpu.memory_space<semaphore_mem>>) src(%dma_wait3A_43 : memref<120x128xf32, #tpu.memory_space<vmem>>) dst(%dma_wait3A_40 : memref<120x128xf32, #tpu.memory_space<vmem_shared>>)
      tpu.yield
    }) : () -> ()
    %barrier3A = arith.constant 0 : index
    tpu.barrier barrier_id(%barrier3A)
    %mul3A_14 = arith.constant 1 : i32
    %mul3A_15 = arith.muli %arg1, %mul3A_14 : i32
    %add3A_16 = arith.constant 0 : i32
    %add3A_17 = arith.addi %add3A_16, %mul3A_15 : i32
    %mul3A_18 = arith.constant 16 : i32
    %mul3A_19 = arith.muli %arg0, %mul3A_18 : i32
    %add3A_20 = arith.addi %add3A_17, %mul3A_19 : i32
    %mul3A_21 = arith.constant 1 : i32
    %mul3A_22 = arith.muli %add3A_20, %mul3A_21 : i32
    "tpu.region"() ({
      %run_scoped3A = memref.alloca() : memref<2x1x1x1x20x128xi32, #tpu.memory_space<vmem>>
      %run_scoped3A_26 = tpu.sem_alloc : memref<2x!tpu.dma_semaphore, #tpu.memory_space<semaphore_mem>>
      %run_scoped3A_27 = memref.alloca() : memref<2x1x1x1x20x128xi32, #tpu.memory_space<vmem>>
      %run_scoped3A_28 = tpu.sem_alloc : memref<2x!tpu.dma_semaphore, #tpu.memory_space<semaphore_mem>>
      %add3A_29 = arith.constant 0 : i32
      %add3A_30 = arith.addi %add3A_29, %mul3A_22 : i32
      %select_n3A = arith.constant true
      %select_n3A_31 = arith.constant 0 : i32
      %select_n3A_32 = arith.constant -1 : i32
      %select_n3A_33 = arith.select %select_n3A, %select_n3A_32, %select_n3A_31 : i32
      %eq3A = arith.constant -1 : i32
      %eq3A_34 = arith.cmpi eq, %select_n3A_33, %eq3A : i32
      %select_n3A_35 = arith.constant 3 : i32
      %select_n3A_36 = arith.select %eq3A_34, %select_n3A_35, %select_n3A_33 : i32
      %select_n3A_37 = arith.constant 0 : i32
      %select_n3A_38 = arith.constant -1 : i32
      %select_n3A_39 = arith.select %eq3A_34, %select_n3A_38, %select_n3A_37 : i32
      %eq3A_40 = arith.constant -1 : i32
      %eq3A_41 = arith.cmpi eq, %select_n3A_39, %eq3A_40 : i32
      %select_n3A_42 = arith.constant 0 : i32
      %select_n3A_43 = arith.select %eq3A_41, %select_n3A_42, %select_n3A_39 : i32
      %add3A_44 = arith.constant 0 : i32
      %add3A_45 = arith.addi %add3A_44, %mul3A_22 : i32
      %add3A_46 = arith.constant 0 : i32
      %add3A_47 = arith.addi %select_n3A_36, %add3A_46 : i32
      %select_n3A_48 = arith.constant true
      %select_n3A_49 = arith.constant 0 : i32
      %select_n3A_50 = arith.constant 1 : i32
      %select_n3A_51 = arith.select %select_n3A_48, %select_n3A_50, %select_n3A_49 : i32
      %eq3A_52 = arith.constant 4 : i32
      %eq3A_53 = arith.cmpi eq, %select_n3A_51, %eq3A_52 : i32
      %select_n3A_54 = arith.constant 0 : i32
      %select_n3A_55 = arith.select %eq3A_53, %select_n3A_54, %select_n3A_51 : i32
      %select_n3A_56 = arith.constant 0 : i32
      %select_n3A_57 = arith.constant 1 : i32
      %select_n3A_58 = arith.select %eq3A_53, %select_n3A_57, %select_n3A_56 : i32
      %eq3A_59 = arith.constant 1 : i32
      %eq3A_60 = arith.cmpi eq, %select_n3A_58, %eq3A_59 : i32
      %select_n3A_61 = arith.constant 0 : i32
      %select_n3A_62 = arith.select %eq3A_60, %select_n3A_61, %select_n3A_58 : i32
      %add3A_63 = arith.constant 0 : i32
      %add3A_64 = arith.addi %add3A_63, %mul3A_22 : i32
      %add3A_65 = arith.constant 0 : i32
      %add3A_66 = arith.addi %select_n3A_55, %add3A_65 : i32
      %add3A_67 = arith.constant 1 : i32
      %add3A_68 = arith.addi %select_n3A_55, %add3A_67 : i32
      %select_n3A_69 = arith.constant true
      %select_n3A_70 = arith.select %select_n3A_69, %add3A_68, %select_n3A_55 : i32
      %eq3A_71 = arith.constant 4 : i32
      %eq3A_72 = arith.cmpi eq, %select_n3A_70, %eq3A_71 : i32
      %select_n3A_73 = arith.constant 0 : i32
      %select_n3A_74 = arith.select %eq3A_72, %select_n3A_73, %select_n3A_70 : i32
      %select_n3A_75 = arith.constant 0 : i32
      %select_n3A_76 = arith.constant 1 : i32
      %select_n3A_77 = arith.select %eq3A_72, %select_n3A_76, %select_n3A_75 : i32
      %eq3A_78 = arith.constant 1 : i32
      %eq3A_79 = arith.cmpi eq, %select_n3A_77, %eq3A_78 : i32
      %select_n3A_80 = arith.constant 0 : i32
      %select_n3A_81 = arith.select %eq3A_79, %select_n3A_80, %select_n3A_77 : i32
      %add3A_82 = arith.constant 0 : i32
      %add3A_83 = arith.addi %add3A_82, %mul3A_22 : i32
      %add3A_84 = arith.constant 0 : i32
      %add3A_85 = arith.addi %select_n3A_74, %add3A_84 : i32
      "tpu.trace_start"() <{level = 10 : i32, message = "ep_initialize_0"}> : () -> ()
      %rem3A = arith.constant 0 : i32
      %rem3A_86 = arith.constant 2 : i32
      %rem3A_87 = arith.remui %rem3A, %rem3A_86 : i32
      %mul3A_88 = arith.constant 1 : i32
      %mul3A_89 = arith.muli %mul3A_88, %add3A_30 : i32
      %dma_start3A = arith.constant 0 : i32
      %dma_start3A_90 = arith.constant 0 : i32
      %dma_start3A_91 = arith.constant 0 : i32
      %dma_start3A_92 = arith.constant 0 : i32
      %dma_start3A_93 = arith.constant 0 : i32
      %dma_start3A_94 = tpu.memref_slice %run_scoped3A[%rem3A_87, %dma_start3A, %dma_start3A_90, %dma_start3A_91, %dma_start3A_92, %dma_start3A_93] : memref<2x1x1x1x20x128xi32, #tpu.memory_space<vmem>> -> memref<1x1x1x1x20x128xi32, #tpu.memory_space<vmem>>
      %dma_start3A_95 = tpu.memref_squeeze %dma_start3A_94 : memref<1x1x1x1x20x128xi32, #tpu.memory_space<vmem>> -> memref<1x1x1x20x128xi32, #tpu.memory_space<vmem>>
      %dma_start3A_96 = arith.constant 0 : i32
      %dma_start3A_97 = arith.constant 0 : i32
      %dma_start3A_98 = arith.constant 0 : i32
      %dma_start3A_99 = arith.constant 0 : i32
      %dma_start3A_100 = tpu.memref_slice %arg3[%dma_start3A_96, %mul3A_89, %dma_start3A_97, %dma_start3A_98, %dma_start3A_99] : memref<2x32x4x20x128xi32, #tpu.memory_space<hbm>> -> memref<1x1x1x20x128xi32, #tpu.memory_space<hbm>>
      %dma_start3A_101 = tpu.memref_slice %run_scoped3A_26[%rem3A_87] : memref<2x!tpu.dma_semaphore, #tpu.memory_space<semaphore_mem>> -> memref<1x!tpu.dma_semaphore, #tpu.memory_space<semaphore_mem>>
      %dma_start3A_102 = tpu.memref_squeeze %dma_start3A_101 : memref<1x!tpu.dma_semaphore, #tpu.memory_space<semaphore_mem>> -> memref<!tpu.dma_semaphore, #tpu.memory_space<semaphore_mem>>
      %dma_start3A_103 = arith.constant 0 : i32
      %dma_start3A_104 = arith.constant 0 : i32
      %dma_start3A_105 = arith.constant 0 : i32
      %dma_start3A_106 = arith.constant 0 : i32
      %dma_start3A_107 = arith.constant 0 : i32
      %dma_start3A_108 = tpu.memref_slice %run_scoped3A[%rem3A_87, %dma_start3A_103, %dma_start3A_104, %dma_start3A_105, %dma_start3A_106, %dma_start3A_107] : memref<2x1x1x1x20x128xi32, #tpu.memory_space<vmem>> -> memref<1x1x1x1x20x128xi32, #tpu.memory_space<vmem>>
      %dma_start3A_109 = tpu.memref_squeeze %dma_start3A_108 : memref<1x1x1x1x20x128xi32, #tpu.memory_space<vmem>> -> memref<1x1x1x20x128xi32, #tpu.memory_space<vmem>>
      %dma_start3A_110 = arith.constant 0 : i32
      %dma_start3A_111 = arith.constant 0 : i32
      %dma_start3A_112 = arith.constant 0 : i32
      %dma_start3A_113 = arith.constant 0 : i32
      %dma_start3A_114 = tpu.memref_slice %arg3[%dma_start3A_110, %mul3A_89, %dma_start3A_111, %dma_start3A_112, %dma_start3A_113] : memref<2x32x4x20x128xi32, #tpu.memory_space<hbm>> -> memref<1x1x1x20x128xi32, #tpu.memory_space<hbm>>
      tpu.enqueue_dma source(%dma_start3A_114 : memref<1x1x1x20x128xi32, #tpu.memory_space<hbm>>) target(%dma_start3A_109 : memref<1x1x1x20x128xi32, #tpu.memory_space<vmem>>) target_semaphore(%dma_start3A_102 : memref<!tpu.dma_semaphore, #tpu.memory_space<semaphore_mem>>)
      %add3A_115 = arith.constant 0 : i32
      %add3A_116 = arith.constant 1 : i32
      %add3A_117 = arith.addi %add3A_115, %add3A_116 : i32
      %select_n3A_118 = arith.constant true
      %select_n3A_119 = arith.constant 0 : i32
      %select_n3A_120 = arith.select %select_n3A_118, %add3A_117, %select_n3A_119 : i32
      %rem3A_121 = arith.constant 0 : i32
      %rem3A_122 = arith.constant 2 : i32
      %rem3A_123 = arith.remui %rem3A_121, %rem3A_122 : i32
      %mul3A_124 = arith.constant 1 : i32
      %mul3A_125 = arith.muli %mul3A_124, %add3A_30 : i32
      %dma_start3A_126 = arith.constant 0 : i32
      %dma_start3A_127 = arith.constant 0 : i32
      %dma_start3A_128 = arith.constant 0 : i32
      %dma_start3A_129 = arith.constant 0 : i32
      %dma_start3A_130 = arith.constant 0 : i32
      %dma_start3A_131 = tpu.memref_slice %run_scoped3A_27[%rem3A_123, %dma_start3A_126, %dma_start3A_127, %dma_start3A_128, %dma_start3A_129, %dma_start3A_130] : memref<2x1x1x1x20x128xi32, #tpu.memory_space<vmem>> -> memref<1x1x1x1x20x128xi32, #tpu.memory_space<vmem>>
      %dma_start3A_132 = tpu.memref_squeeze %dma_start3A_131 : memref<1x1x1x1x20x128xi32, #tpu.memory_space<vmem>> -> memref<1x1x1x20x128xi32, #tpu.memory_space<vmem>>
      %dma_start3A_133 = arith.constant 1 : i32
      %dma_start3A_134 = arith.constant 0 : i32
      %dma_start3A_135 = arith.constant 0 : i32
      %dma_start3A_136 = arith.constant 0 : i32
      %dma_start3A_137 = tpu.memref_slice %arg3[%dma_start3A_133, %mul3A_125, %dma_start3A_134, %dma_start3A_135, %dma_start3A_136] : memref<2x32x4x20x128xi32, #tpu.memory_space<hbm>> -> memref<1x1x1x20x128xi32, #tpu.memory_space<hbm>>
      %dma_start3A_138 = tpu.memref_slice %run_scoped3A_28[%rem3A_123] : memref<2x!tpu.dma_semaphore, #tpu.memory_space<semaphore_mem>> -> memref<1x!tpu.dma_semaphore, #tpu.memory_space<semaphore_mem>>
      %dma_start3A_139 = tpu.memref_squeeze %dma_start3A_138 : memref<1x!tpu.dma_semaphore, #tpu.memory_space<semaphore_mem>> -> memref<!tpu.dma_semaphore, #tpu.memory_space<semaphore_mem>>
      %dma_start3A_140 = arith.constant 0 : i32
      %dma_start3A_141 = arith.constant 0 : i32
      %dma_start3A_142 = arith.constant 0 : i32
      %dma_start3A_143 = arith.constant 0 : i32
      %dma_start3A_144 = arith.constant 0 : i32
      %dma_start3A_145 = tpu.memref_slice %run_scoped3A_27[%rem3A_123, %dma_start3A_140, %dma_start3A_141, %dma_start3A_142, %dma_start3A_143, %dma_start3A_144] : memref<2x1x1x1x20x128xi32, #tpu.memory_space<vmem>> -> memref<1x1x1x1x20x128xi32, #tpu.memory_space<vmem>>
      %dma_start3A_146 = tpu.memref_squeeze %dma_start3A_145 : memref<1x1x1x1x20x128xi32, #tpu.memory_space<vmem>> -> memref<1x1x1x20x128xi32, #tpu.memory_space<vmem>>
      %dma_start3A_147 = arith.constant 1 : i32
      %dma_start3A_148 = arith.constant 0 : i32
      %dma_start3A_149 = arith.constant 0 : i32
      %dma_start3A_150 = arith.constant 0 : i32
      %dma_start3A_151 = tpu.memref_slice %arg3[%dma_start3A_147, %mul3A_125, %dma_start3A_148, %dma_start3A_149, %dma_start3A_150] : memref<2x32x4x20x128xi32, #tpu.memory_space<hbm>> -> memref<1x1x1x20x128xi32, #tpu.memory_space<hbm>>
      tpu.enqueue_dma source(%dma_start3A_151 : memref<1x1x1x20x128xi32, #tpu.memory_space<hbm>>) target(%dma_start3A_146 : memref<1x1x1x20x128xi32, #tpu.memory_space<vmem>>) target_semaphore(%dma_start3A_139 : memref<!tpu.dma_semaphore, #tpu.memory_space<semaphore_mem>>)
      %add3A_152 = arith.constant 0 : i32
      %add3A_153 = arith.constant 1 : i32
      %add3A_154 = arith.addi %add3A_152, %add3A_153 : i32
      %select_n3A_155 = arith.constant true
      %select_n3A_156 = arith.constant 0 : i32
      %select_n3A_157 = arith.select %select_n3A_155, %add3A_154, %select_n3A_156 : i32
      "tpu.trace_stop"() : () -> ()
      %scan3A_158 = arith.constant 0 : i32
      %scan3A_159 = arith.constant 0 : i32
      %scan3A_160 = arith.constant 0 : i32
      %scan3A_161 = arith.constant 0 : i32
      %scan3A_162 = arith.constant 0 : i32
      %scan3A_163 = arith.constant 4 : i32
      %scan3A_164 = arith.addi %scan3A_162, %scan3A_163 : i32
      %scan3A_165 = arith.constant 1 : i32
      %scan3A_166:6 = scf.for %scan3A_243 = %scan3A_162 to %scan3A_164 step %scan3A_165 iter_args(%scan3A_244 = %select_n3A_120, %scan3A_245 = %scan3A_158, %scan3A_246 = %select_n3A_157, %scan3A_247 = %scan3A_159, %scan3A_248 = %scan3A_160, %scan3A_249 = %scan3A_161) -> (i32, i32, i32, i32, i32, i32)  : i32 {
        %eq3A_250 = arith.constant 0 : i32
        %eq3A_251 = arith.cmpi eq, %scan3A_243, %eq3A_250 : i32
        %eq3A_252 = arith.constant 3 : i32
        %eq3A_253 = arith.cmpi eq, %scan3A_243, %eq3A_252 : i32
        %add3A_254 = arith.constant 0 : i32
        %add3A_255 = arith.addi %add3A_254, %mul3A_22 : i32
        %add3A_256 = arith.constant 0 : i32
        %add3A_257 = arith.addi %scan3A_249, %add3A_256 : i32
        %sub3A_258 = arith.constant 1 : i32
        %sub3A_259 = arith.subi %scan3A_249, %sub3A_258 : i32
        %select_n3A_260 = arith.constant true
        %select_n3A_261 = arith.select %select_n3A_260, %sub3A_259, %scan3A_249 : i32
        %eq3A_262 = arith.constant -1 : i32
        %eq3A_263 = arith.cmpi eq, %select_n3A_261, %eq3A_262 : i32
        %select_n3A_264 = arith.constant 3 : i32
        %select_n3A_265 = arith.select %eq3A_263, %select_n3A_264, %select_n3A_261 : i32
        %select_n3A_266 = arith.constant 0 : i32
        %select_n3A_267 = arith.constant -1 : i32
        %select_n3A_268 = arith.select %eq3A_263, %select_n3A_267, %select_n3A_266 : i32
        %eq3A_269 = arith.constant -1 : i32
        %eq3A_270 = arith.cmpi eq, %select_n3A_268, %eq3A_269 : i32
        %select_n3A_271 = arith.constant 0 : i32
        %select_n3A_272 = arith.select %eq3A_270, %select_n3A_271, %select_n3A_268 : i32
        %add3A_273 = arith.constant 0 : i32
        %add3A_274 = arith.addi %add3A_273, %mul3A_22 : i32
        %add3A_275 = arith.constant 0 : i32
        %add3A_276 = arith.addi %select_n3A_265, %add3A_275 : i32
        %add3A_277 = arith.constant 1 : i32
        %add3A_278 = arith.addi %scan3A_249, %add3A_277 : i32
        %select_n3A_279 = arith.constant true
        %select_n3A_280 = arith.select %select_n3A_279, %add3A_278, %scan3A_249 : i32
        %eq3A_281 = arith.constant 4 : i32
        %eq3A_282 = arith.cmpi eq, %select_n3A_280, %eq3A_281 : i32
        %select_n3A_283 = arith.constant 0 : i32
        %select_n3A_284 = arith.select %eq3A_282, %select_n3A_283, %select_n3A_280 : i32
        %select_n3A_285 = arith.constant 0 : i32
        %select_n3A_286 = arith.constant 1 : i32
        %select_n3A_287 = arith.select %eq3A_282, %select_n3A_286, %select_n3A_285 : i32
        %eq3A_288 = arith.constant 1 : i32
        %eq3A_289 = arith.cmpi eq, %select_n3A_287, %eq3A_288 : i32
        %select_n3A_290 = arith.constant 0 : i32
        %select_n3A_291 = arith.select %eq3A_289, %select_n3A_290, %select_n3A_287 : i32
        %add3A_292 = arith.constant 0 : i32
        %add3A_293 = arith.addi %add3A_292, %mul3A_22 : i32
        %add3A_294 = arith.constant 0 : i32
        %add3A_295 = arith.addi %select_n3A_284, %add3A_294 : i32
        %add3A_296 = arith.constant 1 : i32
        %add3A_297 = arith.addi %select_n3A_284, %add3A_296 : i32
        %select_n3A_298 = arith.constant true
        %select_n3A_299 = arith.select %select_n3A_298, %add3A_297, %select_n3A_284 : i32
        %eq3A_300 = arith.constant 4 : i32
        %eq3A_301 = arith.cmpi eq, %select_n3A_299, %eq3A_300 : i32
        %select_n3A_302 = arith.constant 0 : i32
        %select_n3A_303 = arith.select %eq3A_301, %select_n3A_302, %select_n3A_299 : i32
        %select_n3A_304 = arith.constant 0 : i32
        %select_n3A_305 = arith.constant 1 : i32
        %select_n3A_306 = arith.select %eq3A_301, %select_n3A_305, %select_n3A_304 : i32
        %eq3A_307 = arith.constant 1 : i32
        %eq3A_308 = arith.cmpi eq, %select_n3A_306, %eq3A_307 : i32
        %select_n3A_309 = arith.constant 0 : i32
        %select_n3A_310 = arith.select %eq3A_308, %select_n3A_309, %select_n3A_306 : i32
        %add3A_311 = arith.constant 0 : i32
        %add3A_312 = arith.addi %add3A_311, %mul3A_22 : i32
        %add3A_313 = arith.constant 0 : i32
        %add3A_314 = arith.addi %select_n3A_303, %add3A_313 : i32
        %ne3A = arith.cmpi ne, %add3A_255, %add3A_293 : i32
        %ne3A_315 = arith.cmpi ne, %add3A_257, %add3A_295 : i32
        %or3A = arith.constant false
        %or3A_316 = arith.ori %or3A, %ne3A : i1
        %or3A_317 = arith.ori %or3A_316, %ne3A_315 : i1
        %or3A_318 = arith.constant false
        %or3A_319 = arith.ori %or3A_317, %or3A_318 : i1
        %or3A_320 = arith.constant false
        %or3A_321 = arith.ori %or3A_319, %or3A_320 : i1
        %ge3A = arith.constant 3 : i32
        %ge3A_322 = arith.cmpi sge, %scan3A_243, %ge3A : i32
        %not3A = arith.constant true
        %not3A_323 = arith.xori %ge3A_322, %not3A : i1
        %and3A = arith.andi %or3A_321, %not3A_323 : i1
        %convert_element_type3A = arith.extui %and3A : i1 to i32
        %cond3A = arith.constant 0 : i32
        %cond3A_324 = arith.cmpi ne, %convert_element_type3A, %cond3A : i32
        scf.if %cond3A_324 {
          "tpu.trace_start"() <{level = 10 : i32, message = "ep_copy_in"}> : () -> ()
          %rem3A_1847 = arith.constant 2 : i32
          %rem3A_1848 = arith.remui %scan3A_244, %rem3A_1847 : i32
          %mul3A_1849 = arith.constant 1 : i32
          %mul3A_1850 = arith.muli %mul3A_1849, %add3A_293 : i32
          %mul3A_1851 = arith.constant 1 : i32
          %mul3A_1852 = arith.muli %mul3A_1851, %add3A_295 : i32
          %dma_start3A_1853 = arith.constant 0 : i32
          %dma_start3A_1854 = arith.constant 0 : i32
          %dma_start3A_1855 = arith.constant 0 : i32
          %dma_start3A_1856 = arith.constant 0 : i32
          %dma_start3A_1857 = arith.constant 0 : i32
          %dma_start3A_1858 = tpu.memref_slice %run_scoped3A[%rem3A_1848, %dma_start3A_1853, %dma_start3A_1854, %dma_start3A_1855, %dma_start3A_1856, %dma_start3A_1857] : memref<2x1x1x1x20x128xi32, #tpu.memory_space<vmem>> -> memref<1x1x1x1x20x128xi32, #tpu.memory_space<vmem>>
          %dma_start3A_1859 = tpu.memref_squeeze %dma_start3A_1858 : memref<1x1x1x1x20x128xi32, #tpu.memory_space<vmem>> -> memref<1x1x1x20x128xi32, #tpu.memory_space<vmem>>
          %dma_start3A_1860 = arith.constant 0 : i32
          %dma_start3A_1861 = arith.constant 0 : i32
          %dma_start3A_1862 = arith.constant 0 : i32
          %dma_start3A_1863 = tpu.memref_slice %arg3[%dma_start3A_1860, %mul3A_1850, %mul3A_1852, %dma_start3A_1861, %dma_start3A_1862] : memref<2x32x4x20x128xi32, #tpu.memory_space<hbm>> -> memref<1x1x1x20x128xi32, #tpu.memory_space<hbm>>
          %dma_start3A_1864 = tpu.memref_slice %run_scoped3A_26[%rem3A_1848] : memref<2x!tpu.dma_semaphore, #tpu.memory_space<semaphore_mem>> -> memref<1x!tpu.dma_semaphore, #tpu.memory_space<semaphore_mem>>
          %dma_start3A_1865 = tpu.memref_squeeze %dma_start3A_1864 : memref<1x!tpu.dma_semaphore, #tpu.memory_space<semaphore_mem>> -> memref<!tpu.dma_semaphore, #tpu.memory_space<semaphore_mem>>
          %dma_start3A_1866 = arith.constant 0 : i32
          %dma_start3A_1867 = arith.constant 0 : i32
          %dma_start3A_1868 = arith.constant 0 : i32
          %dma_start3A_1869 = arith.constant 0 : i32
          %dma_start3A_1870 = arith.constant 0 : i32
          %dma_start3A_1871 = tpu.memref_slice %run_scoped3A[%rem3A_1848, %dma_start3A_1866, %dma_start3A_1867, %dma_start3A_1868, %dma_start3A_1869, %dma_start3A_1870] : memref<2x1x1x1x20x128xi32, #tpu.memory_space<vmem>> -> memref<1x1x1x1x20x128xi32, #tpu.memory_space<vmem>>
          %dma_start3A_1872 = tpu.memref_squeeze %dma_start3A_1871 : memref<1x1x1x1x20x128xi32, #tpu.memory_space<vmem>> -> memref<1x1x1x20x128xi32, #tpu.memory_space<vmem>>
          %dma_start3A_1873 = arith.constant 0 : i32
          %dma_start3A_1874 = arith.constant 0 : i32
          %dma_start3A_1875 = arith.constant 0 : i32
          %dma_start3A_1876 = tpu.memref_slice %arg3[%dma_start3A_1873, %mul3A_1850, %mul3A_1852, %dma_start3A_1874, %dma_start3A_1875] : memref<2x32x4x20x128xi32, #tpu.memory_space<hbm>> -> memref<1x1x1x20x128xi32, #tpu.memory_space<hbm>>
          tpu.enqueue_dma source(%dma_start3A_1876 : memref<1x1x1x20x128xi32, #tpu.memory_space<hbm>>) target(%dma_start3A_1872 : memref<1x1x1x20x128xi32, #tpu.memory_space<vmem>>) target_semaphore(%dma_start3A_1865 : memref<!tpu.dma_semaphore, #tpu.memory_space<semaphore_mem>>)
          "tpu.trace_stop"() : () -> ()
        } else {
        }
        %and3A_325 = arith.constant true
        %and3A_326 = arith.andi %and3A, %and3A_325 : i1
        %add3A_327 = arith.constant 1 : i32
        %add3A_328 = arith.addi %scan3A_244, %add3A_327 : i32
        %select_n3A_329 = arith.select %and3A_326, %add3A_328, %scan3A_244 : i32
        %ne3A_330 = arith.cmpi ne, %add3A_255, %add3A_293 : i32
        %ne3A_331 = arith.cmpi ne, %add3A_257, %add3A_295 : i32
        %or3A_332 = arith.constant false
        %or3A_333 = arith.ori %or3A_332, %ne3A_330 : i1
        %or3A_334 = arith.ori %or3A_333, %ne3A_331 : i1
        %or3A_335 = arith.constant false
        %or3A_336 = arith.ori %or3A_334, %or3A_335 : i1
        %or3A_337 = arith.constant false
        %or3A_338 = arith.ori %or3A_336, %or3A_337 : i1
        %ge3A_339 = arith.constant 3 : i32
        %ge3A_340 = arith.cmpi sge, %scan3A_243, %ge3A_339 : i32
        %not3A_341 = arith.constant true
        %not3A_342 = arith.xori %ge3A_340, %not3A_341 : i1
        %and3A_343 = arith.andi %or3A_338, %not3A_342 : i1
        %convert_element_type3A_344 = arith.extui %and3A_343 : i1 to i32
        %cond3A_345 = arith.constant 0 : i32
        %cond3A_346 = arith.cmpi ne, %convert_element_type3A_344, %cond3A_345 : i32
        scf.if %cond3A_346 {
          "tpu.trace_start"() <{level = 10 : i32, message = "ep_copy_in"}> : () -> ()
          %rem3A_1847 = arith.constant 2 : i32
          %rem3A_1848 = arith.remui %scan3A_246, %rem3A_1847 : i32
          %mul3A_1849 = arith.constant 1 : i32
          %mul3A_1850 = arith.muli %mul3A_1849, %add3A_293 : i32
          %mul3A_1851 = arith.constant 1 : i32
          %mul3A_1852 = arith.muli %mul3A_1851, %add3A_295 : i32
          %dma_start3A_1853 = arith.constant 0 : i32
          %dma_start3A_1854 = arith.constant 0 : i32
          %dma_start3A_1855 = arith.constant 0 : i32
          %dma_start3A_1856 = arith.constant 0 : i32
          %dma_start3A_1857 = arith.constant 0 : i32
          %dma_start3A_1858 = tpu.memref_slice %run_scoped3A_27[%rem3A_1848, %dma_start3A_1853, %dma_start3A_1854, %dma_start3A_1855, %dma_start3A_1856, %dma_start3A_1857] : memref<2x1x1x1x20x128xi32, #tpu.memory_space<vmem>> -> memref<1x1x1x1x20x128xi32, #tpu.memory_space<vmem>>
          %dma_start3A_1859 = tpu.memref_squeeze %dma_start3A_1858 : memref<1x1x1x1x20x128xi32, #tpu.memory_space<vmem>> -> memref<1x1x1x20x128xi32, #tpu.memory_space<vmem>>
          %dma_start3A_1860 = arith.constant 1 : i32
          %dma_start3A_1861 = arith.constant 0 : i32
          %dma_start3A_1862 = arith.constant 0 : i32
          %dma_start3A_1863 = tpu.memref_slice %arg3[%dma_start3A_1860, %mul3A_1850, %mul3A_1852, %dma_start3A_1861, %dma_start3A_1862] : memref<2x32x4x20x128xi32, #tpu.memory_space<hbm>> -> memref<1x1x1x20x128xi32, #tpu.memory_space<hbm>>
          %dma_start3A_1864 = tpu.memref_slice %run_scoped3A_28[%rem3A_1848] : memref<2x!tpu.dma_semaphore, #tpu.memory_space<semaphore_mem>> -> memref<1x!tpu.dma_semaphore, #tpu.memory_space<semaphore_mem>>
          %dma_start3A_1865 = tpu.memref_squeeze %dma_start3A_1864 : memref<1x!tpu.dma_semaphore, #tpu.memory_space<semaphore_mem>> -> memref<!tpu.dma_semaphore, #tpu.memory_space<semaphore_mem>>
          %dma_start3A_1866 = arith.constant 0 : i32
          %dma_start3A_1867 = arith.constant 0 : i32
          %dma_start3A_1868 = arith.constant 0 : i32
          %dma_start3A_1869 = arith.constant 0 : i32
          %dma_start3A_1870 = arith.constant 0 : i32
          %dma_start3A_1871 = tpu.memref_slice %run_scoped3A_27[%rem3A_1848, %dma_start3A_1866, %dma_start3A_1867, %dma_start3A_1868, %dma_start3A_1869, %dma_start3A_1870] : memref<2x1x1x1x20x128xi32, #tpu.memory_space<vmem>> -> memref<1x1x1x1x20x128xi32, #tpu.memory_space<vmem>>
          %dma_start3A_1872 = tpu.memref_squeeze %dma_start3A_1871 : memref<1x1x1x1x20x128xi32, #tpu.memory_space<vmem>> -> memref<1x1x1x20x128xi32, #tpu.memory_space<vmem>>
          %dma_start3A_1873 = arith.constant 1 : i32
          %dma_start3A_1874 = arith.constant 0 : i32
          %dma_start3A_1875 = arith.constant 0 : i32
          %dma_start3A_1876 = tpu.memref_slice %arg3[%dma_start3A_1873, %mul3A_1850, %mul3A_1852, %dma_start3A_1874, %dma_start3A_1875] : memref<2x32x4x20x128xi32, #tpu.memory_space<hbm>> -> memref<1x1x1x20x128xi32, #tpu.memory_space<hbm>>
          tpu.enqueue_dma source(%dma_start3A_1876 : memref<1x1x1x20x128xi32, #tpu.memory_space<hbm>>) target(%dma_start3A_1872 : memref<1x1x1x20x128xi32, #tpu.memory_space<vmem>>) target_semaphore(%dma_start3A_1865 : memref<!tpu.dma_semaphore, #tpu.memory_space<semaphore_mem>>)
          "tpu.trace_stop"() : () -> ()
        } else {
        }
        %and3A_347 = arith.constant true
        %and3A_348 = arith.andi %and3A_343, %and3A_347 : i1
        %add3A_349 = arith.constant 1 : i32
        %add3A_350 = arith.addi %scan3A_246, %add3A_349 : i32
        %select_n3A_351 = arith.select %and3A_348, %add3A_350, %scan3A_246 : i32
        %ne3A_352 = arith.cmpi ne, %add3A_255, %add3A_274 : i32
        %ne3A_353 = arith.cmpi ne, %add3A_257, %add3A_276 : i32
        %or3A_354 = arith.constant false
        %or3A_355 = arith.ori %or3A_354, %ne3A_352 : i1
        %or3A_356 = arith.ori %or3A_355, %ne3A_353 : i1
        %or3A_357 = arith.constant false
        %or3A_358 = arith.ori %or3A_356, %or3A_357 : i1
        %or3A_359 = arith.constant false
        %or3A_360 = arith.ori %or3A_358, %or3A_359 : i1
        %or3A_361 = arith.ori %or3A_360, %eq3A_251 : i1
        %convert_element_type3A_362 = arith.extui %or3A_361 : i1 to i32
        %cond3A_363 = arith.constant 0 : i32
        %cond3A_364 = arith.cmpi ne, %convert_element_type3A_362, %cond3A_363 : i32
        scf.if %cond3A_364 {
          "tpu.trace_start"() <{level = 10 : i32, message = "ep_wait_in"}> : () -> ()
          %mul3A_1847 = arith.constant 1 : i32
          %mul3A_1848 = arith.muli %mul3A_1847, %add3A_255 : i32
          %mul3A_1849 = arith.constant 1 : i32
          %mul3A_1850 = arith.muli %mul3A_1849, %add3A_257 : i32
          %rem3A_1851 = arith.constant 2 : i32
          %rem3A_1852 = arith.remui %scan3A_245, %rem3A_1851 : i32
          %dma_wait3A_1853 = arith.constant 0 : i32
          %dma_wait3A_1854 = arith.constant 0 : i32
          %dma_wait3A_1855 = arith.constant 0 : i32
          %dma_wait3A_1856 = arith.constant 0 : i32
          %dma_wait3A_1857 = arith.constant 0 : i32
          %dma_wait3A_1858 = tpu.memref_slice %run_scoped3A[%rem3A_1852, %dma_wait3A_1853, %dma_wait3A_1854, %dma_wait3A_1855, %dma_wait3A_1856, %dma_wait3A_1857] : memref<2x1x1x1x20x128xi32, #tpu.memory_space<vmem>> -> memref<1x1x1x1x20x128xi32, #tpu.memory_space<vmem>>
          %dma_wait3A_1859 = tpu.memref_squeeze %dma_wait3A_1858 : memref<1x1x1x1x20x128xi32, #tpu.memory_space<vmem>> -> memref<1x1x1x20x128xi32, #tpu.memory_space<vmem>>
          %dma_wait3A_1860 = arith.constant 0 : i32
          %dma_wait3A_1861 = arith.constant 0 : i32
          %dma_wait3A_1862 = arith.constant 0 : i32
          %dma_wait3A_1863 = tpu.memref_slice %arg3[%dma_wait3A_1860, %mul3A_1848, %mul3A_1850, %dma_wait3A_1861, %dma_wait3A_1862] : memref<2x32x4x20x128xi32, #tpu.memory_space<hbm>> -> memref<1x1x1x20x128xi32, #tpu.memory_space<hbm>>
          %dma_wait3A_1864 = tpu.memref_slice %run_scoped3A_26[%rem3A_1852] : memref<2x!tpu.dma_semaphore, #tpu.memory_space<semaphore_mem>> -> memref<1x!tpu.dma_semaphore, #tpu.memory_space<semaphore_mem>>
          %dma_wait3A_1865 = tpu.memref_squeeze %dma_wait3A_1864 : memref<1x!tpu.dma_semaphore, #tpu.memory_space<semaphore_mem>> -> memref<!tpu.dma_semaphore, #tpu.memory_space<semaphore_mem>>
          %dma_wait3A_1866 = arith.constant 0 : i32
          %dma_wait3A_1867 = arith.constant 0 : i32
          %dma_wait3A_1868 = arith.constant 0 : i32
          %dma_wait3A_1869 = arith.constant 0 : i32
          %dma_wait3A_1870 = arith.constant 0 : i32
          %dma_wait3A_1871 = tpu.memref_slice %run_scoped3A[%rem3A_1852, %dma_wait3A_1866, %dma_wait3A_1867, %dma_wait3A_1868, %dma_wait3A_1869, %dma_wait3A_1870] : memref<2x1x1x1x20x128xi32, #tpu.memory_space<vmem>> -> memref<1x1x1x1x20x128xi32, #tpu.memory_space<vmem>>
          %dma_wait3A_1872 = tpu.memref_squeeze %dma_wait3A_1871 : memref<1x1x1x1x20x128xi32, #tpu.memory_space<vmem>> -> memref<1x1x1x20x128xi32, #tpu.memory_space<vmem>>
          %dma_wait3A_1873 = arith.constant 0 : i32
          %dma_wait3A_1874 = arith.constant 0 : i32
          %dma_wait3A_1875 = arith.constant 0 : i32
          %dma_wait3A_1876 = tpu.memref_slice %arg3[%dma_wait3A_1873, %mul3A_1848, %mul3A_1850, %dma_wait3A_1874, %dma_wait3A_1875] : memref<2x32x4x20x128xi32, #tpu.memory_space<hbm>> -> memref<1x1x1x20x128xi32, #tpu.memory_space<hbm>>
          tpu.wait_dma2 semaphore(%dma_wait3A_1865 : memref<!tpu.dma_semaphore, #tpu.memory_space<semaphore_mem>>) src(%dma_wait3A_1876 : memref<1x1x1x20x128xi32, #tpu.memory_space<hbm>>) dst(%dma_wait3A_1872 : memref<1x1x1x20x128xi32, #tpu.memory_space<vmem>>)
          "tpu.trace_stop"() : () -> ()
        } else {
        }
        %ne3A_365 = arith.cmpi ne, %add3A_255, %add3A_274 : i32
        %ne3A_366 = arith.cmpi ne, %add3A_257, %add3A_276 : i32
        %or3A_367 = arith.constant false
        %or3A_368 = arith.ori %or3A_367, %ne3A_365 : i1
        %or3A_369 = arith.ori %or3A_368, %ne3A_366 : i1
        %or3A_370 = arith.constant false
        %or3A_371 = arith.ori %or3A_369, %or3A_370 : i1
        %or3A_372 = arith.constant false
        %or3A_373 = arith.ori %or3A_371, %or3A_372 : i1
        %or3A_374 = arith.ori %or3A_373, %eq3A_251 : i1
        %convert_element_type3A_375 = arith.extui %or3A_374 : i1 to i32
        %cond3A_376 = arith.constant 0 : i32
        %cond3A_377 = arith.cmpi ne, %convert_element_type3A_375, %cond3A_376 : i32
        scf.if %cond3A_377 {
          "tpu.trace_start"() <{level = 10 : i32, message = "ep_wait_in"}> : () -> ()
          %mul3A_1847 = arith.constant 1 : i32
          %mul3A_1848 = arith.muli %mul3A_1847, %add3A_255 : i32
          %mul3A_1849 = arith.constant 1 : i32
          %mul3A_1850 = arith.muli %mul3A_1849, %add3A_257 : i32
          %rem3A_1851 = arith.constant 2 : i32
          %rem3A_1852 = arith.remui %scan3A_247, %rem3A_1851 : i32
          %dma_wait3A_1853 = arith.constant 0 : i32
          %dma_wait3A_1854 = arith.constant 0 : i32
          %dma_wait3A_1855 = arith.constant 0 : i32
          %dma_wait3A_1856 = arith.constant 0 : i32
          %dma_wait3A_1857 = arith.constant 0 : i32
          %dma_wait3A_1858 = tpu.memref_slice %run_scoped3A_27[%rem3A_1852, %dma_wait3A_1853, %dma_wait3A_1854, %dma_wait3A_1855, %dma_wait3A_1856, %dma_wait3A_1857] : memref<2x1x1x1x20x128xi32, #tpu.memory_space<vmem>> -> memref<1x1x1x1x20x128xi32, #tpu.memory_space<vmem>>
          %dma_wait3A_1859 = tpu.memref_squeeze %dma_wait3A_1858 : memref<1x1x1x1x20x128xi32, #tpu.memory_space<vmem>> -> memref<1x1x1x20x128xi32, #tpu.memory_space<vmem>>
          %dma_wait3A_1860 = arith.constant 1 : i32
          %dma_wait3A_1861 = arith.constant 0 : i32
          %dma_wait3A_1862 = arith.constant 0 : i32
          %dma_wait3A_1863 = tpu.memref_slice %arg3[%dma_wait3A_1860, %mul3A_1848, %mul3A_1850, %dma_wait3A_1861, %dma_wait3A_1862] : memref<2x32x4x20x128xi32, #tpu.memory_space<hbm>> -> memref<1x1x1x20x128xi32, #tpu.memory_space<hbm>>
          %dma_wait3A_1864 = tpu.memref_slice %run_scoped3A_28[%rem3A_1852] : memref<2x!tpu.dma_semaphore, #tpu.memory_space<semaphore_mem>> -> memref<1x!tpu.dma_semaphore, #tpu.memory_space<semaphore_mem>>
          %dma_wait3A_1865 = tpu.memref_squeeze %dma_wait3A_1864 : memref<1x!tpu.dma_semaphore, #tpu.memory_space<semaphore_mem>> -> memref<!tpu.dma_semaphore, #tpu.memory_space<semaphore_mem>>
          %dma_wait3A_1866 = arith.constant 0 : i32
          %dma_wait3A_1867 = arith.constant 0 : i32
          %dma_wait3A_1868 = arith.constant 0 : i32
          %dma_wait3A_1869 = arith.constant 0 : i32
          %dma_wait3A_1870 = arith.constant 0 : i32
          %dma_wait3A_1871 = tpu.memref_slice %run_scoped3A_27[%rem3A_1852, %dma_wait3A_1866, %dma_wait3A_1867, %dma_wait3A_1868, %dma_wait3A_1869, %dma_wait3A_1870] : memref<2x1x1x1x20x128xi32, #tpu.memory_space<vmem>> -> memref<1x1x1x1x20x128xi32, #tpu.memory_space<vmem>>
          %dma_wait3A_1872 = tpu.memref_squeeze %dma_wait3A_1871 : memref<1x1x1x1x20x128xi32, #tpu.memory_space<vmem>> -> memref<1x1x1x20x128xi32, #tpu.memory_space<vmem>>
          %dma_wait3A_1873 = arith.constant 1 : i32
          %dma_wait3A_1874 = arith.constant 0 : i32
          %dma_wait3A_1875 = arith.constant 0 : i32
          %dma_wait3A_1876 = tpu.memref_slice %arg3[%dma_wait3A_1873, %mul3A_1848, %mul3A_1850, %dma_wait3A_1874, %dma_wait3A_1875] : memref<2x32x4x20x128xi32, #tpu.memory_space<hbm>> -> memref<1x1x1x20x128xi32, #tpu.memory_space<hbm>>
          tpu.wait_dma2 semaphore(%dma_wait3A_1865 : memref<!tpu.dma_semaphore, #tpu.memory_space<semaphore_mem>>) src(%dma_wait3A_1876 : memref<1x1x1x20x128xi32, #tpu.memory_space<hbm>>) dst(%dma_wait3A_1872 : memref<1x1x1x20x128xi32, #tpu.memory_space<vmem>>)
          "tpu.trace_stop"() : () -> ()
        } else {
        }
        %rem3A_378 = arith.constant 2 : i32
        %rem3A_379 = arith.remui %scan3A_245, %rem3A_378 : i32
        %rem3A_380 = arith.constant 2 : i32
        %rem3A_381 = arith.remui %scan3A_247, %rem3A_380 : i32
        %dma_start3A_382 = arith.constant 0 : i32
        %dma_start3A_383 = arith.constant 0 : i32
        %dma_start3A_384 = arith.constant 0 : i32
        %dma_start3A_385 = arith.constant 0 : i32
        "tpu.trace_start"() <{level = 10 : i32, message = "ep_run_kernel"}> : () -> ()
        %dma_start3A_386 = arith.constant 0 : i32
        %dma_start3A_387 = arith.constant 0 : i32
        %dma_start3A_388 = arith.constant 0 : i32
        %dma_start3A_389 = arith.constant 0 : i32
        %dma_start3A_390 = arith.constant 0 : i32
        %dma_start3A_391 = tpu.memref_slice %run_scoped3A[%rem3A_379, %dma_start3A_386, %dma_start3A_387, %dma_start3A_388, %dma_start3A_389, %dma_start3A_390] : memref<2x1x1x1x20x128xi32, #tpu.memory_space<vmem>> -> memref<1x1x1x1x20x128xi32, #tpu.memory_space<vmem>>
        %dma_start3A_392 = tpu.memref_squeeze %dma_start3A_391 : memref<1x1x1x1x20x128xi32, #tpu.memory_space<vmem>> -> memref<1x1x1x20x128xi32, #tpu.memory_space<vmem>>
        %dma_start3A_393 = arith.constant 0 : i32
        %dma_start3A_394 = tpu.memref_slice %dma_start3A_392[%dma_start3A_382, %dma_start3A_383, %dma_start3A_384, %dma_start3A_385, %dma_start3A_393] : memref<1x1x1x20x128xi32, #tpu.memory_space<vmem>> -> memref<1x1x1x1x128xi32, #tpu.memory_space<vmem>>
        %dma_start3A_395 = tpu.memref_squeeze %dma_start3A_394 : memref<1x1x1x1x128xi32, #tpu.memory_space<vmem>> -> memref<128xi32, #tpu.memory_space<vmem>>
        %dma_start3A_396 = arith.constant 0 : i32
        %dma_start3A_397 = arith.constant 0 : i32
        %dma_start3A_398 = tpu.memref_slice %arg2[%dma_start3A_396, %dma_start3A_397] : memref<10000x128xf32, #tpu.memory_space<hbm>> -> memref<10000x128xf32, #tpu.memory_space<hbm>>
        tpu.enqueue_indirect_dma source(%dma_start3A_398 : memref<10000x128xf32, #tpu.memory_space<hbm>>) target(%arg6 : memref<128x128xf32, #tpu.memory_space<vmem>>) offsets(%dma_start3A_395 : memref<128xi32, #tpu.memory_space<vmem>>) semaphore(%arg8 : memref<!tpu.dma_semaphore, #tpu.memory_space<semaphore_mem>>)
        %dma_start3A_399 = arith.constant 0 : i32
        %dma_start3A_400 = arith.constant 0 : i32
        %dma_start3A_401 = arith.constant 0 : i32
        %dma_start3A_402 = arith.constant 1 : i32
        %dma_start3A_403 = arith.constant 0 : i32
        %dma_start3A_404 = arith.constant 0 : i32
        %dma_start3A_405 = arith.constant 0 : i32
        %dma_start3A_406 = arith.constant 0 : i32
        %dma_start3A_407 = arith.constant 0 : i32
        %dma_start3A_408 = tpu.memref_slice %run_scoped3A[%rem3A_379, %dma_start3A_403, %dma_start3A_404, %dma_start3A_405, %dma_start3A_406, %dma_start3A_407] : memref<2x1x1x1x20x128xi32, #tpu.memory_space<vmem>> -> memref<1x1x1x1x20x128xi32, #tpu.memory_space<vmem>>
        %dma_start3A_409 = tpu.memref_squeeze %dma_start3A_408 : memref<1x1x1x1x20x128xi32, #tpu.memory_space<vmem>> -> memref<1x1x1x20x128xi32, #tpu.memory_space<vmem>>
        %dma_start3A_410 = arith.constant 0 : i32
        %dma_start3A_411 = tpu.memref_slice %dma_start3A_409[%dma_start3A_399, %dma_start3A_400, %dma_start3A_401, %dma_start3A_402, %dma_start3A_410] : memref<1x1x1x20x128xi32, #tpu.memory_space<vmem>> -> memref<1x1x1x1x128xi32, #tpu.memory_space<vmem>>
        %dma_start3A_412 = tpu.memref_squeeze %dma_start3A_411 : memref<1x1x1x1x128xi32, #tpu.memory_space<vmem>> -> memref<128xi32, #tpu.memory_space<vmem>>
        %dma_start3A_413 = arith.constant 0 : i32
        %dma_start3A_414 = arith.constant 0 : i32
        %dma_start3A_415 = tpu.memref_slice %arg2[%dma_start3A_413, %dma_start3A_414] : memref<10000x128xf32, #tpu.memory_space<hbm>> -> memref<10000x128xf32, #tpu.memory_space<hbm>>
        tpu.enqueue_indirect_dma source(%dma_start3A_415 : memref<10000x128xf32, #tpu.memory_space<hbm>>) target(%arg7 : memref<128x128xf32, #tpu.memory_space<vmem>>) offsets(%dma_start3A_412 : memref<128xi32, #tpu.memory_space<vmem>>) semaphore(%arg9 : memref<!tpu.dma_semaphore, #tpu.memory_space<semaphore_mem>>)
        %dma_wait3A = arith.constant 0 : i32
        %dma_wait3A_416 = arith.constant 0 : i32
        %dma_wait3A_417 = arith.constant 0 : i32
        %dma_wait3A_418 = arith.constant 0 : i32
        %dma_wait3A_419 = arith.constant 0 : i32
        %dma_wait3A_420 = arith.constant 0 : i32
        %dma_wait3A_421 = arith.constant 0 : i32
        %dma_wait3A_422 = arith.constant 0 : i32
        %dma_wait3A_423 = arith.constant 0 : i32
        %dma_wait3A_424 = tpu.memref_slice %run_scoped3A[%rem3A_379, %dma_wait3A_419, %dma_wait3A_420, %dma_wait3A_421, %dma_wait3A_422, %dma_wait3A_423] : memref<2x1x1x1x20x128xi32, #tpu.memory_space<vmem>> -> memref<1x1x1x1x20x128xi32, #tpu.memory_space<vmem>>
        %dma_wait3A_425 = tpu.memref_squeeze %dma_wait3A_424 : memref<1x1x1x1x20x128xi32, #tpu.memory_space<vmem>> -> memref<1x1x1x20x128xi32, #tpu.memory_space<vmem>>
        %dma_wait3A_426 = arith.constant 0 : i32
        %dma_wait3A_427 = tpu.memref_slice %dma_wait3A_425[%dma_wait3A, %dma_wait3A_416, %dma_wait3A_417, %dma_wait3A_418, %dma_wait3A_426] : memref<1x1x1x20x128xi32, #tpu.memory_space<vmem>> -> memref<1x1x1x1x128xi32, #tpu.memory_space<vmem>>
        %dma_wait3A_428 = tpu.memref_squeeze %dma_wait3A_427 : memref<1x1x1x1x128xi32, #tpu.memory_space<vmem>> -> memref<128xi32, #tpu.memory_space<vmem>>
        %dma_wait3A_429 = arith.constant 0 : i32
        %dma_wait3A_430 = arith.constant 0 : i32
        %dma_wait3A_431 = tpu.memref_slice %arg2[%dma_wait3A_429, %dma_wait3A_430] : memref<10000x128xf32, #tpu.memory_space<hbm>> -> memref<10000x128xf32, #tpu.memory_space<hbm>>
        tpu.wait_indirect_dma semaphore(%arg8 : memref<!tpu.dma_semaphore, #tpu.memory_space<semaphore_mem>>) src(%dma_wait3A_431 : memref<10000x128xf32, #tpu.memory_space<hbm>>) dst(%arg6 : memref<128x128xf32, #tpu.memory_space<vmem>>)
        %dma_start3A_432 = arith.constant 0 : i32
        %dma_start3A_433 = arith.constant 0 : i32
        %dma_start3A_434 = arith.constant 0 : i32
        %dma_start3A_435 = arith.constant 0 : i32
        %dma_start3A_436 = arith.constant 0 : i32
        %dma_start3A_437 = arith.constant 0 : i32
        %dma_start3A_438 = arith.constant 0 : i32
        %dma_start3A_439 = arith.constant 0 : i32
        %dma_start3A_440 = arith.constant 0 : i32
        %dma_start3A_441 = tpu.memref_slice %run_scoped3A_27[%rem3A_381, %dma_start3A_436, %dma_start3A_437, %dma_start3A_438, %dma_start3A_439, %dma_start3A_440] : memref<2x1x1x1x20x128xi32, #tpu.memory_space<vmem>> -> memref<1x1x1x1x20x128xi32, #tpu.memory_space<vmem>>
        %dma_start3A_442 = tpu.memref_squeeze %dma_start3A_441 : memref<1x1x1x1x20x128xi32, #tpu.memory_space<vmem>> -> memref<1x1x1x20x128xi32, #tpu.memory_space<vmem>>
        %dma_start3A_443 = arith.constant 0 : i32
        %dma_start3A_444 = tpu.memref_slice %dma_start3A_442[%dma_start3A_432, %dma_start3A_433, %dma_start3A_434, %dma_start3A_435, %dma_start3A_443] : memref<1x1x1x20x128xi32, #tpu.memory_space<vmem>> -> memref<1x1x1x1x128xi32, #tpu.memory_space<vmem>>
        %dma_start3A_445 = tpu.memref_squeeze %dma_start3A_444 : memref<1x1x1x1x128xi32, #tpu.memory_space<vmem>> -> memref<128xi32, #tpu.memory_space<vmem>>
        %dma_start3A_446 = arith.constant 0 : i32
        %dma_start3A_447 = arith.constant 0 : i32
        %dma_start3A_448 = tpu.memref_slice %arg5[%dma_start3A_446, %dma_start3A_447] : memref<10112x128xf32, #tpu.memory_space<vmem_shared>> -> memref<10112x128xf32, #tpu.memory_space<vmem_shared>>
        tpu.enqueue_indirect_dma source(%arg6 : memref<128x128xf32, #tpu.memory_space<vmem>>) target(%dma_start3A_448 : memref<10112x128xf32, #tpu.memory_space<vmem_shared>>) offsets(%dma_start3A_445 : memref<128xi32, #tpu.memory_space<vmem>>) semaphore(%arg10 : memref<!tpu.dma_semaphore, #tpu.memory_space<semaphore_mem>>) {add = true}
        %dma_wait3A_449 = arith.constant 0 : i32
        %dma_wait3A_450 = arith.constant 0 : i32
        %dma_wait3A_451 = arith.constant 0 : i32
        %dma_wait3A_452 = arith.constant 0 : i32
        %dma_wait3A_453 = arith.constant 0 : i32
        %dma_wait3A_454 = arith.constant 0 : i32
        %dma_wait3A_455 = arith.constant 0 : i32
        %dma_wait3A_456 = arith.constant 0 : i32
        %dma_wait3A_457 = arith.constant 0 : i32
        %dma_wait3A_458 = tpu.memref_slice %run_scoped3A_27[%rem3A_381, %dma_wait3A_453, %dma_wait3A_454, %dma_wait3A_455, %dma_wait3A_456, %dma_wait3A_457] : memref<2x1x1x1x20x128xi32, #tpu.memory_space<vmem>> -> memref<1x1x1x1x20x128xi32, #tpu.memory_space<vmem>>
        %dma_wait3A_459 = tpu.memref_squeeze %dma_wait3A_458 : memref<1x1x1x1x20x128xi32, #tpu.memory_space<vmem>> -> memref<1x1x1x20x128xi32, #tpu.memory_space<vmem>>
        %dma_wait3A_460 = arith.constant 0 : i32
        %dma_wait3A_461 = tpu.memref_slice %dma_wait3A_459[%dma_wait3A_449, %dma_wait3A_450, %dma_wait3A_451, %dma_wait3A_452, %dma_wait3A_460] : memref<1x1x1x20x128xi32, #tpu.memory_space<vmem>> -> memref<1x1x1x1x128xi32, #tpu.memory_space<vmem>>
        %dma_wait3A_462 = tpu.memref_squeeze %dma_wait3A_461 : memref<1x1x1x1x128xi32, #tpu.memory_space<vmem>> -> memref<128xi32, #tpu.memory_space<vmem>>
        %dma_wait3A_463 = arith.constant 0 : i32
        %dma_wait3A_464 = arith.constant 0 : i32
        %dma_wait3A_465 = tpu.memref_slice %arg5[%dma_wait3A_463, %dma_wait3A_464] : memref<10112x128xf32, #tpu.memory_space<vmem_shared>> -> memref<10112x128xf32, #tpu.memory_space<vmem_shared>>
        tpu.wait_indirect_dma semaphore(%arg10 : memref<!tpu.dma_semaphore, #tpu.memory_space<semaphore_mem>>) src(%arg6 : memref<128x128xf32, #tpu.memory_space<vmem>>) dst(%dma_wait3A_465 : memref<10112x128xf32, #tpu.memory_space<vmem_shared>>)
        %dma_start3A_466 = arith.constant 0 : i32
        %dma_start3A_467 = arith.constant 0 : i32
        %dma_start3A_468 = arith.constant 0 : i32
        %dma_start3A_469 = arith.constant 2 : i32
        %dma_start3A_470 = arith.constant 0 : i32
        %dma_start3A_471 = arith.constant 0 : i32
        %dma_start3A_472 = arith.constant 0 : i32
        %dma_start3A_473 = arith.constant 0 : i32
        %dma_start3A_474 = arith.constant 0 : i32
        %dma_start3A_475 = tpu.memref_slice %run_scoped3A[%rem3A_379, %dma_start3A_470, %dma_start3A_471, %dma_start3A_472, %dma_start3A_473, %dma_start3A_474] : memref<2x1x1x1x20x128xi32, #tpu.memory_space<vmem>> -> memref<1x1x1x1x20x128xi32, #tpu.memory_space<vmem>>
        %dma_start3A_476 = tpu.memref_squeeze %dma_start3A_475 : memref<1x1x1x1x20x128xi32, #tpu.memory_space<vmem>> -> memref<1x1x1x20x128xi32, #tpu.memory_space<vmem>>
        %dma_start3A_477 = arith.constant 0 : i32
        %dma_start3A_478 = tpu.memref_slice %dma_start3A_476[%dma_start3A_466, %dma_start3A_467, %dma_start3A_468, %dma_start3A_469, %dma_start3A_477] : memref<1x1x1x20x128xi32, #tpu.memory_space<vmem>> -> memref<1x1x1x1x128xi32, #tpu.memory_space<vmem>>
        %dma_start3A_479 = tpu.memref_squeeze %dma_start3A_478 : memref<1x1x1x1x128xi32, #tpu.memory_space<vmem>> -> memref<128xi32, #tpu.memory_space<vmem>>
        %dma_start3A_480 = arith.constant 0 : i32
        %dma_start3A_481 = arith.constant 0 : i32
        %dma_start3A_482 = tpu.memref_slice %arg2[%dma_start3A_480, %dma_start3A_481] : memref<10000x128xf32, #tpu.memory_space<hbm>> -> memref<10000x128xf32, #tpu.memory_space<hbm>>
        tpu.enqueue_indirect_dma source(%dma_start3A_482 : memref<10000x128xf32, #tpu.memory_space<hbm>>) target(%arg6 : memref<128x128xf32, #tpu.memory_space<vmem>>) offsets(%dma_start3A_479 : memref<128xi32, #tpu.memory_space<vmem>>) semaphore(%arg8 : memref<!tpu.dma_semaphore, #tpu.memory_space<semaphore_mem>>)
        %dma_wait3A_483 = arith.constant 0 : i32
        %dma_wait3A_484 = arith.constant 0 : i32
        %dma_wait3A_485 = arith.constant 0 : i32
        %dma_wait3A_486 = arith.constant 1 : i32
        %dma_wait3A_487 = arith.constant 0 : i32
        %dma_wait3A_488 = arith.constant 0 : i32
        %dma_wait3A_489 = arith.constant 0 : i32
        %dma_wait3A_490 = arith.constant 0 : i32
        %dma_wait3A_491 = arith.constant 0 : i32
        %dma_wait3A_492 = tpu.memref_slice %run_scoped3A[%rem3A_379, %dma_wait3A_487, %dma_wait3A_488, %dma_wait3A_489, %dma_wait3A_490, %dma_wait3A_491] : memref<2x1x1x1x20x128xi32, #tpu.memory_space<vmem>> -> memref<1x1x1x1x20x128xi32, #tpu.memory_space<vmem>>
        %dma_wait3A_493 = tpu.memref_squeeze %dma_wait3A_492 : memref<1x1x1x1x20x128xi32, #tpu.memory_space<vmem>> -> memref<1x1x1x20x128xi32, #tpu.memory_space<vmem>>
        %dma_wait3A_494 = arith.constant 0 : i32
        %dma_wait3A_495 = tpu.memref_slice %dma_wait3A_493[%dma_wait3A_483, %dma_wait3A_484, %dma_wait3A_485, %dma_wait3A_486, %dma_wait3A_494] : memref<1x1x1x20x128xi32, #tpu.memory_space<vmem>> -> memref<1x1x1x1x128xi32, #tpu.memory_space<vmem>>
        %dma_wait3A_496 = tpu.memref_squeeze %dma_wait3A_495 : memref<1x1x1x1x128xi32, #tpu.memory_space<vmem>> -> memref<128xi32, #tpu.memory_space<vmem>>
        %dma_wait3A_497 = arith.constant 0 : i32
        %dma_wait3A_498 = arith.constant 0 : i32
        %dma_wait3A_499 = tpu.memref_slice %arg2[%dma_wait3A_497, %dma_wait3A_498] : memref<10000x128xf32, #tpu.memory_space<hbm>> -> memref<10000x128xf32, #tpu.memory_space<hbm>>
        tpu.wait_indirect_dma semaphore(%arg9 : memref<!tpu.dma_semaphore, #tpu.memory_space<semaphore_mem>>) src(%dma_wait3A_499 : memref<10000x128xf32, #tpu.memory_space<hbm>>) dst(%arg7 : memref<128x128xf32, #tpu.memory_space<vmem>>)
        %dma_start3A_500 = arith.constant 0 : i32
        %dma_start3A_501 = arith.constant 0 : i32
        %dma_start3A_502 = arith.constant 0 : i32
        %dma_start3A_503 = arith.constant 1 : i32
        %dma_start3A_504 = arith.constant 0 : i32
        %dma_start3A_505 = arith.constant 0 : i32
        %dma_start3A_506 = arith.constant 0 : i32
        %dma_start3A_507 = arith.constant 0 : i32
        %dma_start3A_508 = arith.constant 0 : i32
        %dma_start3A_509 = tpu.memref_slice %run_scoped3A_27[%rem3A_381, %dma_start3A_504, %dma_start3A_505, %dma_start3A_506, %dma_start3A_507, %dma_start3A_508] : memref<2x1x1x1x20x128xi32, #tpu.memory_space<vmem>> -> memref<1x1x1x1x20x128xi32, #tpu.memory_space<vmem>>
        %dma_start3A_510 = tpu.memref_squeeze %dma_start3A_509 : memref<1x1x1x1x20x128xi32, #tpu.memory_space<vmem>> -> memref<1x1x1x20x128xi32, #tpu.memory_space<vmem>>
        %dma_start3A_511 = arith.constant 0 : i32
        %dma_start3A_512 = tpu.memref_slice %dma_start3A_510[%dma_start3A_500, %dma_start3A_501, %dma_start3A_502, %dma_start3A_503, %dma_start3A_511] : memref<1x1x1x20x128xi32, #tpu.memory_space<vmem>> -> memref<1x1x1x1x128xi32, #tpu.memory_space<vmem>>
        %dma_start3A_513 = tpu.memref_squeeze %dma_start3A_512 : memref<1x1x1x1x128xi32, #tpu.memory_space<vmem>> -> memref<128xi32, #tpu.memory_space<vmem>>
        %dma_start3A_514 = arith.constant 0 : i32
        %dma_start3A_515 = arith.constant 0 : i32
        %dma_start3A_516 = tpu.memref_slice %arg5[%dma_start3A_514, %dma_start3A_515] : memref<10112x128xf32, #tpu.memory_space<vmem_shared>> -> memref<10112x128xf32, #tpu.memory_space<vmem_shared>>
        tpu.enqueue_indirect_dma source(%arg7 : memref<128x128xf32, #tpu.memory_space<vmem>>) target(%dma_start3A_516 : memref<10112x128xf32, #tpu.memory_space<vmem_shared>>) offsets(%dma_start3A_513 : memref<128xi32, #tpu.memory_space<vmem>>) semaphore(%arg11 : memref<!tpu.dma_semaphore, #tpu.memory_space<semaphore_mem>>) {add = true}
        %dma_wait3A_517 = arith.constant 0 : i32
        %dma_wait3A_518 = arith.constant 0 : i32
        %dma_wait3A_519 = arith.constant 0 : i32
        %dma_wait3A_520 = arith.constant 1 : i32
        %dma_wait3A_521 = arith.constant 0 : i32
        %dma_wait3A_522 = arith.constant 0 : i32
        %dma_wait3A_523 = arith.constant 0 : i32
        %dma_wait3A_524 = arith.constant 0 : i32
        %dma_wait3A_525 = arith.constant 0 : i32
        %dma_wait3A_526 = tpu.memref_slice %run_scoped3A_27[%rem3A_381, %dma_wait3A_521, %dma_wait3A_522, %dma_wait3A_523, %dma_wait3A_524, %dma_wait3A_525] : memref<2x1x1x1x20x128xi32, #tpu.memory_space<vmem>> -> memref<1x1x1x1x20x128xi32, #tpu.memory_space<vmem>>
        %dma_wait3A_527 = tpu.memref_squeeze %dma_wait3A_526 : memref<1x1x1x1x20x128xi32, #tpu.memory_space<vmem>> -> memref<1x1x1x20x128xi32, #tpu.memory_space<vmem>>
        %dma_wait3A_528 = arith.constant 0 : i32
        %dma_wait3A_529 = tpu.memref_slice %dma_wait3A_527[%dma_wait3A_517, %dma_wait3A_518, %dma_wait3A_519, %dma_wait3A_520, %dma_wait3A_528] : memref<1x1x1x20x128xi32, #tpu.memory_space<vmem>> -> memref<1x1x1x1x128xi32, #tpu.memory_space<vmem>>
        %dma_wait3A_530 = tpu.memref_squeeze %dma_wait3A_529 : memref<1x1x1x1x128xi32, #tpu.memory_space<vmem>> -> memref<128xi32, #tpu.memory_space<vmem>>
        %dma_wait3A_531 = arith.constant 0 : i32
        %dma_wait3A_532 = arith.constant 0 : i32
        %dma_wait3A_533 = tpu.memref_slice %arg5[%dma_wait3A_531, %dma_wait3A_532] : memref<10112x128xf32, #tpu.memory_space<vmem_shared>> -> memref<10112x128xf32, #tpu.memory_space<vmem_shared>>
        tpu.wait_indirect_dma semaphore(%arg11 : memref<!tpu.dma_semaphore, #tpu.memory_space<semaphore_mem>>) src(%arg7 : memref<128x128xf32, #tpu.memory_space<vmem>>) dst(%dma_wait3A_533 : memref<10112x128xf32, #tpu.memory_space<vmem_shared>>)
        %dma_start3A_534 = arith.constant 0 : i32
        %dma_start3A_535 = arith.constant 0 : i32
        %dma_start3A_536 = arith.constant 0 : i32
        %dma_start3A_537 = arith.constant 3 : i32
        %dma_start3A_538 = arith.constant 0 : i32
        %dma_start3A_539 = arith.constant 0 : i32
        %dma_start3A_540 = arith.constant 0 : i32
        %dma_start3A_541 = arith.constant 0 : i32
        %dma_start3A_542 = arith.constant 0 : i32
        %dma_start3A_543 = tpu.memref_slice %run_scoped3A[%rem3A_379, %dma_start3A_538, %dma_start3A_539, %dma_start3A_540, %dma_start3A_541, %dma_start3A_542] : memref<2x1x1x1x20x128xi32, #tpu.memory_space<vmem>> -> memref<1x1x1x1x20x128xi32, #tpu.memory_space<vmem>>
        %dma_start3A_544 = tpu.memref_squeeze %dma_start3A_543 : memref<1x1x1x1x20x128xi32, #tpu.memory_space<vmem>> -> memref<1x1x1x20x128xi32, #tpu.memory_space<vmem>>
        %dma_start3A_545 = arith.constant 0 : i32
        %dma_start3A_546 = tpu.memref_slice %dma_start3A_544[%dma_start3A_534, %dma_start3A_535, %dma_start3A_536, %dma_start3A_537, %dma_start3A_545] : memref<1x1x1x20x128xi32, #tpu.memory_space<vmem>> -> memref<1x1x1x1x128xi32, #tpu.memory_space<vmem>>
        %dma_start3A_547 = tpu.memref_squeeze %dma_start3A_546 : memref<1x1x1x1x128xi32, #tpu.memory_space<vmem>> -> memref<128xi32, #tpu.memory_space<vmem>>
        %dma_start3A_548 = arith.constant 0 : i32
        %dma_start3A_549 = arith.constant 0 : i32
        %dma_start3A_550 = tpu.memref_slice %arg2[%dma_start3A_548, %dma_start3A_549] : memref<10000x128xf32, #tpu.memory_space<hbm>> -> memref<10000x128xf32, #tpu.memory_space<hbm>>
        tpu.enqueue_indirect_dma source(%dma_start3A_550 : memref<10000x128xf32, #tpu.memory_space<hbm>>) target(%arg7 : memref<128x128xf32, #tpu.memory_space<vmem>>) offsets(%dma_start3A_547 : memref<128xi32, #tpu.memory_space<vmem>>) semaphore(%arg9 : memref<!tpu.dma_semaphore, #tpu.memory_space<semaphore_mem>>)
        %dma_wait3A_551 = arith.constant 0 : i32
        %dma_wait3A_552 = arith.constant 0 : i32
        %dma_wait3A_553 = arith.constant 0 : i32
        %dma_wait3A_554 = arith.constant 2 : i32
        %dma_wait3A_555 = arith.constant 0 : i32
        %dma_wait3A_556 = arith.constant 0 : i32
        %dma_wait3A_557 = arith.constant 0 : i32
        %dma_wait3A_558 = arith.constant 0 : i32
        %dma_wait3A_559 = arith.constant 0 : i32
        %dma_wait3A_560 = tpu.memref_slice %run_scoped3A[%rem3A_379, %dma_wait3A_555, %dma_wait3A_556, %dma_wait3A_557, %dma_wait3A_558, %dma_wait3A_559] : memref<2x1x1x1x20x128xi32, #tpu.memory_space<vmem>> -> memref<1x1x1x1x20x128xi32, #tpu.memory_space<vmem>>
        %dma_wait3A_561 = tpu.memref_squeeze %dma_wait3A_560 : memref<1x1x1x1x20x128xi32, #tpu.memory_space<vmem>> -> memref<1x1x1x20x128xi32, #tpu.memory_space<vmem>>
        %dma_wait3A_562 = arith.constant 0 : i32
        %dma_wait3A_563 = tpu.memref_slice %dma_wait3A_561[%dma_wait3A_551, %dma_wait3A_552, %dma_wait3A_553, %dma_wait3A_554, %dma_wait3A_562] : memref<1x1x1x20x128xi32, #tpu.memory_space<vmem>> -> memref<1x1x1x1x128xi32, #tpu.memory_space<vmem>>
        %dma_wait3A_564 = tpu.memref_squeeze %dma_wait3A_563 : memref<1x1x1x1x128xi32, #tpu.memory_space<vmem>> -> memref<128xi32, #tpu.memory_space<vmem>>
        %dma_wait3A_565 = arith.constant 0 : i32
        %dma_wait3A_566 = arith.constant 0 : i32
        %dma_wait3A_567 = tpu.memref_slice %arg2[%dma_wait3A_565, %dma_wait3A_566] : memref<10000x128xf32, #tpu.memory_space<hbm>> -> memref<10000x128xf32, #tpu.memory_space<hbm>>
        tpu.wait_indirect_dma semaphore(%arg8 : memref<!tpu.dma_semaphore, #tpu.memory_space<semaphore_mem>>) src(%dma_wait3A_567 : memref<10000x128xf32, #tpu.memory_space<hbm>>) dst(%arg6 : memref<128x128xf32, #tpu.memory_space<vmem>>)
        %dma_start3A_568 = arith.constant 0 : i32
        %dma_start3A_569 = arith.constant 0 : i32
        %dma_start3A_570 = arith.constant 0 : i32
        %dma_start3A_571 = arith.constant 2 : i32
        %dma_start3A_572 = arith.constant 0 : i32
        %dma_start3A_573 = arith.constant 0 : i32
        %dma_start3A_574 = arith.constant 0 : i32
        %dma_start3A_575 = arith.constant 0 : i32
        %dma_start3A_576 = arith.constant 0 : i32
        %dma_start3A_577 = tpu.memref_slice %run_scoped3A_27[%rem3A_381, %dma_start3A_572, %dma_start3A_573, %dma_start3A_574, %dma_start3A_575, %dma_start3A_576] : memref<2x1x1x1x20x128xi32, #tpu.memory_space<vmem>> -> memref<1x1x1x1x20x128xi32, #tpu.memory_space<vmem>>
        %dma_start3A_578 = tpu.memref_squeeze %dma_start3A_577 : memref<1x1x1x1x20x128xi32, #tpu.memory_space<vmem>> -> memref<1x1x1x20x128xi32, #tpu.memory_space<vmem>>
        %dma_start3A_579 = arith.constant 0 : i32
        %dma_start3A_580 = tpu.memref_slice %dma_start3A_578[%dma_start3A_568, %dma_start3A_569, %dma_start3A_570, %dma_start3A_571, %dma_start3A_579] : memref<1x1x1x20x128xi32, #tpu.memory_space<vmem>> -> memref<1x1x1x1x128xi32, #tpu.memory_space<vmem>>
        %dma_start3A_581 = tpu.memref_squeeze %dma_start3A_580 : memref<1x1x1x1x128xi32, #tpu.memory_space<vmem>> -> memref<128xi32, #tpu.memory_space<vmem>>
        %dma_start3A_582 = arith.constant 0 : i32
        %dma_start3A_583 = arith.constant 0 : i32
        %dma_start3A_584 = tpu.memref_slice %arg5[%dma_start3A_582, %dma_start3A_583] : memref<10112x128xf32, #tpu.memory_space<vmem_shared>> -> memref<10112x128xf32, #tpu.memory_space<vmem_shared>>
        tpu.enqueue_indirect_dma source(%arg6 : memref<128x128xf32, #tpu.memory_space<vmem>>) target(%dma_start3A_584 : memref<10112x128xf32, #tpu.memory_space<vmem_shared>>) offsets(%dma_start3A_581 : memref<128xi32, #tpu.memory_space<vmem>>) semaphore(%arg10 : memref<!tpu.dma_semaphore, #tpu.memory_space<semaphore_mem>>) {add = true}
        %dma_wait3A_585 = arith.constant 0 : i32
        %dma_wait3A_586 = arith.constant 0 : i32
        %dma_wait3A_587 = arith.constant 0 : i32
        %dma_wait3A_588 = arith.constant 2 : i32
        %dma_wait3A_589 = arith.constant 0 : i32
        %dma_wait3A_590 = arith.constant 0 : i32
        %dma_wait3A_591 = arith.constant 0 : i32
        %dma_wait3A_592 = arith.constant 0 : i32
        %dma_wait3A_593 = arith.constant 0 : i32
        %dma_wait3A_594 = tpu.memref_slice %run_scoped3A_27[%rem3A_381, %dma_wait3A_589, %dma_wait3A_590, %dma_wait3A_591, %dma_wait3A_592, %dma_wait3A_593] : memref<2x1x1x1x20x128xi32, #tpu.memory_space<vmem>> -> memref<1x1x1x1x20x128xi32, #tpu.memory_space<vmem>>
        %dma_wait3A_595 = tpu.memref_squeeze %dma_wait3A_594 : memref<1x1x1x1x20x128xi32, #tpu.memory_space<vmem>> -> memref<1x1x1x20x128xi32, #tpu.memory_space<vmem>>
        %dma_wait3A_596 = arith.constant 0 : i32
        %dma_wait3A_597 = tpu.memref_slice %dma_wait3A_595[%dma_wait3A_585, %dma_wait3A_586, %dma_wait3A_587, %dma_wait3A_588, %dma_wait3A_596] : memref<1x1x1x20x128xi32, #tpu.memory_space<vmem>> -> memref<1x1x1x1x128xi32, #tpu.memory_space<vmem>>
        %dma_wait3A_598 = tpu.memref_squeeze %dma_wait3A_597 : memref<1x1x1x1x128xi32, #tpu.memory_space<vmem>> -> memref<128xi32, #tpu.memory_space<vmem>>
        %dma_wait3A_599 = arith.constant 0 : i32
        %dma_wait3A_600 = arith.constant 0 : i32
        %dma_wait3A_601 = tpu.memref_slice %arg5[%dma_wait3A_599, %dma_wait3A_600] : memref<10112x128xf32, #tpu.memory_space<vmem_shared>> -> memref<10112x128xf32, #tpu.memory_space<vmem_shared>>
        tpu.wait_indirect_dma semaphore(%arg10 : memref<!tpu.dma_semaphore, #tpu.memory_space<semaphore_mem>>) src(%arg6 : memref<128x128xf32, #tpu.memory_space<vmem>>) dst(%dma_wait3A_601 : memref<10112x128xf32, #tpu.memory_space<vmem_shared>>)
        %dma_start3A_602 = arith.constant 0 : i32
        %dma_start3A_603 = arith.constant 0 : i32
        %dma_start3A_604 = arith.constant 0 : i32
        %dma_start3A_605 = arith.constant 4 : i32
        %dma_start3A_606 = arith.constant 0 : i32
        %dma_start3A_607 = arith.constant 0 : i32
        %dma_start3A_608 = arith.constant 0 : i32
        %dma_start3A_609 = arith.constant 0 : i32
        %dma_start3A_610 = arith.constant 0 : i32
        %dma_start3A_611 = tpu.memref_slice %run_scoped3A[%rem3A_379, %dma_start3A_606, %dma_start3A_607, %dma_start3A_608, %dma_start3A_609, %dma_start3A_610] : memref<2x1x1x1x20x128xi32, #tpu.memory_space<vmem>> -> memref<1x1x1x1x20x128xi32, #tpu.memory_space<vmem>>
        %dma_start3A_612 = tpu.memref_squeeze %dma_start3A_611 : memref<1x1x1x1x20x128xi32, #tpu.memory_space<vmem>> -> memref<1x1x1x20x128xi32, #tpu.memory_space<vmem>>
        %dma_start3A_613 = arith.constant 0 : i32
        %dma_start3A_614 = tpu.memref_slice %dma_start3A_612[%dma_start3A_602, %dma_start3A_603, %dma_start3A_604, %dma_start3A_605, %dma_start3A_613] : memref<1x1x1x20x128xi32, #tpu.memory_space<vmem>> -> memref<1x1x1x1x128xi32, #tpu.memory_space<vmem>>
        %dma_start3A_615 = tpu.memref_squeeze %dma_start3A_614 : memref<1x1x1x1x128xi32, #tpu.memory_space<vmem>> -> memref<128xi32, #tpu.memory_space<vmem>>
        %dma_start3A_616 = arith.constant 0 : i32
        %dma_start3A_617 = arith.constant 0 : i32
        %dma_start3A_618 = tpu.memref_slice %arg2[%dma_start3A_616, %dma_start3A_617] : memref<10000x128xf32, #tpu.memory_space<hbm>> -> memref<10000x128xf32, #tpu.memory_space<hbm>>
        tpu.enqueue_indirect_dma source(%dma_start3A_618 : memref<10000x128xf32, #tpu.memory_space<hbm>>) target(%arg6 : memref<128x128xf32, #tpu.memory_space<vmem>>) offsets(%dma_start3A_615 : memref<128xi32, #tpu.memory_space<vmem>>) semaphore(%arg8 : memref<!tpu.dma_semaphore, #tpu.memory_space<semaphore_mem>>)
        %dma_wait3A_619 = arith.constant 0 : i32
        %dma_wait3A_620 = arith.constant 0 : i32
        %dma_wait3A_621 = arith.constant 0 : i32
        %dma_wait3A_622 = arith.constant 3 : i32
        %dma_wait3A_623 = arith.constant 0 : i32
        %dma_wait3A_624 = arith.constant 0 : i32
        %dma_wait3A_625 = arith.constant 0 : i32
        %dma_wait3A_626 = arith.constant 0 : i32
        %dma_wait3A_627 = arith.constant 0 : i32
        %dma_wait3A_628 = tpu.memref_slice %run_scoped3A[%rem3A_379, %dma_wait3A_623, %dma_wait3A_624, %dma_wait3A_625, %dma_wait3A_626, %dma_wait3A_627] : memref<2x1x1x1x20x128xi32, #tpu.memory_space<vmem>> -> memref<1x1x1x1x20x128xi32, #tpu.memory_space<vmem>>
        %dma_wait3A_629 = tpu.memref_squeeze %dma_wait3A_628 : memref<1x1x1x1x20x128xi32, #tpu.memory_space<vmem>> -> memref<1x1x1x20x128xi32, #tpu.memory_space<vmem>>
        %dma_wait3A_630 = arith.constant 0 : i32
        %dma_wait3A_631 = tpu.memref_slice %dma_wait3A_629[%dma_wait3A_619, %dma_wait3A_620, %dma_wait3A_621, %dma_wait3A_622, %dma_wait3A_630] : memref<1x1x1x20x128xi32, #tpu.memory_space<vmem>> -> memref<1x1x1x1x128xi32, #tpu.memory_space<vmem>>
        %dma_wait3A_632 = tpu.memref_squeeze %dma_wait3A_631 : memref<1x1x1x1x128xi32, #tpu.memory_space<vmem>> -> memref<128xi32, #tpu.memory_space<vmem>>
        %dma_wait3A_633 = arith.constant 0 : i32
        %dma_wait3A_634 = arith.constant 0 : i32
        %dma_wait3A_635 = tpu.memref_slice %arg2[%dma_wait3A_633, %dma_wait3A_634] : memref<10000x128xf32, #tpu.memory_space<hbm>> -> memref<10000x128xf32, #tpu.memory_space<hbm>>
        tpu.wait_indirect_dma semaphore(%arg9 : memref<!tpu.dma_semaphore, #tpu.memory_space<semaphore_mem>>) src(%dma_wait3A_635 : memref<10000x128xf32, #tpu.memory_space<hbm>>) dst(%arg7 : memref<128x128xf32, #tpu.memory_space<vmem>>)
        %dma_start3A_636 = arith.constant 0 : i32
        %dma_start3A_637 = arith.constant 0 : i32
        %dma_start3A_638 = arith.constant 0 : i32
        %dma_start3A_639 = arith.constant 3 : i32
        %dma_start3A_640 = arith.constant 0 : i32
        %dma_start3A_641 = arith.constant 0 : i32
        %dma_start3A_642 = arith.constant 0 : i32
        %dma_start3A_643 = arith.constant 0 : i32
        %dma_start3A_644 = arith.constant 0 : i32
        %dma_start3A_645 = tpu.memref_slice %run_scoped3A_27[%rem3A_381, %dma_start3A_640, %dma_start3A_641, %dma_start3A_642, %dma_start3A_643, %dma_start3A_644] : memref<2x1x1x1x20x128xi32, #tpu.memory_space<vmem>> -> memref<1x1x1x1x20x128xi32, #tpu.memory_space<vmem>>
        %dma_start3A_646 = tpu.memref_squeeze %dma_start3A_645 : memref<1x1x1x1x20x128xi32, #tpu.memory_space<vmem>> -> memref<1x1x1x20x128xi32, #tpu.memory_space<vmem>>
        %dma_start3A_647 = arith.constant 0 : i32
        %dma_start3A_648 = tpu.memref_slice %dma_start3A_646[%dma_start3A_636, %dma_start3A_637, %dma_start3A_638, %dma_start3A_639, %dma_start3A_647] : memref<1x1x1x20x128xi32, #tpu.memory_space<vmem>> -> memref<1x1x1x1x128xi32, #tpu.memory_space<vmem>>
        %dma_start3A_649 = tpu.memref_squeeze %dma_start3A_648 : memref<1x1x1x1x128xi32, #tpu.memory_space<vmem>> -> memref<128xi32, #tpu.memory_space<vmem>>
        %dma_start3A_650 = arith.constant 0 : i32
        %dma_start3A_651 = arith.constant 0 : i32
        %dma_start3A_652 = tpu.memref_slice %arg5[%dma_start3A_650, %dma_start3A_651] : memref<10112x128xf32, #tpu.memory_space<vmem_shared>> -> memref<10112x128xf32, #tpu.memory_space<vmem_shared>>
        tpu.enqueue_indirect_dma source(%arg7 : memref<128x128xf32, #tpu.memory_space<vmem>>) target(%dma_start3A_652 : memref<10112x128xf32, #tpu.memory_space<vmem_shared>>) offsets(%dma_start3A_649 : memref<128xi32, #tpu.memory_space<vmem>>) semaphore(%arg11 : memref<!tpu.dma_semaphore, #tpu.memory_space<semaphore_mem>>) {add = true}
        %dma_wait3A_653 = arith.constant 0 : i32
        %dma_wait3A_654 = arith.constant 0 : i32
        %dma_wait3A_655 = arith.constant 0 : i32
        %dma_wait3A_656 = arith.constant 3 : i32
        %dma_wait3A_657 = arith.constant 0 : i32
        %dma_wait3A_658 = arith.constant 0 : i32
        %dma_wait3A_659 = arith.constant 0 : i32
        %dma_wait3A_660 = arith.constant 0 : i32
        %dma_wait3A_661 = arith.constant 0 : i32
        %dma_wait3A_662 = tpu.memref_slice %run_scoped3A_27[%rem3A_381, %dma_wait3A_657, %dma_wait3A_658, %dma_wait3A_659, %dma_wait3A_660, %dma_wait3A_661] : memref<2x1x1x1x20x128xi32, #tpu.memory_space<vmem>> -> memref<1x1x1x1x20x128xi32, #tpu.memory_space<vmem>>
        %dma_wait3A_663 = tpu.memref_squeeze %dma_wait3A_662 : memref<1x1x1x1x20x128xi32, #tpu.memory_space<vmem>> -> memref<1x1x1x20x128xi32, #tpu.memory_space<vmem>>
        %dma_wait3A_664 = arith.constant 0 : i32
        %dma_wait3A_665 = tpu.memref_slice %dma_wait3A_663[%dma_wait3A_653, %dma_wait3A_654, %dma_wait3A_655, %dma_wait3A_656, %dma_wait3A_664] : memref<1x1x1x20x128xi32, #tpu.memory_space<vmem>> -> memref<1x1x1x1x128xi32, #tpu.memory_space<vmem>>
        %dma_wait3A_666 = tpu.memref_squeeze %dma_wait3A_665 : memref<1x1x1x1x128xi32, #tpu.memory_space<vmem>> -> memref<128xi32, #tpu.memory_space<vmem>>
        %dma_wait3A_667 = arith.constant 0 : i32
        %dma_wait3A_668 = arith.constant 0 : i32
        %dma_wait3A_669 = tpu.memref_slice %arg5[%dma_wait3A_667, %dma_wait3A_668] : memref<10112x128xf32, #tpu.memory_space<vmem_shared>> -> memref<10112x128xf32, #tpu.memory_space<vmem_shared>>
        tpu.wait_indirect_dma semaphore(%arg11 : memref<!tpu.dma_semaphore, #tpu.memory_space<semaphore_mem>>) src(%arg7 : memref<128x128xf32, #tpu.memory_space<vmem>>) dst(%dma_wait3A_669 : memref<10112x128xf32, #tpu.memory_space<vmem_shared>>)
        %dma_start3A_670 = arith.constant 0 : i32
        %dma_start3A_671 = arith.constant 0 : i32
        %dma_start3A_672 = arith.constant 0 : i32
        %dma_start3A_673 = arith.constant 5 : i32
        %dma_start3A_674 = arith.constant 0 : i32
        %dma_start3A_675 = arith.constant 0 : i32
        %dma_start3A_676 = arith.constant 0 : i32
        %dma_start3A_677 = arith.constant 0 : i32
        %dma_start3A_678 = arith.constant 0 : i32
        %dma_start3A_679 = tpu.memref_slice %run_scoped3A[%rem3A_379, %dma_start3A_674, %dma_start3A_675, %dma_start3A_676, %dma_start3A_677, %dma_start3A_678] : memref<2x1x1x1x20x128xi32, #tpu.memory_space<vmem>> -> memref<1x1x1x1x20x128xi32, #tpu.memory_space<vmem>>
        %dma_start3A_680 = tpu.memref_squeeze %dma_start3A_679 : memref<1x1x1x1x20x128xi32, #tpu.memory_space<vmem>> -> memref<1x1x1x20x128xi32, #tpu.memory_space<vmem>>
        %dma_start3A_681 = arith.constant 0 : i32
        %dma_start3A_682 = tpu.memref_slice %dma_start3A_680[%dma_start3A_670, %dma_start3A_671, %dma_start3A_672, %dma_start3A_673, %dma_start3A_681] : memref<1x1x1x20x128xi32, #tpu.memory_space<vmem>> -> memref<1x1x1x1x128xi32, #tpu.memory_space<vmem>>
        %dma_start3A_683 = tpu.memref_squeeze %dma_start3A_682 : memref<1x1x1x1x128xi32, #tpu.memory_space<vmem>> -> memref<128xi32, #tpu.memory_space<vmem>>
        %dma_start3A_684 = arith.constant 0 : i32
        %dma_start3A_685 = arith.constant 0 : i32
        %dma_start3A_686 = tpu.memref_slice %arg2[%dma_start3A_684, %dma_start3A_685] : memref<10000x128xf32, #tpu.memory_space<hbm>> -> memref<10000x128xf32, #tpu.memory_space<hbm>>
        tpu.enqueue_indirect_dma source(%dma_start3A_686 : memref<10000x128xf32, #tpu.memory_space<hbm>>) target(%arg7 : memref<128x128xf32, #tpu.memory_space<vmem>>) offsets(%dma_start3A_683 : memref<128xi32, #tpu.memory_space<vmem>>) semaphore(%arg9 : memref<!tpu.dma_semaphore, #tpu.memory_space<semaphore_mem>>)
        %dma_wait3A_687 = arith.constant 0 : i32
        %dma_wait3A_688 = arith.constant 0 : i32
        %dma_wait3A_689 = arith.constant 0 : i32
        %dma_wait3A_690 = arith.constant 4 : i32
        %dma_wait3A_691 = arith.constant 0 : i32
        %dma_wait3A_692 = arith.constant 0 : i32
        %dma_wait3A_693 = arith.constant 0 : i32
        %dma_wait3A_694 = arith.constant 0 : i32
        %dma_wait3A_695 = arith.constant 0 : i32
        %dma_wait3A_696 = tpu.memref_slice %run_scoped3A[%rem3A_379, %dma_wait3A_691, %dma_wait3A_692, %dma_wait3A_693, %dma_wait3A_694, %dma_wait3A_695] : memref<2x1x1x1x20x128xi32, #tpu.memory_space<vmem>> -> memref<1x1x1x1x20x128xi32, #tpu.memory_space<vmem>>
        %dma_wait3A_697 = tpu.memref_squeeze %dma_wait3A_696 : memref<1x1x1x1x20x128xi32, #tpu.memory_space<vmem>> -> memref<1x1x1x20x128xi32, #tpu.memory_space<vmem>>
        %dma_wait3A_698 = arith.constant 0 : i32
        %dma_wait3A_699 = tpu.memref_slice %dma_wait3A_697[%dma_wait3A_687, %dma_wait3A_688, %dma_wait3A_689, %dma_wait3A_690, %dma_wait3A_698] : memref<1x1x1x20x128xi32, #tpu.memory_space<vmem>> -> memref<1x1x1x1x128xi32, #tpu.memory_space<vmem>>
        %dma_wait3A_700 = tpu.memref_squeeze %dma_wait3A_699 : memref<1x1x1x1x128xi32, #tpu.memory_space<vmem>> -> memref<128xi32, #tpu.memory_space<vmem>>
        %dma_wait3A_701 = arith.constant 0 : i32
        %dma_wait3A_702 = arith.constant 0 : i32
        %dma_wait3A_703 = tpu.memref_slice %arg2[%dma_wait3A_701, %dma_wait3A_702] : memref<10000x128xf32, #tpu.memory_space<hbm>> -> memref<10000x128xf32, #tpu.memory_space<hbm>>
        tpu.wait_indirect_dma semaphore(%arg8 : memref<!tpu.dma_semaphore, #tpu.memory_space<semaphore_mem>>) src(%dma_wait3A_703 : memref<10000x128xf32, #tpu.memory_space<hbm>>) dst(%arg6 : memref<128x128xf32, #tpu.memory_space<vmem>>)
        %dma_start3A_704 = arith.constant 0 : i32
        %dma_start3A_705 = arith.constant 0 : i32
        %dma_start3A_706 = arith.constant 0 : i32
        %dma_start3A_707 = arith.constant 4 : i32
        %dma_start3A_708 = arith.constant 0 : i32
        %dma_start3A_709 = arith.constant 0 : i32
        %dma_start3A_710 = arith.constant 0 : i32
        %dma_start3A_711 = arith.constant 0 : i32
        %dma_start3A_712 = arith.constant 0 : i32
        %dma_start3A_713 = tpu.memref_slice %run_scoped3A_27[%rem3A_381, %dma_start3A_708, %dma_start3A_709, %dma_start3A_710, %dma_start3A_711, %dma_start3A_712] : memref<2x1x1x1x20x128xi32, #tpu.memory_space<vmem>> -> memref<1x1x1x1x20x128xi32, #tpu.memory_space<vmem>>
        %dma_start3A_714 = tpu.memref_squeeze %dma_start3A_713 : memref<1x1x1x1x20x128xi32, #tpu.memory_space<vmem>> -> memref<1x1x1x20x128xi32, #tpu.memory_space<vmem>>
        %dma_start3A_715 = arith.constant 0 : i32
        %dma_start3A_716 = tpu.memref_slice %dma_start3A_714[%dma_start3A_704, %dma_start3A_705, %dma_start3A_706, %dma_start3A_707, %dma_start3A_715] : memref<1x1x1x20x128xi32, #tpu.memory_space<vmem>> -> memref<1x1x1x1x128xi32, #tpu.memory_space<vmem>>
        %dma_start3A_717 = tpu.memref_squeeze %dma_start3A_716 : memref<1x1x1x1x128xi32, #tpu.memory_space<vmem>> -> memref<128xi32, #tpu.memory_space<vmem>>
        %dma_start3A_718 = arith.constant 0 : i32
        %dma_start3A_719 = arith.constant 0 : i32
        %dma_start3A_720 = tpu.memref_slice %arg5[%dma_start3A_718, %dma_start3A_719] : memref<10112x128xf32, #tpu.memory_space<vmem_shared>> -> memref<10112x128xf32, #tpu.memory_space<vmem_shared>>
        tpu.enqueue_indirect_dma source(%arg6 : memref<128x128xf32, #tpu.memory_space<vmem>>) target(%dma_start3A_720 : memref<10112x128xf32, #tpu.memory_space<vmem_shared>>) offsets(%dma_start3A_717 : memref<128xi32, #tpu.memory_space<vmem>>) semaphore(%arg10 : memref<!tpu.dma_semaphore, #tpu.memory_space<semaphore_mem>>) {add = true}
        %dma_wait3A_721 = arith.constant 0 : i32
        %dma_wait3A_722 = arith.constant 0 : i32
        %dma_wait3A_723 = arith.constant 0 : i32
        %dma_wait3A_724 = arith.constant 4 : i32
        %dma_wait3A_725 = arith.constant 0 : i32
        %dma_wait3A_726 = arith.constant 0 : i32
        %dma_wait3A_727 = arith.constant 0 : i32
        %dma_wait3A_728 = arith.constant 0 : i32
        %dma_wait3A_729 = arith.constant 0 : i32
        %dma_wait3A_730 = tpu.memref_slice %run_scoped3A_27[%rem3A_381, %dma_wait3A_725, %dma_wait3A_726, %dma_wait3A_727, %dma_wait3A_728, %dma_wait3A_729] : memref<2x1x1x1x20x128xi32, #tpu.memory_space<vmem>> -> memref<1x1x1x1x20x128xi32, #tpu.memory_space<vmem>>
        %dma_wait3A_731 = tpu.memref_squeeze %dma_wait3A_730 : memref<1x1x1x1x20x128xi32, #tpu.memory_space<vmem>> -> memref<1x1x1x20x128xi32, #tpu.memory_space<vmem>>
        %dma_wait3A_732 = arith.constant 0 : i32
        %dma_wait3A_733 = tpu.memref_slice %dma_wait3A_731[%dma_wait3A_721, %dma_wait3A_722, %dma_wait3A_723, %dma_wait3A_724, %dma_wait3A_732] : memref<1x1x1x20x128xi32, #tpu.memory_space<vmem>> -> memref<1x1x1x1x128xi32, #tpu.memory_space<vmem>>
        %dma_wait3A_734 = tpu.memref_squeeze %dma_wait3A_733 : memref<1x1x1x1x128xi32, #tpu.memory_space<vmem>> -> memref<128xi32, #tpu.memory_space<vmem>>
        %dma_wait3A_735 = arith.constant 0 : i32
        %dma_wait3A_736 = arith.constant 0 : i32
        %dma_wait3A_737 = tpu.memref_slice %arg5[%dma_wait3A_735, %dma_wait3A_736] : memref<10112x128xf32, #tpu.memory_space<vmem_shared>> -> memref<10112x128xf32, #tpu.memory_space<vmem_shared>>
        tpu.wait_indirect_dma semaphore(%arg10 : memref<!tpu.dma_semaphore, #tpu.memory_space<semaphore_mem>>) src(%arg6 : memref<128x128xf32, #tpu.memory_space<vmem>>) dst(%dma_wait3A_737 : memref<10112x128xf32, #tpu.memory_space<vmem_shared>>)
        %dma_start3A_738 = arith.constant 0 : i32
        %dma_start3A_739 = arith.constant 0 : i32
        %dma_start3A_740 = arith.constant 0 : i32
        %dma_start3A_741 = arith.constant 6 : i32
        %dma_start3A_742 = arith.constant 0 : i32
        %dma_start3A_743 = arith.constant 0 : i32
        %dma_start3A_744 = arith.constant 0 : i32
        %dma_start3A_745 = arith.constant 0 : i32
        %dma_start3A_746 = arith.constant 0 : i32
        %dma_start3A_747 = tpu.memref_slice %run_scoped3A[%rem3A_379, %dma_start3A_742, %dma_start3A_743, %dma_start3A_744, %dma_start3A_745, %dma_start3A_746] : memref<2x1x1x1x20x128xi32, #tpu.memory_space<vmem>> -> memref<1x1x1x1x20x128xi32, #tpu.memory_space<vmem>>
        %dma_start3A_748 = tpu.memref_squeeze %dma_start3A_747 : memref<1x1x1x1x20x128xi32, #tpu.memory_space<vmem>> -> memref<1x1x1x20x128xi32, #tpu.memory_space<vmem>>
        %dma_start3A_749 = arith.constant 0 : i32
        %dma_start3A_750 = tpu.memref_slice %dma_start3A_748[%dma_start3A_738, %dma_start3A_739, %dma_start3A_740, %dma_start3A_741, %dma_start3A_749] : memref<1x1x1x20x128xi32, #tpu.memory_space<vmem>> -> memref<1x1x1x1x128xi32, #tpu.memory_space<vmem>>
        %dma_start3A_751 = tpu.memref_squeeze %dma_start3A_750 : memref<1x1x1x1x128xi32, #tpu.memory_space<vmem>> -> memref<128xi32, #tpu.memory_space<vmem>>
        %dma_start3A_752 = arith.constant 0 : i32
        %dma_start3A_753 = arith.constant 0 : i32
        %dma_start3A_754 = tpu.memref_slice %arg2[%dma_start3A_752, %dma_start3A_753] : memref<10000x128xf32, #tpu.memory_space<hbm>> -> memref<10000x128xf32, #tpu.memory_space<hbm>>
        tpu.enqueue_indirect_dma source(%dma_start3A_754 : memref<10000x128xf32, #tpu.memory_space<hbm>>) target(%arg6 : memref<128x128xf32, #tpu.memory_space<vmem>>) offsets(%dma_start3A_751 : memref<128xi32, #tpu.memory_space<vmem>>) semaphore(%arg8 : memref<!tpu.dma_semaphore, #tpu.memory_space<semaphore_mem>>)
        %dma_wait3A_755 = arith.constant 0 : i32
        %dma_wait3A_756 = arith.constant 0 : i32
        %dma_wait3A_757 = arith.constant 0 : i32
        %dma_wait3A_758 = arith.constant 5 : i32
        %dma_wait3A_759 = arith.constant 0 : i32
        %dma_wait3A_760 = arith.constant 0 : i32
        %dma_wait3A_761 = arith.constant 0 : i32
        %dma_wait3A_762 = arith.constant 0 : i32
        %dma_wait3A_763 = arith.constant 0 : i32
        %dma_wait3A_764 = tpu.memref_slice %run_scoped3A[%rem3A_379, %dma_wait3A_759, %dma_wait3A_760, %dma_wait3A_761, %dma_wait3A_762, %dma_wait3A_763] : memref<2x1x1x1x20x128xi32, #tpu.memory_space<vmem>> -> memref<1x1x1x1x20x128xi32, #tpu.memory_space<vmem>>
        %dma_wait3A_765 = tpu.memref_squeeze %dma_wait3A_764 : memref<1x1x1x1x20x128xi32, #tpu.memory_space<vmem>> -> memref<1x1x1x20x128xi32, #tpu.memory_space<vmem>>
        %dma_wait3A_766 = arith.constant 0 : i32
        %dma_wait3A_767 = tpu.memref_slice %dma_wait3A_765[%dma_wait3A_755, %dma_wait3A_756, %dma_wait3A_757, %dma_wait3A_758, %dma_wait3A_766] : memref<1x1x1x20x128xi32, #tpu.memory_space<vmem>> -> memref<1x1x1x1x128xi32, #tpu.memory_space<vmem>>
        %dma_wait3A_768 = tpu.memref_squeeze %dma_wait3A_767 : memref<1x1x1x1x128xi32, #tpu.memory_space<vmem>> -> memref<128xi32, #tpu.memory_space<vmem>>
        %dma_wait3A_769 = arith.constant 0 : i32
        %dma_wait3A_770 = arith.constant 0 : i32
        %dma_wait3A_771 = tpu.memref_slice %arg2[%dma_wait3A_769, %dma_wait3A_770] : memref<10000x128xf32, #tpu.memory_space<hbm>> -> memref<10000x128xf32, #tpu.memory_space<hbm>>
        tpu.wait_indirect_dma semaphore(%arg9 : memref<!tpu.dma_semaphore, #tpu.memory_space<semaphore_mem>>) src(%dma_wait3A_771 : memref<10000x128xf32, #tpu.memory_space<hbm>>) dst(%arg7 : memref<128x128xf32, #tpu.memory_space<vmem>>)
        %dma_start3A_772 = arith.constant 0 : i32
        %dma_start3A_773 = arith.constant 0 : i32
        %dma_start3A_774 = arith.constant 0 : i32
        %dma_start3A_775 = arith.constant 5 : i32
        %dma_start3A_776 = arith.constant 0 : i32
        %dma_start3A_777 = arith.constant 0 : i32
        %dma_start3A_778 = arith.constant 0 : i32
        %dma_start3A_779 = arith.constant 0 : i32
        %dma_start3A_780 = arith.constant 0 : i32
        %dma_start3A_781 = tpu.memref_slice %run_scoped3A_27[%rem3A_381, %dma_start3A_776, %dma_start3A_777, %dma_start3A_778, %dma_start3A_779, %dma_start3A_780] : memref<2x1x1x1x20x128xi32, #tpu.memory_space<vmem>> -> memref<1x1x1x1x20x128xi32, #tpu.memory_space<vmem>>
        %dma_start3A_782 = tpu.memref_squeeze %dma_start3A_781 : memref<1x1x1x1x20x128xi32, #tpu.memory_space<vmem>> -> memref<1x1x1x20x128xi32, #tpu.memory_space<vmem>>
        %dma_start3A_783 = arith.constant 0 : i32
        %dma_start3A_784 = tpu.memref_slice %dma_start3A_782[%dma_start3A_772, %dma_start3A_773, %dma_start3A_774, %dma_start3A_775, %dma_start3A_783] : memref<1x1x1x20x128xi32, #tpu.memory_space<vmem>> -> memref<1x1x1x1x128xi32, #tpu.memory_space<vmem>>
        %dma_start3A_785 = tpu.memref_squeeze %dma_start3A_784 : memref<1x1x1x1x128xi32, #tpu.memory_space<vmem>> -> memref<128xi32, #tpu.memory_space<vmem>>
        %dma_start3A_786 = arith.constant 0 : i32
        %dma_start3A_787 = arith.constant 0 : i32
        %dma_start3A_788 = tpu.memref_slice %arg5[%dma_start3A_786, %dma_start3A_787] : memref<10112x128xf32, #tpu.memory_space<vmem_shared>> -> memref<10112x128xf32, #tpu.memory_space<vmem_shared>>
        tpu.enqueue_indirect_dma source(%arg7 : memref<128x128xf32, #tpu.memory_space<vmem>>) target(%dma_start3A_788 : memref<10112x128xf32, #tpu.memory_space<vmem_shared>>) offsets(%dma_start3A_785 : memref<128xi32, #tpu.memory_space<vmem>>) semaphore(%arg11 : memref<!tpu.dma_semaphore, #tpu.memory_space<semaphore_mem>>) {add = true}
        %dma_wait3A_789 = arith.constant 0 : i32
        %dma_wait3A_790 = arith.constant 0 : i32
        %dma_wait3A_791 = arith.constant 0 : i32
        %dma_wait3A_792 = arith.constant 5 : i32
        %dma_wait3A_793 = arith.constant 0 : i32
        %dma_wait3A_794 = arith.constant 0 : i32
        %dma_wait3A_795 = arith.constant 0 : i32
        %dma_wait3A_796 = arith.constant 0 : i32
        %dma_wait3A_797 = arith.constant 0 : i32
        %dma_wait3A_798 = tpu.memref_slice %run_scoped3A_27[%rem3A_381, %dma_wait3A_793, %dma_wait3A_794, %dma_wait3A_795, %dma_wait3A_796, %dma_wait3A_797] : memref<2x1x1x1x20x128xi32, #tpu.memory_space<vmem>> -> memref<1x1x1x1x20x128xi32, #tpu.memory_space<vmem>>
        %dma_wait3A_799 = tpu.memref_squeeze %dma_wait3A_798 : memref<1x1x1x1x20x128xi32, #tpu.memory_space<vmem>> -> memref<1x1x1x20x128xi32, #tpu.memory_space<vmem>>
        %dma_wait3A_800 = arith.constant 0 : i32
        %dma_wait3A_801 = tpu.memref_slice %dma_wait3A_799[%dma_wait3A_789, %dma_wait3A_790, %dma_wait3A_791, %dma_wait3A_792, %dma_wait3A_800] : memref<1x1x1x20x128xi32, #tpu.memory_space<vmem>> -> memref<1x1x1x1x128xi32, #tpu.memory_space<vmem>>
        %dma_wait3A_802 = tpu.memref_squeeze %dma_wait3A_801 : memref<1x1x1x1x128xi32, #tpu.memory_space<vmem>> -> memref<128xi32, #tpu.memory_space<vmem>>
        %dma_wait3A_803 = arith.constant 0 : i32
        %dma_wait3A_804 = arith.constant 0 : i32
        %dma_wait3A_805 = tpu.memref_slice %arg5[%dma_wait3A_803, %dma_wait3A_804] : memref<10112x128xf32, #tpu.memory_space<vmem_shared>> -> memref<10112x128xf32, #tpu.memory_space<vmem_shared>>
        tpu.wait_indirect_dma semaphore(%arg11 : memref<!tpu.dma_semaphore, #tpu.memory_space<semaphore_mem>>) src(%arg7 : memref<128x128xf32, #tpu.memory_space<vmem>>) dst(%dma_wait3A_805 : memref<10112x128xf32, #tpu.memory_space<vmem_shared>>)
        %dma_start3A_806 = arith.constant 0 : i32
        %dma_start3A_807 = arith.constant 0 : i32
        %dma_start3A_808 = arith.constant 0 : i32
        %dma_start3A_809 = arith.constant 7 : i32
        %dma_start3A_810 = arith.constant 0 : i32
        %dma_start3A_811 = arith.constant 0 : i32
        %dma_start3A_812 = arith.constant 0 : i32
        %dma_start3A_813 = arith.constant 0 : i32
        %dma_start3A_814 = arith.constant 0 : i32
        %dma_start3A_815 = tpu.memref_slice %run_scoped3A[%rem3A_379, %dma_start3A_810, %dma_start3A_811, %dma_start3A_812, %dma_start3A_813, %dma_start3A_814] : memref<2x1x1x1x20x128xi32, #tpu.memory_space<vmem>> -> memref<1x1x1x1x20x128xi32, #tpu.memory_space<vmem>>
        %dma_start3A_816 = tpu.memref_squeeze %dma_start3A_815 : memref<1x1x1x1x20x128xi32, #tpu.memory_space<vmem>> -> memref<1x1x1x20x128xi32, #tpu.memory_space<vmem>>
        %dma_start3A_817 = arith.constant 0 : i32
        %dma_start3A_818 = tpu.memref_slice %dma_start3A_816[%dma_start3A_806, %dma_start3A_807, %dma_start3A_808, %dma_start3A_809, %dma_start3A_817] : memref<1x1x1x20x128xi32, #tpu.memory_space<vmem>> -> memref<1x1x1x1x128xi32, #tpu.memory_space<vmem>>
        %dma_start3A_819 = tpu.memref_squeeze %dma_start3A_818 : memref<1x1x1x1x128xi32, #tpu.memory_space<vmem>> -> memref<128xi32, #tpu.memory_space<vmem>>
        %dma_start3A_820 = arith.constant 0 : i32
        %dma_start3A_821 = arith.constant 0 : i32
        %dma_start3A_822 = tpu.memref_slice %arg2[%dma_start3A_820, %dma_start3A_821] : memref<10000x128xf32, #tpu.memory_space<hbm>> -> memref<10000x128xf32, #tpu.memory_space<hbm>>
        tpu.enqueue_indirect_dma source(%dma_start3A_822 : memref<10000x128xf32, #tpu.memory_space<hbm>>) target(%arg7 : memref<128x128xf32, #tpu.memory_space<vmem>>) offsets(%dma_start3A_819 : memref<128xi32, #tpu.memory_space<vmem>>) semaphore(%arg9 : memref<!tpu.dma_semaphore, #tpu.memory_space<semaphore_mem>>)
        %dma_wait3A_823 = arith.constant 0 : i32
        %dma_wait3A_824 = arith.constant 0 : i32
        %dma_wait3A_825 = arith.constant 0 : i32
        %dma_wait3A_826 = arith.constant 6 : i32
        %dma_wait3A_827 = arith.constant 0 : i32
        %dma_wait3A_828 = arith.constant 0 : i32
        %dma_wait3A_829 = arith.constant 0 : i32
        %dma_wait3A_830 = arith.constant 0 : i32
        %dma_wait3A_831 = arith.constant 0 : i32
        %dma_wait3A_832 = tpu.memref_slice %run_scoped3A[%rem3A_379, %dma_wait3A_827, %dma_wait3A_828, %dma_wait3A_829, %dma_wait3A_830, %dma_wait3A_831] : memref<2x1x1x1x20x128xi32, #tpu.memory_space<vmem>> -> memref<1x1x1x1x20x128xi32, #tpu.memory_space<vmem>>
        %dma_wait3A_833 = tpu.memref_squeeze %dma_wait3A_832 : memref<1x1x1x1x20x128xi32, #tpu.memory_space<vmem>> -> memref<1x1x1x20x128xi32, #tpu.memory_space<vmem>>
        %dma_wait3A_834 = arith.constant 0 : i32
        %dma_wait3A_835 = tpu.memref_slice %dma_wait3A_833[%dma_wait3A_823, %dma_wait3A_824, %dma_wait3A_825, %dma_wait3A_826, %dma_wait3A_834] : memref<1x1x1x20x128xi32, #tpu.memory_space<vmem>> -> memref<1x1x1x1x128xi32, #tpu.memory_space<vmem>>
        %dma_wait3A_836 = tpu.memref_squeeze %dma_wait3A_835 : memref<1x1x1x1x128xi32, #tpu.memory_space<vmem>> -> memref<128xi32, #tpu.memory_space<vmem>>
        %dma_wait3A_837 = arith.constant 0 : i32
        %dma_wait3A_838 = arith.constant 0 : i32
        %dma_wait3A_839 = tpu.memref_slice %arg2[%dma_wait3A_837, %dma_wait3A_838] : memref<10000x128xf32, #tpu.memory_space<hbm>> -> memref<10000x128xf32, #tpu.memory_space<hbm>>
        tpu.wait_indirect_dma semaphore(%arg8 : memref<!tpu.dma_semaphore, #tpu.memory_space<semaphore_mem>>) src(%dma_wait3A_839 : memref<10000x128xf32, #tpu.memory_space<hbm>>) dst(%arg6 : memref<128x128xf32, #tpu.memory_space<vmem>>)
        %dma_start3A_840 = arith.constant 0 : i32
        %dma_start3A_841 = arith.constant 0 : i32
        %dma_start3A_842 = arith.constant 0 : i32
        %dma_start3A_843 = arith.constant 6 : i32
        %dma_start3A_844 = arith.constant 0 : i32
        %dma_start3A_845 = arith.constant 0 : i32
        %dma_start3A_846 = arith.constant 0 : i32
        %dma_start3A_847 = arith.constant 0 : i32
        %dma_start3A_848 = arith.constant 0 : i32
        %dma_start3A_849 = tpu.memref_slice %run_scoped3A_27[%rem3A_381, %dma_start3A_844, %dma_start3A_845, %dma_start3A_846, %dma_start3A_847, %dma_start3A_848] : memref<2x1x1x1x20x128xi32, #tpu.memory_space<vmem>> -> memref<1x1x1x1x20x128xi32, #tpu.memory_space<vmem>>
        %dma_start3A_850 = tpu.memref_squeeze %dma_start3A_849 : memref<1x1x1x1x20x128xi32, #tpu.memory_space<vmem>> -> memref<1x1x1x20x128xi32, #tpu.memory_space<vmem>>
        %dma_start3A_851 = arith.constant 0 : i32
        %dma_start3A_852 = tpu.memref_slice %dma_start3A_850[%dma_start3A_840, %dma_start3A_841, %dma_start3A_842, %dma_start3A_843, %dma_start3A_851] : memref<1x1x1x20x128xi32, #tpu.memory_space<vmem>> -> memref<1x1x1x1x128xi32, #tpu.memory_space<vmem>>
        %dma_start3A_853 = tpu.memref_squeeze %dma_start3A_852 : memref<1x1x1x1x128xi32, #tpu.memory_space<vmem>> -> memref<128xi32, #tpu.memory_space<vmem>>
        %dma_start3A_854 = arith.constant 0 : i32
        %dma_start3A_855 = arith.constant 0 : i32
        %dma_start3A_856 = tpu.memref_slice %arg5[%dma_start3A_854, %dma_start3A_855] : memref<10112x128xf32, #tpu.memory_space<vmem_shared>> -> memref<10112x128xf32, #tpu.memory_space<vmem_shared>>
        tpu.enqueue_indirect_dma source(%arg6 : memref<128x128xf32, #tpu.memory_space<vmem>>) target(%dma_start3A_856 : memref<10112x128xf32, #tpu.memory_space<vmem_shared>>) offsets(%dma_start3A_853 : memref<128xi32, #tpu.memory_space<vmem>>) semaphore(%arg10 : memref<!tpu.dma_semaphore, #tpu.memory_space<semaphore_mem>>) {add = true}
        %dma_wait3A_857 = arith.constant 0 : i32
        %dma_wait3A_858 = arith.constant 0 : i32
        %dma_wait3A_859 = arith.constant 0 : i32
        %dma_wait3A_860 = arith.constant 6 : i32
        %dma_wait3A_861 = arith.constant 0 : i32
        %dma_wait3A_862 = arith.constant 0 : i32
        %dma_wait3A_863 = arith.constant 0 : i32
        %dma_wait3A_864 = arith.constant 0 : i32
        %dma_wait3A_865 = arith.constant 0 : i32
        %dma_wait3A_866 = tpu.memref_slice %run_scoped3A_27[%rem3A_381, %dma_wait3A_861, %dma_wait3A_862, %dma_wait3A_863, %dma_wait3A_864, %dma_wait3A_865] : memref<2x1x1x1x20x128xi32, #tpu.memory_space<vmem>> -> memref<1x1x1x1x20x128xi32, #tpu.memory_space<vmem>>
        %dma_wait3A_867 = tpu.memref_squeeze %dma_wait3A_866 : memref<1x1x1x1x20x128xi32, #tpu.memory_space<vmem>> -> memref<1x1x1x20x128xi32, #tpu.memory_space<vmem>>
        %dma_wait3A_868 = arith.constant 0 : i32
        %dma_wait3A_869 = tpu.memref_slice %dma_wait3A_867[%dma_wait3A_857, %dma_wait3A_858, %dma_wait3A_859, %dma_wait3A_860, %dma_wait3A_868] : memref<1x1x1x20x128xi32, #tpu.memory_space<vmem>> -> memref<1x1x1x1x128xi32, #tpu.memory_space<vmem>>
        %dma_wait3A_870 = tpu.memref_squeeze %dma_wait3A_869 : memref<1x1x1x1x128xi32, #tpu.memory_space<vmem>> -> memref<128xi32, #tpu.memory_space<vmem>>
        %dma_wait3A_871 = arith.constant 0 : i32
        %dma_wait3A_872 = arith.constant 0 : i32
        %dma_wait3A_873 = tpu.memref_slice %arg5[%dma_wait3A_871, %dma_wait3A_872] : memref<10112x128xf32, #tpu.memory_space<vmem_shared>> -> memref<10112x128xf32, #tpu.memory_space<vmem_shared>>
        tpu.wait_indirect_dma semaphore(%arg10 : memref<!tpu.dma_semaphore, #tpu.memory_space<semaphore_mem>>) src(%arg6 : memref<128x128xf32, #tpu.memory_space<vmem>>) dst(%dma_wait3A_873 : memref<10112x128xf32, #tpu.memory_space<vmem_shared>>)
        %dma_start3A_874 = arith.constant 0 : i32
        %dma_start3A_875 = arith.constant 0 : i32
        %dma_start3A_876 = arith.constant 0 : i32
        %dma_start3A_877 = arith.constant 8 : i32
        %dma_start3A_878 = arith.constant 0 : i32
        %dma_start3A_879 = arith.constant 0 : i32
        %dma_start3A_880 = arith.constant 0 : i32
        %dma_start3A_881 = arith.constant 0 : i32
        %dma_start3A_882 = arith.constant 0 : i32
        %dma_start3A_883 = tpu.memref_slice %run_scoped3A[%rem3A_379, %dma_start3A_878, %dma_start3A_879, %dma_start3A_880, %dma_start3A_881, %dma_start3A_882] : memref<2x1x1x1x20x128xi32, #tpu.memory_space<vmem>> -> memref<1x1x1x1x20x128xi32, #tpu.memory_space<vmem>>
        %dma_start3A_884 = tpu.memref_squeeze %dma_start3A_883 : memref<1x1x1x1x20x128xi32, #tpu.memory_space<vmem>> -> memref<1x1x1x20x128xi32, #tpu.memory_space<vmem>>
        %dma_start3A_885 = arith.constant 0 : i32
        %dma_start3A_886 = tpu.memref_slice %dma_start3A_884[%dma_start3A_874, %dma_start3A_875, %dma_start3A_876, %dma_start3A_877, %dma_start3A_885] : memref<1x1x1x20x128xi32, #tpu.memory_space<vmem>> -> memref<1x1x1x1x128xi32, #tpu.memory_space<vmem>>
        %dma_start3A_887 = tpu.memref_squeeze %dma_start3A_886 : memref<1x1x1x1x128xi32, #tpu.memory_space<vmem>> -> memref<128xi32, #tpu.memory_space<vmem>>
        %dma_start3A_888 = arith.constant 0 : i32
        %dma_start3A_889 = arith.constant 0 : i32
        %dma_start3A_890 = tpu.memref_slice %arg2[%dma_start3A_888, %dma_start3A_889] : memref<10000x128xf32, #tpu.memory_space<hbm>> -> memref<10000x128xf32, #tpu.memory_space<hbm>>
        tpu.enqueue_indirect_dma source(%dma_start3A_890 : memref<10000x128xf32, #tpu.memory_space<hbm>>) target(%arg6 : memref<128x128xf32, #tpu.memory_space<vmem>>) offsets(%dma_start3A_887 : memref<128xi32, #tpu.memory_space<vmem>>) semaphore(%arg8 : memref<!tpu.dma_semaphore, #tpu.memory_space<semaphore_mem>>)
        %dma_wait3A_891 = arith.constant 0 : i32
        %dma_wait3A_892 = arith.constant 0 : i32
        %dma_wait3A_893 = arith.constant 0 : i32
        %dma_wait3A_894 = arith.constant 7 : i32
        %dma_wait3A_895 = arith.constant 0 : i32
        %dma_wait3A_896 = arith.constant 0 : i32
        %dma_wait3A_897 = arith.constant 0 : i32
        %dma_wait3A_898 = arith.constant 0 : i32
        %dma_wait3A_899 = arith.constant 0 : i32
        %dma_wait3A_900 = tpu.memref_slice %run_scoped3A[%rem3A_379, %dma_wait3A_895, %dma_wait3A_896, %dma_wait3A_897, %dma_wait3A_898, %dma_wait3A_899] : memref<2x1x1x1x20x128xi32, #tpu.memory_space<vmem>> -> memref<1x1x1x1x20x128xi32, #tpu.memory_space<vmem>>
        %dma_wait3A_901 = tpu.memref_squeeze %dma_wait3A_900 : memref<1x1x1x1x20x128xi32, #tpu.memory_space<vmem>> -> memref<1x1x1x20x128xi32, #tpu.memory_space<vmem>>
        %dma_wait3A_902 = arith.constant 0 : i32
        %dma_wait3A_903 = tpu.memref_slice %dma_wait3A_901[%dma_wait3A_891, %dma_wait3A_892, %dma_wait3A_893, %dma_wait3A_894, %dma_wait3A_902] : memref<1x1x1x20x128xi32, #tpu.memory_space<vmem>> -> memref<1x1x1x1x128xi32, #tpu.memory_space<vmem>>
        %dma_wait3A_904 = tpu.memref_squeeze %dma_wait3A_903 : memref<1x1x1x1x128xi32, #tpu.memory_space<vmem>> -> memref<128xi32, #tpu.memory_space<vmem>>
        %dma_wait3A_905 = arith.constant 0 : i32
        %dma_wait3A_906 = arith.constant 0 : i32
        %dma_wait3A_907 = tpu.memref_slice %arg2[%dma_wait3A_905, %dma_wait3A_906] : memref<10000x128xf32, #tpu.memory_space<hbm>> -> memref<10000x128xf32, #tpu.memory_space<hbm>>
        tpu.wait_indirect_dma semaphore(%arg9 : memref<!tpu.dma_semaphore, #tpu.memory_space<semaphore_mem>>) src(%dma_wait3A_907 : memref<10000x128xf32, #tpu.memory_space<hbm>>) dst(%arg7 : memref<128x128xf32, #tpu.memory_space<vmem>>)
        %dma_start3A_908 = arith.constant 0 : i32
        %dma_start3A_909 = arith.constant 0 : i32
        %dma_start3A_910 = arith.constant 0 : i32
        %dma_start3A_911 = arith.constant 7 : i32
        %dma_start3A_912 = arith.constant 0 : i32
        %dma_start3A_913 = arith.constant 0 : i32
        %dma_start3A_914 = arith.constant 0 : i32
        %dma_start3A_915 = arith.constant 0 : i32
        %dma_start3A_916 = arith.constant 0 : i32
        %dma_start3A_917 = tpu.memref_slice %run_scoped3A_27[%rem3A_381, %dma_start3A_912, %dma_start3A_913, %dma_start3A_914, %dma_start3A_915, %dma_start3A_916] : memref<2x1x1x1x20x128xi32, #tpu.memory_space<vmem>> -> memref<1x1x1x1x20x128xi32, #tpu.memory_space<vmem>>
        %dma_start3A_918 = tpu.memref_squeeze %dma_start3A_917 : memref<1x1x1x1x20x128xi32, #tpu.memory_space<vmem>> -> memref<1x1x1x20x128xi32, #tpu.memory_space<vmem>>
        %dma_start3A_919 = arith.constant 0 : i32
        %dma_start3A_920 = tpu.memref_slice %dma_start3A_918[%dma_start3A_908, %dma_start3A_909, %dma_start3A_910, %dma_start3A_911, %dma_start3A_919] : memref<1x1x1x20x128xi32, #tpu.memory_space<vmem>> -> memref<1x1x1x1x128xi32, #tpu.memory_space<vmem>>
        %dma_start3A_921 = tpu.memref_squeeze %dma_start3A_920 : memref<1x1x1x1x128xi32, #tpu.memory_space<vmem>> -> memref<128xi32, #tpu.memory_space<vmem>>
        %dma_start3A_922 = arith.constant 0 : i32
        %dma_start3A_923 = arith.constant 0 : i32
        %dma_start3A_924 = tpu.memref_slice %arg5[%dma_start3A_922, %dma_start3A_923] : memref<10112x128xf32, #tpu.memory_space<vmem_shared>> -> memref<10112x128xf32, #tpu.memory_space<vmem_shared>>
        tpu.enqueue_indirect_dma source(%arg7 : memref<128x128xf32, #tpu.memory_space<vmem>>) target(%dma_start3A_924 : memref<10112x128xf32, #tpu.memory_space<vmem_shared>>) offsets(%dma_start3A_921 : memref<128xi32, #tpu.memory_space<vmem>>) semaphore(%arg11 : memref<!tpu.dma_semaphore, #tpu.memory_space<semaphore_mem>>) {add = true}
        %dma_wait3A_925 = arith.constant 0 : i32
        %dma_wait3A_926 = arith.constant 0 : i32
        %dma_wait3A_927 = arith.constant 0 : i32
        %dma_wait3A_928 = arith.constant 7 : i32
        %dma_wait3A_929 = arith.constant 0 : i32
        %dma_wait3A_930 = arith.constant 0 : i32
        %dma_wait3A_931 = arith.constant 0 : i32
        %dma_wait3A_932 = arith.constant 0 : i32
        %dma_wait3A_933 = arith.constant 0 : i32
        %dma_wait3A_934 = tpu.memref_slice %run_scoped3A_27[%rem3A_381, %dma_wait3A_929, %dma_wait3A_930, %dma_wait3A_931, %dma_wait3A_932, %dma_wait3A_933] : memref<2x1x1x1x20x128xi32, #tpu.memory_space<vmem>> -> memref<1x1x1x1x20x128xi32, #tpu.memory_space<vmem>>
        %dma_wait3A_935 = tpu.memref_squeeze %dma_wait3A_934 : memref<1x1x1x1x20x128xi32, #tpu.memory_space<vmem>> -> memref<1x1x1x20x128xi32, #tpu.memory_space<vmem>>
        %dma_wait3A_936 = arith.constant 0 : i32
        %dma_wait3A_937 = tpu.memref_slice %dma_wait3A_935[%dma_wait3A_925, %dma_wait3A_926, %dma_wait3A_927, %dma_wait3A_928, %dma_wait3A_936] : memref<1x1x1x20x128xi32, #tpu.memory_space<vmem>> -> memref<1x1x1x1x128xi32, #tpu.memory_space<vmem>>
        %dma_wait3A_938 = tpu.memref_squeeze %dma_wait3A_937 : memref<1x1x1x1x128xi32, #tpu.memory_space<vmem>> -> memref<128xi32, #tpu.memory_space<vmem>>
        %dma_wait3A_939 = arith.constant 0 : i32
        %dma_wait3A_940 = arith.constant 0 : i32
        %dma_wait3A_941 = tpu.memref_slice %arg5[%dma_wait3A_939, %dma_wait3A_940] : memref<10112x128xf32, #tpu.memory_space<vmem_shared>> -> memref<10112x128xf32, #tpu.memory_space<vmem_shared>>
        tpu.wait_indirect_dma semaphore(%arg11 : memref<!tpu.dma_semaphore, #tpu.memory_space<semaphore_mem>>) src(%arg7 : memref<128x128xf32, #tpu.memory_space<vmem>>) dst(%dma_wait3A_941 : memref<10112x128xf32, #tpu.memory_space<vmem_shared>>)
        %dma_start3A_942 = arith.constant 0 : i32
        %dma_start3A_943 = arith.constant 0 : i32
        %dma_start3A_944 = arith.constant 0 : i32
        %dma_start3A_945 = arith.constant 9 : i32
        %dma_start3A_946 = arith.constant 0 : i32
        %dma_start3A_947 = arith.constant 0 : i32
        %dma_start3A_948 = arith.constant 0 : i32
        %dma_start3A_949 = arith.constant 0 : i32
        %dma_start3A_950 = arith.constant 0 : i32
        %dma_start3A_951 = tpu.memref_slice %run_scoped3A[%rem3A_379, %dma_start3A_946, %dma_start3A_947, %dma_start3A_948, %dma_start3A_949, %dma_start3A_950] : memref<2x1x1x1x20x128xi32, #tpu.memory_space<vmem>> -> memref<1x1x1x1x20x128xi32, #tpu.memory_space<vmem>>
        %dma_start3A_952 = tpu.memref_squeeze %dma_start3A_951 : memref<1x1x1x1x20x128xi32, #tpu.memory_space<vmem>> -> memref<1x1x1x20x128xi32, #tpu.memory_space<vmem>>
        %dma_start3A_953 = arith.constant 0 : i32
        %dma_start3A_954 = tpu.memref_slice %dma_start3A_952[%dma_start3A_942, %dma_start3A_943, %dma_start3A_944, %dma_start3A_945, %dma_start3A_953] : memref<1x1x1x20x128xi32, #tpu.memory_space<vmem>> -> memref<1x1x1x1x128xi32, #tpu.memory_space<vmem>>
        %dma_start3A_955 = tpu.memref_squeeze %dma_start3A_954 : memref<1x1x1x1x128xi32, #tpu.memory_space<vmem>> -> memref<128xi32, #tpu.memory_space<vmem>>
        %dma_start3A_956 = arith.constant 0 : i32
        %dma_start3A_957 = arith.constant 0 : i32
        %dma_start3A_958 = tpu.memref_slice %arg2[%dma_start3A_956, %dma_start3A_957] : memref<10000x128xf32, #tpu.memory_space<hbm>> -> memref<10000x128xf32, #tpu.memory_space<hbm>>
        tpu.enqueue_indirect_dma source(%dma_start3A_958 : memref<10000x128xf32, #tpu.memory_space<hbm>>) target(%arg7 : memref<128x128xf32, #tpu.memory_space<vmem>>) offsets(%dma_start3A_955 : memref<128xi32, #tpu.memory_space<vmem>>) semaphore(%arg9 : memref<!tpu.dma_semaphore, #tpu.memory_space<semaphore_mem>>)
        %dma_wait3A_959 = arith.constant 0 : i32
        %dma_wait3A_960 = arith.constant 0 : i32
        %dma_wait3A_961 = arith.constant 0 : i32
        %dma_wait3A_962 = arith.constant 8 : i32
        %dma_wait3A_963 = arith.constant 0 : i32
        %dma_wait3A_964 = arith.constant 0 : i32
        %dma_wait3A_965 = arith.constant 0 : i32
        %dma_wait3A_966 = arith.constant 0 : i32
        %dma_wait3A_967 = arith.constant 0 : i32
        %dma_wait3A_968 = tpu.memref_slice %run_scoped3A[%rem3A_379, %dma_wait3A_963, %dma_wait3A_964, %dma_wait3A_965, %dma_wait3A_966, %dma_wait3A_967] : memref<2x1x1x1x20x128xi32, #tpu.memory_space<vmem>> -> memref<1x1x1x1x20x128xi32, #tpu.memory_space<vmem>>
        %dma_wait3A_969 = tpu.memref_squeeze %dma_wait3A_968 : memref<1x1x1x1x20x128xi32, #tpu.memory_space<vmem>> -> memref<1x1x1x20x128xi32, #tpu.memory_space<vmem>>
        %dma_wait3A_970 = arith.constant 0 : i32
        %dma_wait3A_971 = tpu.memref_slice %dma_wait3A_969[%dma_wait3A_959, %dma_wait3A_960, %dma_wait3A_961, %dma_wait3A_962, %dma_wait3A_970] : memref<1x1x1x20x128xi32, #tpu.memory_space<vmem>> -> memref<1x1x1x1x128xi32, #tpu.memory_space<vmem>>
        %dma_wait3A_972 = tpu.memref_squeeze %dma_wait3A_971 : memref<1x1x1x1x128xi32, #tpu.memory_space<vmem>> -> memref<128xi32, #tpu.memory_space<vmem>>
        %dma_wait3A_973 = arith.constant 0 : i32
        %dma_wait3A_974 = arith.constant 0 : i32
        %dma_wait3A_975 = tpu.memref_slice %arg2[%dma_wait3A_973, %dma_wait3A_974] : memref<10000x128xf32, #tpu.memory_space<hbm>> -> memref<10000x128xf32, #tpu.memory_space<hbm>>
        tpu.wait_indirect_dma semaphore(%arg8 : memref<!tpu.dma_semaphore, #tpu.memory_space<semaphore_mem>>) src(%dma_wait3A_975 : memref<10000x128xf32, #tpu.memory_space<hbm>>) dst(%arg6 : memref<128x128xf32, #tpu.memory_space<vmem>>)
        %dma_start3A_976 = arith.constant 0 : i32
        %dma_start3A_977 = arith.constant 0 : i32
        %dma_start3A_978 = arith.constant 0 : i32
        %dma_start3A_979 = arith.constant 8 : i32
        %dma_start3A_980 = arith.constant 0 : i32
        %dma_start3A_981 = arith.constant 0 : i32
        %dma_start3A_982 = arith.constant 0 : i32
        %dma_start3A_983 = arith.constant 0 : i32
        %dma_start3A_984 = arith.constant 0 : i32
        %dma_start3A_985 = tpu.memref_slice %run_scoped3A_27[%rem3A_381, %dma_start3A_980, %dma_start3A_981, %dma_start3A_982, %dma_start3A_983, %dma_start3A_984] : memref<2x1x1x1x20x128xi32, #tpu.memory_space<vmem>> -> memref<1x1x1x1x20x128xi32, #tpu.memory_space<vmem>>
        %dma_start3A_986 = tpu.memref_squeeze %dma_start3A_985 : memref<1x1x1x1x20x128xi32, #tpu.memory_space<vmem>> -> memref<1x1x1x20x128xi32, #tpu.memory_space<vmem>>
        %dma_start3A_987 = arith.constant 0 : i32
        %dma_start3A_988 = tpu.memref_slice %dma_start3A_986[%dma_start3A_976, %dma_start3A_977, %dma_start3A_978, %dma_start3A_979, %dma_start3A_987] : memref<1x1x1x20x128xi32, #tpu.memory_space<vmem>> -> memref<1x1x1x1x128xi32, #tpu.memory_space<vmem>>
        %dma_start3A_989 = tpu.memref_squeeze %dma_start3A_988 : memref<1x1x1x1x128xi32, #tpu.memory_space<vmem>> -> memref<128xi32, #tpu.memory_space<vmem>>
        %dma_start3A_990 = arith.constant 0 : i32
        %dma_start3A_991 = arith.constant 0 : i32
        %dma_start3A_992 = tpu.memref_slice %arg5[%dma_start3A_990, %dma_start3A_991] : memref<10112x128xf32, #tpu.memory_space<vmem_shared>> -> memref<10112x128xf32, #tpu.memory_space<vmem_shared>>
        tpu.enqueue_indirect_dma source(%arg6 : memref<128x128xf32, #tpu.memory_space<vmem>>) target(%dma_start3A_992 : memref<10112x128xf32, #tpu.memory_space<vmem_shared>>) offsets(%dma_start3A_989 : memref<128xi32, #tpu.memory_space<vmem>>) semaphore(%arg10 : memref<!tpu.dma_semaphore, #tpu.memory_space<semaphore_mem>>) {add = true}
        %dma_wait3A_993 = arith.constant 0 : i32
        %dma_wait3A_994 = arith.constant 0 : i32
        %dma_wait3A_995 = arith.constant 0 : i32
        %dma_wait3A_996 = arith.constant 8 : i32
        %dma_wait3A_997 = arith.constant 0 : i32
        %dma_wait3A_998 = arith.constant 0 : i32
        %dma_wait3A_999 = arith.constant 0 : i32
        %dma_wait3A_1000 = arith.constant 0 : i32
        %dma_wait3A_1001 = arith.constant 0 : i32
        %dma_wait3A_1002 = tpu.memref_slice %run_scoped3A_27[%rem3A_381, %dma_wait3A_997, %dma_wait3A_998, %dma_wait3A_999, %dma_wait3A_1000, %dma_wait3A_1001] : memref<2x1x1x1x20x128xi32, #tpu.memory_space<vmem>> -> memref<1x1x1x1x20x128xi32, #tpu.memory_space<vmem>>
        %dma_wait3A_1003 = tpu.memref_squeeze %dma_wait3A_1002 : memref<1x1x1x1x20x128xi32, #tpu.memory_space<vmem>> -> memref<1x1x1x20x128xi32, #tpu.memory_space<vmem>>
        %dma_wait3A_1004 = arith.constant 0 : i32
        %dma_wait3A_1005 = tpu.memref_slice %dma_wait3A_1003[%dma_wait3A_993, %dma_wait3A_994, %dma_wait3A_995, %dma_wait3A_996, %dma_wait3A_1004] : memref<1x1x1x20x128xi32, #tpu.memory_space<vmem>> -> memref<1x1x1x1x128xi32, #tpu.memory_space<vmem>>
        %dma_wait3A_1006 = tpu.memref_squeeze %dma_wait3A_1005 : memref<1x1x1x1x128xi32, #tpu.memory_space<vmem>> -> memref<128xi32, #tpu.memory_space<vmem>>
        %dma_wait3A_1007 = arith.constant 0 : i32
        %dma_wait3A_1008 = arith.constant 0 : i32
        %dma_wait3A_1009 = tpu.memref_slice %arg5[%dma_wait3A_1007, %dma_wait3A_1008] : memref<10112x128xf32, #tpu.memory_space<vmem_shared>> -> memref<10112x128xf32, #tpu.memory_space<vmem_shared>>
        tpu.wait_indirect_dma semaphore(%arg10 : memref<!tpu.dma_semaphore, #tpu.memory_space<semaphore_mem>>) src(%arg6 : memref<128x128xf32, #tpu.memory_space<vmem>>) dst(%dma_wait3A_1009 : memref<10112x128xf32, #tpu.memory_space<vmem_shared>>)
        %dma_start3A_1010 = arith.constant 0 : i32
        %dma_start3A_1011 = arith.constant 0 : i32
        %dma_start3A_1012 = arith.constant 0 : i32
        %dma_start3A_1013 = arith.constant 10 : i32
        %dma_start3A_1014 = arith.constant 0 : i32
        %dma_start3A_1015 = arith.constant 0 : i32
        %dma_start3A_1016 = arith.constant 0 : i32
        %dma_start3A_1017 = arith.constant 0 : i32
        %dma_start3A_1018 = arith.constant 0 : i32
        %dma_start3A_1019 = tpu.memref_slice %run_scoped3A[%rem3A_379, %dma_start3A_1014, %dma_start3A_1015, %dma_start3A_1016, %dma_start3A_1017, %dma_start3A_1018] : memref<2x1x1x1x20x128xi32, #tpu.memory_space<vmem>> -> memref<1x1x1x1x20x128xi32, #tpu.memory_space<vmem>>
        %dma_start3A_1020 = tpu.memref_squeeze %dma_start3A_1019 : memref<1x1x1x1x20x128xi32, #tpu.memory_space<vmem>> -> memref<1x1x1x20x128xi32, #tpu.memory_space<vmem>>
        %dma_start3A_1021 = arith.constant 0 : i32
        %dma_start3A_1022 = tpu.memref_slice %dma_start3A_1020[%dma_start3A_1010, %dma_start3A_1011, %dma_start3A_1012, %dma_start3A_1013, %dma_start3A_1021] : memref<1x1x1x20x128xi32, #tpu.memory_space<vmem>> -> memref<1x1x1x1x128xi32, #tpu.memory_space<vmem>>
        %dma_start3A_1023 = tpu.memref_squeeze %dma_start3A_1022 : memref<1x1x1x1x128xi32, #tpu.memory_space<vmem>> -> memref<128xi32, #tpu.memory_space<vmem>>
        %dma_start3A_1024 = arith.constant 0 : i32
        %dma_start3A_1025 = arith.constant 0 : i32
        %dma_start3A_1026 = tpu.memref_slice %arg2[%dma_start3A_1024, %dma_start3A_1025] : memref<10000x128xf32, #tpu.memory_space<hbm>> -> memref<10000x128xf32, #tpu.memory_space<hbm>>
        tpu.enqueue_indirect_dma source(%dma_start3A_1026 : memref<10000x128xf32, #tpu.memory_space<hbm>>) target(%arg6 : memref<128x128xf32, #tpu.memory_space<vmem>>) offsets(%dma_start3A_1023 : memref<128xi32, #tpu.memory_space<vmem>>) semaphore(%arg8 : memref<!tpu.dma_semaphore, #tpu.memory_space<semaphore_mem>>)
        %dma_wait3A_1027 = arith.constant 0 : i32
        %dma_wait3A_1028 = arith.constant 0 : i32
        %dma_wait3A_1029 = arith.constant 0 : i32
        %dma_wait3A_1030 = arith.constant 9 : i32
        %dma_wait3A_1031 = arith.constant 0 : i32
        %dma_wait3A_1032 = arith.constant 0 : i32
        %dma_wait3A_1033 = arith.constant 0 : i32
        %dma_wait3A_1034 = arith.constant 0 : i32
        %dma_wait3A_1035 = arith.constant 0 : i32
        %dma_wait3A_1036 = tpu.memref_slice %run_scoped3A[%rem3A_379, %dma_wait3A_1031, %dma_wait3A_1032, %dma_wait3A_1033, %dma_wait3A_1034, %dma_wait3A_1035] : memref<2x1x1x1x20x128xi32, #tpu.memory_space<vmem>> -> memref<1x1x1x1x20x128xi32, #tpu.memory_space<vmem>>
        %dma_wait3A_1037 = tpu.memref_squeeze %dma_wait3A_1036 : memref<1x1x1x1x20x128xi32, #tpu.memory_space<vmem>> -> memref<1x1x1x20x128xi32, #tpu.memory_space<vmem>>
        %dma_wait3A_1038 = arith.constant 0 : i32
        %dma_wait3A_1039 = tpu.memref_slice %dma_wait3A_1037[%dma_wait3A_1027, %dma_wait3A_1028, %dma_wait3A_1029, %dma_wait3A_1030, %dma_wait3A_1038] : memref<1x1x1x20x128xi32, #tpu.memory_space<vmem>> -> memref<1x1x1x1x128xi32, #tpu.memory_space<vmem>>
        %dma_wait3A_1040 = tpu.memref_squeeze %dma_wait3A_1039 : memref<1x1x1x1x128xi32, #tpu.memory_space<vmem>> -> memref<128xi32, #tpu.memory_space<vmem>>
        %dma_wait3A_1041 = arith.constant 0 : i32
        %dma_wait3A_1042 = arith.constant 0 : i32
        %dma_wait3A_1043 = tpu.memref_slice %arg2[%dma_wait3A_1041, %dma_wait3A_1042] : memref<10000x128xf32, #tpu.memory_space<hbm>> -> memref<10000x128xf32, #tpu.memory_space<hbm>>
        tpu.wait_indirect_dma semaphore(%arg9 : memref<!tpu.dma_semaphore, #tpu.memory_space<semaphore_mem>>) src(%dma_wait3A_1043 : memref<10000x128xf32, #tpu.memory_space<hbm>>) dst(%arg7 : memref<128x128xf32, #tpu.memory_space<vmem>>)
        %dma_start3A_1044 = arith.constant 0 : i32
        %dma_start3A_1045 = arith.constant 0 : i32
        %dma_start3A_1046 = arith.constant 0 : i32
        %dma_start3A_1047 = arith.constant 9 : i32
        %dma_start3A_1048 = arith.constant 0 : i32
        %dma_start3A_1049 = arith.constant 0 : i32
        %dma_start3A_1050 = arith.constant 0 : i32
        %dma_start3A_1051 = arith.constant 0 : i32
        %dma_start3A_1052 = arith.constant 0 : i32
        %dma_start3A_1053 = tpu.memref_slice %run_scoped3A_27[%rem3A_381, %dma_start3A_1048, %dma_start3A_1049, %dma_start3A_1050, %dma_start3A_1051, %dma_start3A_1052] : memref<2x1x1x1x20x128xi32, #tpu.memory_space<vmem>> -> memref<1x1x1x1x20x128xi32, #tpu.memory_space<vmem>>
        %dma_start3A_1054 = tpu.memref_squeeze %dma_start3A_1053 : memref<1x1x1x1x20x128xi32, #tpu.memory_space<vmem>> -> memref<1x1x1x20x128xi32, #tpu.memory_space<vmem>>
        %dma_start3A_1055 = arith.constant 0 : i32
        %dma_start3A_1056 = tpu.memref_slice %dma_start3A_1054[%dma_start3A_1044, %dma_start3A_1045, %dma_start3A_1046, %dma_start3A_1047, %dma_start3A_1055] : memref<1x1x1x20x128xi32, #tpu.memory_space<vmem>> -> memref<1x1x1x1x128xi32, #tpu.memory_space<vmem>>
        %dma_start3A_1057 = tpu.memref_squeeze %dma_start3A_1056 : memref<1x1x1x1x128xi32, #tpu.memory_space<vmem>> -> memref<128xi32, #tpu.memory_space<vmem>>
        %dma_start3A_1058 = arith.constant 0 : i32
        %dma_start3A_1059 = arith.constant 0 : i32
        %dma_start3A_1060 = tpu.memref_slice %arg5[%dma_start3A_1058, %dma_start3A_1059] : memref<10112x128xf32, #tpu.memory_space<vmem_shared>> -> memref<10112x128xf32, #tpu.memory_space<vmem_shared>>
        tpu.enqueue_indirect_dma source(%arg7 : memref<128x128xf32, #tpu.memory_space<vmem>>) target(%dma_start3A_1060 : memref<10112x128xf32, #tpu.memory_space<vmem_shared>>) offsets(%dma_start3A_1057 : memref<128xi32, #tpu.memory_space<vmem>>) semaphore(%arg11 : memref<!tpu.dma_semaphore, #tpu.memory_space<semaphore_mem>>) {add = true}
        %dma_wait3A_1061 = arith.constant 0 : i32
        %dma_wait3A_1062 = arith.constant 0 : i32
        %dma_wait3A_1063 = arith.constant 0 : i32
        %dma_wait3A_1064 = arith.constant 9 : i32
        %dma_wait3A_1065 = arith.constant 0 : i32
        %dma_wait3A_1066 = arith.constant 0 : i32
        %dma_wait3A_1067 = arith.constant 0 : i32
        %dma_wait3A_1068 = arith.constant 0 : i32
        %dma_wait3A_1069 = arith.constant 0 : i32
        %dma_wait3A_1070 = tpu.memref_slice %run_scoped3A_27[%rem3A_381, %dma_wait3A_1065, %dma_wait3A_1066, %dma_wait3A_1067, %dma_wait3A_1068, %dma_wait3A_1069] : memref<2x1x1x1x20x128xi32, #tpu.memory_space<vmem>> -> memref<1x1x1x1x20x128xi32, #tpu.memory_space<vmem>>
        %dma_wait3A_1071 = tpu.memref_squeeze %dma_wait3A_1070 : memref<1x1x1x1x20x128xi32, #tpu.memory_space<vmem>> -> memref<1x1x1x20x128xi32, #tpu.memory_space<vmem>>
        %dma_wait3A_1072 = arith.constant 0 : i32
        %dma_wait3A_1073 = tpu.memref_slice %dma_wait3A_1071[%dma_wait3A_1061, %dma_wait3A_1062, %dma_wait3A_1063, %dma_wait3A_1064, %dma_wait3A_1072] : memref<1x1x1x20x128xi32, #tpu.memory_space<vmem>> -> memref<1x1x1x1x128xi32, #tpu.memory_space<vmem>>
        %dma_wait3A_1074 = tpu.memref_squeeze %dma_wait3A_1073 : memref<1x1x1x1x128xi32, #tpu.memory_space<vmem>> -> memref<128xi32, #tpu.memory_space<vmem>>
        %dma_wait3A_1075 = arith.constant 0 : i32
        %dma_wait3A_1076 = arith.constant 0 : i32
        %dma_wait3A_1077 = tpu.memref_slice %arg5[%dma_wait3A_1075, %dma_wait3A_1076] : memref<10112x128xf32, #tpu.memory_space<vmem_shared>> -> memref<10112x128xf32, #tpu.memory_space<vmem_shared>>
        tpu.wait_indirect_dma semaphore(%arg11 : memref<!tpu.dma_semaphore, #tpu.memory_space<semaphore_mem>>) src(%arg7 : memref<128x128xf32, #tpu.memory_space<vmem>>) dst(%dma_wait3A_1077 : memref<10112x128xf32, #tpu.memory_space<vmem_shared>>)
        %dma_start3A_1078 = arith.constant 0 : i32
        %dma_start3A_1079 = arith.constant 0 : i32
        %dma_start3A_1080 = arith.constant 0 : i32
        %dma_start3A_1081 = arith.constant 11 : i32
        %dma_start3A_1082 = arith.constant 0 : i32
        %dma_start3A_1083 = arith.constant 0 : i32
        %dma_start3A_1084 = arith.constant 0 : i32
        %dma_start3A_1085 = arith.constant 0 : i32
        %dma_start3A_1086 = arith.constant 0 : i32
        %dma_start3A_1087 = tpu.memref_slice %run_scoped3A[%rem3A_379, %dma_start3A_1082, %dma_start3A_1083, %dma_start3A_1084, %dma_start3A_1085, %dma_start3A_1086] : memref<2x1x1x1x20x128xi32, #tpu.memory_space<vmem>> -> memref<1x1x1x1x20x128xi32, #tpu.memory_space<vmem>>
        %dma_start3A_1088 = tpu.memref_squeeze %dma_start3A_1087 : memref<1x1x1x1x20x128xi32, #tpu.memory_space<vmem>> -> memref<1x1x1x20x128xi32, #tpu.memory_space<vmem>>
        %dma_start3A_1089 = arith.constant 0 : i32
        %dma_start3A_1090 = tpu.memref_slice %dma_start3A_1088[%dma_start3A_1078, %dma_start3A_1079, %dma_start3A_1080, %dma_start3A_1081, %dma_start3A_1089] : memref<1x1x1x20x128xi32, #tpu.memory_space<vmem>> -> memref<1x1x1x1x128xi32, #tpu.memory_space<vmem>>
        %dma_start3A_1091 = tpu.memref_squeeze %dma_start3A_1090 : memref<1x1x1x1x128xi32, #tpu.memory_space<vmem>> -> memref<128xi32, #tpu.memory_space<vmem>>
        %dma_start3A_1092 = arith.constant 0 : i32
        %dma_start3A_1093 = arith.constant 0 : i32
        %dma_start3A_1094 = tpu.memref_slice %arg2[%dma_start3A_1092, %dma_start3A_1093] : memref<10000x128xf32, #tpu.memory_space<hbm>> -> memref<10000x128xf32, #tpu.memory_space<hbm>>
        tpu.enqueue_indirect_dma source(%dma_start3A_1094 : memref<10000x128xf32, #tpu.memory_space<hbm>>) target(%arg7 : memref<128x128xf32, #tpu.memory_space<vmem>>) offsets(%dma_start3A_1091 : memref<128xi32, #tpu.memory_space<vmem>>) semaphore(%arg9 : memref<!tpu.dma_semaphore, #tpu.memory_space<semaphore_mem>>)
        %dma_wait3A_1095 = arith.constant 0 : i32
        %dma_wait3A_1096 = arith.constant 0 : i32
        %dma_wait3A_1097 = arith.constant 0 : i32
        %dma_wait3A_1098 = arith.constant 10 : i32
        %dma_wait3A_1099 = arith.constant 0 : i32
        %dma_wait3A_1100 = arith.constant 0 : i32
        %dma_wait3A_1101 = arith.constant 0 : i32
        %dma_wait3A_1102 = arith.constant 0 : i32
        %dma_wait3A_1103 = arith.constant 0 : i32
        %dma_wait3A_1104 = tpu.memref_slice %run_scoped3A[%rem3A_379, %dma_wait3A_1099, %dma_wait3A_1100, %dma_wait3A_1101, %dma_wait3A_1102, %dma_wait3A_1103] : memref<2x1x1x1x20x128xi32, #tpu.memory_space<vmem>> -> memref<1x1x1x1x20x128xi32, #tpu.memory_space<vmem>>
        %dma_wait3A_1105 = tpu.memref_squeeze %dma_wait3A_1104 : memref<1x1x1x1x20x128xi32, #tpu.memory_space<vmem>> -> memref<1x1x1x20x128xi32, #tpu.memory_space<vmem>>
        %dma_wait3A_1106 = arith.constant 0 : i32
        %dma_wait3A_1107 = tpu.memref_slice %dma_wait3A_1105[%dma_wait3A_1095, %dma_wait3A_1096, %dma_wait3A_1097, %dma_wait3A_1098, %dma_wait3A_1106] : memref<1x1x1x20x128xi32, #tpu.memory_space<vmem>> -> memref<1x1x1x1x128xi32, #tpu.memory_space<vmem>>
        %dma_wait3A_1108 = tpu.memref_squeeze %dma_wait3A_1107 : memref<1x1x1x1x128xi32, #tpu.memory_space<vmem>> -> memref<128xi32, #tpu.memory_space<vmem>>
        %dma_wait3A_1109 = arith.constant 0 : i32
        %dma_wait3A_1110 = arith.constant 0 : i32
        %dma_wait3A_1111 = tpu.memref_slice %arg2[%dma_wait3A_1109, %dma_wait3A_1110] : memref<10000x128xf32, #tpu.memory_space<hbm>> -> memref<10000x128xf32, #tpu.memory_space<hbm>>
        tpu.wait_indirect_dma semaphore(%arg8 : memref<!tpu.dma_semaphore, #tpu.memory_space<semaphore_mem>>) src(%dma_wait3A_1111 : memref<10000x128xf32, #tpu.memory_space<hbm>>) dst(%arg6 : memref<128x128xf32, #tpu.memory_space<vmem>>)
        %dma_start3A_1112 = arith.constant 0 : i32
        %dma_start3A_1113 = arith.constant 0 : i32
        %dma_start3A_1114 = arith.constant 0 : i32
        %dma_start3A_1115 = arith.constant 10 : i32
        %dma_start3A_1116 = arith.constant 0 : i32
        %dma_start3A_1117 = arith.constant 0 : i32
        %dma_start3A_1118 = arith.constant 0 : i32
        %dma_start3A_1119 = arith.constant 0 : i32
        %dma_start3A_1120 = arith.constant 0 : i32
        %dma_start3A_1121 = tpu.memref_slice %run_scoped3A_27[%rem3A_381, %dma_start3A_1116, %dma_start3A_1117, %dma_start3A_1118, %dma_start3A_1119, %dma_start3A_1120] : memref<2x1x1x1x20x128xi32, #tpu.memory_space<vmem>> -> memref<1x1x1x1x20x128xi32, #tpu.memory_space<vmem>>
        %dma_start3A_1122 = tpu.memref_squeeze %dma_start3A_1121 : memref<1x1x1x1x20x128xi32, #tpu.memory_space<vmem>> -> memref<1x1x1x20x128xi32, #tpu.memory_space<vmem>>
        %dma_start3A_1123 = arith.constant 0 : i32
        %dma_start3A_1124 = tpu.memref_slice %dma_start3A_1122[%dma_start3A_1112, %dma_start3A_1113, %dma_start3A_1114, %dma_start3A_1115, %dma_start3A_1123] : memref<1x1x1x20x128xi32, #tpu.memory_space<vmem>> -> memref<1x1x1x1x128xi32, #tpu.memory_space<vmem>>
        %dma_start3A_1125 = tpu.memref_squeeze %dma_start3A_1124 : memref<1x1x1x1x128xi32, #tpu.memory_space<vmem>> -> memref<128xi32, #tpu.memory_space<vmem>>
        %dma_start3A_1126 = arith.constant 0 : i32
        %dma_start3A_1127 = arith.constant 0 : i32
        %dma_start3A_1128 = tpu.memref_slice %arg5[%dma_start3A_1126, %dma_start3A_1127] : memref<10112x128xf32, #tpu.memory_space<vmem_shared>> -> memref<10112x128xf32, #tpu.memory_space<vmem_shared>>
        tpu.enqueue_indirect_dma source(%arg6 : memref<128x128xf32, #tpu.memory_space<vmem>>) target(%dma_start3A_1128 : memref<10112x128xf32, #tpu.memory_space<vmem_shared>>) offsets(%dma_start3A_1125 : memref<128xi32, #tpu.memory_space<vmem>>) semaphore(%arg10 : memref<!tpu.dma_semaphore, #tpu.memory_space<semaphore_mem>>) {add = true}
        %dma_wait3A_1129 = arith.constant 0 : i32
        %dma_wait3A_1130 = arith.constant 0 : i32
        %dma_wait3A_1131 = arith.constant 0 : i32
        %dma_wait3A_1132 = arith.constant 10 : i32
        %dma_wait3A_1133 = arith.constant 0 : i32
        %dma_wait3A_1134 = arith.constant 0 : i32
        %dma_wait3A_1135 = arith.constant 0 : i32
        %dma_wait3A_1136 = arith.constant 0 : i32
        %dma_wait3A_1137 = arith.constant 0 : i32
        %dma_wait3A_1138 = tpu.memref_slice %run_scoped3A_27[%rem3A_381, %dma_wait3A_1133, %dma_wait3A_1134, %dma_wait3A_1135, %dma_wait3A_1136, %dma_wait3A_1137] : memref<2x1x1x1x20x128xi32, #tpu.memory_space<vmem>> -> memref<1x1x1x1x20x128xi32, #tpu.memory_space<vmem>>
        %dma_wait3A_1139 = tpu.memref_squeeze %dma_wait3A_1138 : memref<1x1x1x1x20x128xi32, #tpu.memory_space<vmem>> -> memref<1x1x1x20x128xi32, #tpu.memory_space<vmem>>
        %dma_wait3A_1140 = arith.constant 0 : i32
        %dma_wait3A_1141 = tpu.memref_slice %dma_wait3A_1139[%dma_wait3A_1129, %dma_wait3A_1130, %dma_wait3A_1131, %dma_wait3A_1132, %dma_wait3A_1140] : memref<1x1x1x20x128xi32, #tpu.memory_space<vmem>> -> memref<1x1x1x1x128xi32, #tpu.memory_space<vmem>>
        %dma_wait3A_1142 = tpu.memref_squeeze %dma_wait3A_1141 : memref<1x1x1x1x128xi32, #tpu.memory_space<vmem>> -> memref<128xi32, #tpu.memory_space<vmem>>
        %dma_wait3A_1143 = arith.constant 0 : i32
        %dma_wait3A_1144 = arith.constant 0 : i32
        %dma_wait3A_1145 = tpu.memref_slice %arg5[%dma_wait3A_1143, %dma_wait3A_1144] : memref<10112x128xf32, #tpu.memory_space<vmem_shared>> -> memref<10112x128xf32, #tpu.memory_space<vmem_shared>>
        tpu.wait_indirect_dma semaphore(%arg10 : memref<!tpu.dma_semaphore, #tpu.memory_space<semaphore_mem>>) src(%arg6 : memref<128x128xf32, #tpu.memory_space<vmem>>) dst(%dma_wait3A_1145 : memref<10112x128xf32, #tpu.memory_space<vmem_shared>>)
        %dma_start3A_1146 = arith.constant 0 : i32
        %dma_start3A_1147 = arith.constant 0 : i32
        %dma_start3A_1148 = arith.constant 0 : i32
        %dma_start3A_1149 = arith.constant 12 : i32
        %dma_start3A_1150 = arith.constant 0 : i32
        %dma_start3A_1151 = arith.constant 0 : i32
        %dma_start3A_1152 = arith.constant 0 : i32
        %dma_start3A_1153 = arith.constant 0 : i32
        %dma_start3A_1154 = arith.constant 0 : i32
        %dma_start3A_1155 = tpu.memref_slice %run_scoped3A[%rem3A_379, %dma_start3A_1150, %dma_start3A_1151, %dma_start3A_1152, %dma_start3A_1153, %dma_start3A_1154] : memref<2x1x1x1x20x128xi32, #tpu.memory_space<vmem>> -> memref<1x1x1x1x20x128xi32, #tpu.memory_space<vmem>>
        %dma_start3A_1156 = tpu.memref_squeeze %dma_start3A_1155 : memref<1x1x1x1x20x128xi32, #tpu.memory_space<vmem>> -> memref<1x1x1x20x128xi32, #tpu.memory_space<vmem>>
        %dma_start3A_1157 = arith.constant 0 : i32
        %dma_start3A_1158 = tpu.memref_slice %dma_start3A_1156[%dma_start3A_1146, %dma_start3A_1147, %dma_start3A_1148, %dma_start3A_1149, %dma_start3A_1157] : memref<1x1x1x20x128xi32, #tpu.memory_space<vmem>> -> memref<1x1x1x1x128xi32, #tpu.memory_space<vmem>>
        %dma_start3A_1159 = tpu.memref_squeeze %dma_start3A_1158 : memref<1x1x1x1x128xi32, #tpu.memory_space<vmem>> -> memref<128xi32, #tpu.memory_space<vmem>>
        %dma_start3A_1160 = arith.constant 0 : i32
        %dma_start3A_1161 = arith.constant 0 : i32
        %dma_start3A_1162 = tpu.memref_slice %arg2[%dma_start3A_1160, %dma_start3A_1161] : memref<10000x128xf32, #tpu.memory_space<hbm>> -> memref<10000x128xf32, #tpu.memory_space<hbm>>
        tpu.enqueue_indirect_dma source(%dma_start3A_1162 : memref<10000x128xf32, #tpu.memory_space<hbm>>) target(%arg6 : memref<128x128xf32, #tpu.memory_space<vmem>>) offsets(%dma_start3A_1159 : memref<128xi32, #tpu.memory_space<vmem>>) semaphore(%arg8 : memref<!tpu.dma_semaphore, #tpu.memory_space<semaphore_mem>>)
        %dma_wait3A_1163 = arith.constant 0 : i32
        %dma_wait3A_1164 = arith.constant 0 : i32
        %dma_wait3A_1165 = arith.constant 0 : i32
        %dma_wait3A_1166 = arith.constant 11 : i32
        %dma_wait3A_1167 = arith.constant 0 : i32
        %dma_wait3A_1168 = arith.constant 0 : i32
        %dma_wait3A_1169 = arith.constant 0 : i32
        %dma_wait3A_1170 = arith.constant 0 : i32
        %dma_wait3A_1171 = arith.constant 0 : i32
        %dma_wait3A_1172 = tpu.memref_slice %run_scoped3A[%rem3A_379, %dma_wait3A_1167, %dma_wait3A_1168, %dma_wait3A_1169, %dma_wait3A_1170, %dma_wait3A_1171] : memref<2x1x1x1x20x128xi32, #tpu.memory_space<vmem>> -> memref<1x1x1x1x20x128xi32, #tpu.memory_space<vmem>>
        %dma_wait3A_1173 = tpu.memref_squeeze %dma_wait3A_1172 : memref<1x1x1x1x20x128xi32, #tpu.memory_space<vmem>> -> memref<1x1x1x20x128xi32, #tpu.memory_space<vmem>>
        %dma_wait3A_1174 = arith.constant 0 : i32
        %dma_wait3A_1175 = tpu.memref_slice %dma_wait3A_1173[%dma_wait3A_1163, %dma_wait3A_1164, %dma_wait3A_1165, %dma_wait3A_1166, %dma_wait3A_1174] : memref<1x1x1x20x128xi32, #tpu.memory_space<vmem>> -> memref<1x1x1x1x128xi32, #tpu.memory_space<vmem>>
        %dma_wait3A_1176 = tpu.memref_squeeze %dma_wait3A_1175 : memref<1x1x1x1x128xi32, #tpu.memory_space<vmem>> -> memref<128xi32, #tpu.memory_space<vmem>>
        %dma_wait3A_1177 = arith.constant 0 : i32
        %dma_wait3A_1178 = arith.constant 0 : i32
        %dma_wait3A_1179 = tpu.memref_slice %arg2[%dma_wait3A_1177, %dma_wait3A_1178] : memref<10000x128xf32, #tpu.memory_space<hbm>> -> memref<10000x128xf32, #tpu.memory_space<hbm>>
        tpu.wait_indirect_dma semaphore(%arg9 : memref<!tpu.dma_semaphore, #tpu.memory_space<semaphore_mem>>) src(%dma_wait3A_1179 : memref<10000x128xf32, #tpu.memory_space<hbm>>) dst(%arg7 : memref<128x128xf32, #tpu.memory_space<vmem>>)
        %dma_start3A_1180 = arith.constant 0 : i32
        %dma_start3A_1181 = arith.constant 0 : i32
        %dma_start3A_1182 = arith.constant 0 : i32
        %dma_start3A_1183 = arith.constant 11 : i32
        %dma_start3A_1184 = arith.constant 0 : i32
        %dma_start3A_1185 = arith.constant 0 : i32
        %dma_start3A_1186 = arith.constant 0 : i32
        %dma_start3A_1187 = arith.constant 0 : i32
        %dma_start3A_1188 = arith.constant 0 : i32
        %dma_start3A_1189 = tpu.memref_slice %run_scoped3A_27[%rem3A_381, %dma_start3A_1184, %dma_start3A_1185, %dma_start3A_1186, %dma_start3A_1187, %dma_start3A_1188] : memref<2x1x1x1x20x128xi32, #tpu.memory_space<vmem>> -> memref<1x1x1x1x20x128xi32, #tpu.memory_space<vmem>>
        %dma_start3A_1190 = tpu.memref_squeeze %dma_start3A_1189 : memref<1x1x1x1x20x128xi32, #tpu.memory_space<vmem>> -> memref<1x1x1x20x128xi32, #tpu.memory_space<vmem>>
        %dma_start3A_1191 = arith.constant 0 : i32
        %dma_start3A_1192 = tpu.memref_slice %dma_start3A_1190[%dma_start3A_1180, %dma_start3A_1181, %dma_start3A_1182, %dma_start3A_1183, %dma_start3A_1191] : memref<1x1x1x20x128xi32, #tpu.memory_space<vmem>> -> memref<1x1x1x1x128xi32, #tpu.memory_space<vmem>>
        %dma_start3A_1193 = tpu.memref_squeeze %dma_start3A_1192 : memref<1x1x1x1x128xi32, #tpu.memory_space<vmem>> -> memref<128xi32, #tpu.memory_space<vmem>>
        %dma_start3A_1194 = arith.constant 0 : i32
        %dma_start3A_1195 = arith.constant 0 : i32
        %dma_start3A_1196 = tpu.memref_slice %arg5[%dma_start3A_1194, %dma_start3A_1195] : memref<10112x128xf32, #tpu.memory_space<vmem_shared>> -> memref<10112x128xf32, #tpu.memory_space<vmem_shared>>
        tpu.enqueue_indirect_dma source(%arg7 : memref<128x128xf32, #tpu.memory_space<vmem>>) target(%dma_start3A_1196 : memref<10112x128xf32, #tpu.memory_space<vmem_shared>>) offsets(%dma_start3A_1193 : memref<128xi32, #tpu.memory_space<vmem>>) semaphore(%arg11 : memref<!tpu.dma_semaphore, #tpu.memory_space<semaphore_mem>>) {add = true}
        %dma_wait3A_1197 = arith.constant 0 : i32
        %dma_wait3A_1198 = arith.constant 0 : i32
        %dma_wait3A_1199 = arith.constant 0 : i32
        %dma_wait3A_1200 = arith.constant 11 : i32
        %dma_wait3A_1201 = arith.constant 0 : i32
        %dma_wait3A_1202 = arith.constant 0 : i32
        %dma_wait3A_1203 = arith.constant 0 : i32
        %dma_wait3A_1204 = arith.constant 0 : i32
        %dma_wait3A_1205 = arith.constant 0 : i32
        %dma_wait3A_1206 = tpu.memref_slice %run_scoped3A_27[%rem3A_381, %dma_wait3A_1201, %dma_wait3A_1202, %dma_wait3A_1203, %dma_wait3A_1204, %dma_wait3A_1205] : memref<2x1x1x1x20x128xi32, #tpu.memory_space<vmem>> -> memref<1x1x1x1x20x128xi32, #tpu.memory_space<vmem>>
        %dma_wait3A_1207 = tpu.memref_squeeze %dma_wait3A_1206 : memref<1x1x1x1x20x128xi32, #tpu.memory_space<vmem>> -> memref<1x1x1x20x128xi32, #tpu.memory_space<vmem>>
        %dma_wait3A_1208 = arith.constant 0 : i32
        %dma_wait3A_1209 = tpu.memref_slice %dma_wait3A_1207[%dma_wait3A_1197, %dma_wait3A_1198, %dma_wait3A_1199, %dma_wait3A_1200, %dma_wait3A_1208] : memref<1x1x1x20x128xi32, #tpu.memory_space<vmem>> -> memref<1x1x1x1x128xi32, #tpu.memory_space<vmem>>
        %dma_wait3A_1210 = tpu.memref_squeeze %dma_wait3A_1209 : memref<1x1x1x1x128xi32, #tpu.memory_space<vmem>> -> memref<128xi32, #tpu.memory_space<vmem>>
        %dma_wait3A_1211 = arith.constant 0 : i32
        %dma_wait3A_1212 = arith.constant 0 : i32
        %dma_wait3A_1213 = tpu.memref_slice %arg5[%dma_wait3A_1211, %dma_wait3A_1212] : memref<10112x128xf32, #tpu.memory_space<vmem_shared>> -> memref<10112x128xf32, #tpu.memory_space<vmem_shared>>
        tpu.wait_indirect_dma semaphore(%arg11 : memref<!tpu.dma_semaphore, #tpu.memory_space<semaphore_mem>>) src(%arg7 : memref<128x128xf32, #tpu.memory_space<vmem>>) dst(%dma_wait3A_1213 : memref<10112x128xf32, #tpu.memory_space<vmem_shared>>)
        %dma_start3A_1214 = arith.constant 0 : i32
        %dma_start3A_1215 = arith.constant 0 : i32
        %dma_start3A_1216 = arith.constant 0 : i32
        %dma_start3A_1217 = arith.constant 13 : i32
        %dma_start3A_1218 = arith.constant 0 : i32
        %dma_start3A_1219 = arith.constant 0 : i32
        %dma_start3A_1220 = arith.constant 0 : i32
        %dma_start3A_1221 = arith.constant 0 : i32
        %dma_start3A_1222 = arith.constant 0 : i32
        %dma_start3A_1223 = tpu.memref_slice %run_scoped3A[%rem3A_379, %dma_start3A_1218, %dma_start3A_1219, %dma_start3A_1220, %dma_start3A_1221, %dma_start3A_1222] : memref<2x1x1x1x20x128xi32, #tpu.memory_space<vmem>> -> memref<1x1x1x1x20x128xi32, #tpu.memory_space<vmem>>
        %dma_start3A_1224 = tpu.memref_squeeze %dma_start3A_1223 : memref<1x1x1x1x20x128xi32, #tpu.memory_space<vmem>> -> memref<1x1x1x20x128xi32, #tpu.memory_space<vmem>>
        %dma_start3A_1225 = arith.constant 0 : i32
        %dma_start3A_1226 = tpu.memref_slice %dma_start3A_1224[%dma_start3A_1214, %dma_start3A_1215, %dma_start3A_1216, %dma_start3A_1217, %dma_start3A_1225] : memref<1x1x1x20x128xi32, #tpu.memory_space<vmem>> -> memref<1x1x1x1x128xi32, #tpu.memory_space<vmem>>
        %dma_start3A_1227 = tpu.memref_squeeze %dma_start3A_1226 : memref<1x1x1x1x128xi32, #tpu.memory_space<vmem>> -> memref<128xi32, #tpu.memory_space<vmem>>
        %dma_start3A_1228 = arith.constant 0 : i32
        %dma_start3A_1229 = arith.constant 0 : i32
        %dma_start3A_1230 = tpu.memref_slice %arg2[%dma_start3A_1228, %dma_start3A_1229] : memref<10000x128xf32, #tpu.memory_space<hbm>> -> memref<10000x128xf32, #tpu.memory_space<hbm>>
        tpu.enqueue_indirect_dma source(%dma_start3A_1230 : memref<10000x128xf32, #tpu.memory_space<hbm>>) target(%arg7 : memref<128x128xf32, #tpu.memory_space<vmem>>) offsets(%dma_start3A_1227 : memref<128xi32, #tpu.memory_space<vmem>>) semaphore(%arg9 : memref<!tpu.dma_semaphore, #tpu.memory_space<semaphore_mem>>)
        %dma_wait3A_1231 = arith.constant 0 : i32
        %dma_wait3A_1232 = arith.constant 0 : i32
        %dma_wait3A_1233 = arith.constant 0 : i32
        %dma_wait3A_1234 = arith.constant 12 : i32
        %dma_wait3A_1235 = arith.constant 0 : i32
        %dma_wait3A_1236 = arith.constant 0 : i32
        %dma_wait3A_1237 = arith.constant 0 : i32
        %dma_wait3A_1238 = arith.constant 0 : i32
        %dma_wait3A_1239 = arith.constant 0 : i32
        %dma_wait3A_1240 = tpu.memref_slice %run_scoped3A[%rem3A_379, %dma_wait3A_1235, %dma_wait3A_1236, %dma_wait3A_1237, %dma_wait3A_1238, %dma_wait3A_1239] : memref<2x1x1x1x20x128xi32, #tpu.memory_space<vmem>> -> memref<1x1x1x1x20x128xi32, #tpu.memory_space<vmem>>
        %dma_wait3A_1241 = tpu.memref_squeeze %dma_wait3A_1240 : memref<1x1x1x1x20x128xi32, #tpu.memory_space<vmem>> -> memref<1x1x1x20x128xi32, #tpu.memory_space<vmem>>
        %dma_wait3A_1242 = arith.constant 0 : i32
        %dma_wait3A_1243 = tpu.memref_slice %dma_wait3A_1241[%dma_wait3A_1231, %dma_wait3A_1232, %dma_wait3A_1233, %dma_wait3A_1234, %dma_wait3A_1242] : memref<1x1x1x20x128xi32, #tpu.memory_space<vmem>> -> memref<1x1x1x1x128xi32, #tpu.memory_space<vmem>>
        %dma_wait3A_1244 = tpu.memref_squeeze %dma_wait3A_1243 : memref<1x1x1x1x128xi32, #tpu.memory_space<vmem>> -> memref<128xi32, #tpu.memory_space<vmem>>
        %dma_wait3A_1245 = arith.constant 0 : i32
        %dma_wait3A_1246 = arith.constant 0 : i32
        %dma_wait3A_1247 = tpu.memref_slice %arg2[%dma_wait3A_1245, %dma_wait3A_1246] : memref<10000x128xf32, #tpu.memory_space<hbm>> -> memref<10000x128xf32, #tpu.memory_space<hbm>>
        tpu.wait_indirect_dma semaphore(%arg8 : memref<!tpu.dma_semaphore, #tpu.memory_space<semaphore_mem>>) src(%dma_wait3A_1247 : memref<10000x128xf32, #tpu.memory_space<hbm>>) dst(%arg6 : memref<128x128xf32, #tpu.memory_space<vmem>>)
        %dma_start3A_1248 = arith.constant 0 : i32
        %dma_start3A_1249 = arith.constant 0 : i32
        %dma_start3A_1250 = arith.constant 0 : i32
        %dma_start3A_1251 = arith.constant 12 : i32
        %dma_start3A_1252 = arith.constant 0 : i32
        %dma_start3A_1253 = arith.constant 0 : i32
        %dma_start3A_1254 = arith.constant 0 : i32
        %dma_start3A_1255 = arith.constant 0 : i32
        %dma_start3A_1256 = arith.constant 0 : i32
        %dma_start3A_1257 = tpu.memref_slice %run_scoped3A_27[%rem3A_381, %dma_start3A_1252, %dma_start3A_1253, %dma_start3A_1254, %dma_start3A_1255, %dma_start3A_1256] : memref<2x1x1x1x20x128xi32, #tpu.memory_space<vmem>> -> memref<1x1x1x1x20x128xi32, #tpu.memory_space<vmem>>
        %dma_start3A_1258 = tpu.memref_squeeze %dma_start3A_1257 : memref<1x1x1x1x20x128xi32, #tpu.memory_space<vmem>> -> memref<1x1x1x20x128xi32, #tpu.memory_space<vmem>>
        %dma_start3A_1259 = arith.constant 0 : i32
        %dma_start3A_1260 = tpu.memref_slice %dma_start3A_1258[%dma_start3A_1248, %dma_start3A_1249, %dma_start3A_1250, %dma_start3A_1251, %dma_start3A_1259] : memref<1x1x1x20x128xi32, #tpu.memory_space<vmem>> -> memref<1x1x1x1x128xi32, #tpu.memory_space<vmem>>
        %dma_start3A_1261 = tpu.memref_squeeze %dma_start3A_1260 : memref<1x1x1x1x128xi32, #tpu.memory_space<vmem>> -> memref<128xi32, #tpu.memory_space<vmem>>
        %dma_start3A_1262 = arith.constant 0 : i32
        %dma_start3A_1263 = arith.constant 0 : i32
        %dma_start3A_1264 = tpu.memref_slice %arg5[%dma_start3A_1262, %dma_start3A_1263] : memref<10112x128xf32, #tpu.memory_space<vmem_shared>> -> memref<10112x128xf32, #tpu.memory_space<vmem_shared>>
        tpu.enqueue_indirect_dma source(%arg6 : memref<128x128xf32, #tpu.memory_space<vmem>>) target(%dma_start3A_1264 : memref<10112x128xf32, #tpu.memory_space<vmem_shared>>) offsets(%dma_start3A_1261 : memref<128xi32, #tpu.memory_space<vmem>>) semaphore(%arg10 : memref<!tpu.dma_semaphore, #tpu.memory_space<semaphore_mem>>) {add = true}
        %dma_wait3A_1265 = arith.constant 0 : i32
        %dma_wait3A_1266 = arith.constant 0 : i32
        %dma_wait3A_1267 = arith.constant 0 : i32
        %dma_wait3A_1268 = arith.constant 12 : i32
        %dma_wait3A_1269 = arith.constant 0 : i32
        %dma_wait3A_1270 = arith.constant 0 : i32
        %dma_wait3A_1271 = arith.constant 0 : i32
        %dma_wait3A_1272 = arith.constant 0 : i32
        %dma_wait3A_1273 = arith.constant 0 : i32
        %dma_wait3A_1274 = tpu.memref_slice %run_scoped3A_27[%rem3A_381, %dma_wait3A_1269, %dma_wait3A_1270, %dma_wait3A_1271, %dma_wait3A_1272, %dma_wait3A_1273] : memref<2x1x1x1x20x128xi32, #tpu.memory_space<vmem>> -> memref<1x1x1x1x20x128xi32, #tpu.memory_space<vmem>>
        %dma_wait3A_1275 = tpu.memref_squeeze %dma_wait3A_1274 : memref<1x1x1x1x20x128xi32, #tpu.memory_space<vmem>> -> memref<1x1x1x20x128xi32, #tpu.memory_space<vmem>>
        %dma_wait3A_1276 = arith.constant 0 : i32
        %dma_wait3A_1277 = tpu.memref_slice %dma_wait3A_1275[%dma_wait3A_1265, %dma_wait3A_1266, %dma_wait3A_1267, %dma_wait3A_1268, %dma_wait3A_1276] : memref<1x1x1x20x128xi32, #tpu.memory_space<vmem>> -> memref<1x1x1x1x128xi32, #tpu.memory_space<vmem>>
        %dma_wait3A_1278 = tpu.memref_squeeze %dma_wait3A_1277 : memref<1x1x1x1x128xi32, #tpu.memory_space<vmem>> -> memref<128xi32, #tpu.memory_space<vmem>>
        %dma_wait3A_1279 = arith.constant 0 : i32
        %dma_wait3A_1280 = arith.constant 0 : i32
        %dma_wait3A_1281 = tpu.memref_slice %arg5[%dma_wait3A_1279, %dma_wait3A_1280] : memref<10112x128xf32, #tpu.memory_space<vmem_shared>> -> memref<10112x128xf32, #tpu.memory_space<vmem_shared>>
        tpu.wait_indirect_dma semaphore(%arg10 : memref<!tpu.dma_semaphore, #tpu.memory_space<semaphore_mem>>) src(%arg6 : memref<128x128xf32, #tpu.memory_space<vmem>>) dst(%dma_wait3A_1281 : memref<10112x128xf32, #tpu.memory_space<vmem_shared>>)
        %dma_start3A_1282 = arith.constant 0 : i32
        %dma_start3A_1283 = arith.constant 0 : i32
        %dma_start3A_1284 = arith.constant 0 : i32
        %dma_start3A_1285 = arith.constant 14 : i32
        %dma_start3A_1286 = arith.constant 0 : i32
        %dma_start3A_1287 = arith.constant 0 : i32
        %dma_start3A_1288 = arith.constant 0 : i32
        %dma_start3A_1289 = arith.constant 0 : i32
        %dma_start3A_1290 = arith.constant 0 : i32
        %dma_start3A_1291 = tpu.memref_slice %run_scoped3A[%rem3A_379, %dma_start3A_1286, %dma_start3A_1287, %dma_start3A_1288, %dma_start3A_1289, %dma_start3A_1290] : memref<2x1x1x1x20x128xi32, #tpu.memory_space<vmem>> -> memref<1x1x1x1x20x128xi32, #tpu.memory_space<vmem>>
        %dma_start3A_1292 = tpu.memref_squeeze %dma_start3A_1291 : memref<1x1x1x1x20x128xi32, #tpu.memory_space<vmem>> -> memref<1x1x1x20x128xi32, #tpu.memory_space<vmem>>
        %dma_start3A_1293 = arith.constant 0 : i32
        %dma_start3A_1294 = tpu.memref_slice %dma_start3A_1292[%dma_start3A_1282, %dma_start3A_1283, %dma_start3A_1284, %dma_start3A_1285, %dma_start3A_1293] : memref<1x1x1x20x128xi32, #tpu.memory_space<vmem>> -> memref<1x1x1x1x128xi32, #tpu.memory_space<vmem>>
        %dma_start3A_1295 = tpu.memref_squeeze %dma_start3A_1294 : memref<1x1x1x1x128xi32, #tpu.memory_space<vmem>> -> memref<128xi32, #tpu.memory_space<vmem>>
        %dma_start3A_1296 = arith.constant 0 : i32
        %dma_start3A_1297 = arith.constant 0 : i32
        %dma_start3A_1298 = tpu.memref_slice %arg2[%dma_start3A_1296, %dma_start3A_1297] : memref<10000x128xf32, #tpu.memory_space<hbm>> -> memref<10000x128xf32, #tpu.memory_space<hbm>>
        tpu.enqueue_indirect_dma source(%dma_start3A_1298 : memref<10000x128xf32, #tpu.memory_space<hbm>>) target(%arg6 : memref<128x128xf32, #tpu.memory_space<vmem>>) offsets(%dma_start3A_1295 : memref<128xi32, #tpu.memory_space<vmem>>) semaphore(%arg8 : memref<!tpu.dma_semaphore, #tpu.memory_space<semaphore_mem>>)
        %dma_wait3A_1299 = arith.constant 0 : i32
        %dma_wait3A_1300 = arith.constant 0 : i32
        %dma_wait3A_1301 = arith.constant 0 : i32
        %dma_wait3A_1302 = arith.constant 13 : i32
        %dma_wait3A_1303 = arith.constant 0 : i32
        %dma_wait3A_1304 = arith.constant 0 : i32
        %dma_wait3A_1305 = arith.constant 0 : i32
        %dma_wait3A_1306 = arith.constant 0 : i32
        %dma_wait3A_1307 = arith.constant 0 : i32
        %dma_wait3A_1308 = tpu.memref_slice %run_scoped3A[%rem3A_379, %dma_wait3A_1303, %dma_wait3A_1304, %dma_wait3A_1305, %dma_wait3A_1306, %dma_wait3A_1307] : memref<2x1x1x1x20x128xi32, #tpu.memory_space<vmem>> -> memref<1x1x1x1x20x128xi32, #tpu.memory_space<vmem>>
        %dma_wait3A_1309 = tpu.memref_squeeze %dma_wait3A_1308 : memref<1x1x1x1x20x128xi32, #tpu.memory_space<vmem>> -> memref<1x1x1x20x128xi32, #tpu.memory_space<vmem>>
        %dma_wait3A_1310 = arith.constant 0 : i32
        %dma_wait3A_1311 = tpu.memref_slice %dma_wait3A_1309[%dma_wait3A_1299, %dma_wait3A_1300, %dma_wait3A_1301, %dma_wait3A_1302, %dma_wait3A_1310] : memref<1x1x1x20x128xi32, #tpu.memory_space<vmem>> -> memref<1x1x1x1x128xi32, #tpu.memory_space<vmem>>
        %dma_wait3A_1312 = tpu.memref_squeeze %dma_wait3A_1311 : memref<1x1x1x1x128xi32, #tpu.memory_space<vmem>> -> memref<128xi32, #tpu.memory_space<vmem>>
        %dma_wait3A_1313 = arith.constant 0 : i32
        %dma_wait3A_1314 = arith.constant 0 : i32
        %dma_wait3A_1315 = tpu.memref_slice %arg2[%dma_wait3A_1313, %dma_wait3A_1314] : memref<10000x128xf32, #tpu.memory_space<hbm>> -> memref<10000x128xf32, #tpu.memory_space<hbm>>
        tpu.wait_indirect_dma semaphore(%arg9 : memref<!tpu.dma_semaphore, #tpu.memory_space<semaphore_mem>>) src(%dma_wait3A_1315 : memref<10000x128xf32, #tpu.memory_space<hbm>>) dst(%arg7 : memref<128x128xf32, #tpu.memory_space<vmem>>)
        %dma_start3A_1316 = arith.constant 0 : i32
        %dma_start3A_1317 = arith.constant 0 : i32
        %dma_start3A_1318 = arith.constant 0 : i32
        %dma_start3A_1319 = arith.constant 13 : i32
        %dma_start3A_1320 = arith.constant 0 : i32
        %dma_start3A_1321 = arith.constant 0 : i32
        %dma_start3A_1322 = arith.constant 0 : i32
        %dma_start3A_1323 = arith.constant 0 : i32
        %dma_start3A_1324 = arith.constant 0 : i32
        %dma_start3A_1325 = tpu.memref_slice %run_scoped3A_27[%rem3A_381, %dma_start3A_1320, %dma_start3A_1321, %dma_start3A_1322, %dma_start3A_1323, %dma_start3A_1324] : memref<2x1x1x1x20x128xi32, #tpu.memory_space<vmem>> -> memref<1x1x1x1x20x128xi32, #tpu.memory_space<vmem>>
        %dma_start3A_1326 = tpu.memref_squeeze %dma_start3A_1325 : memref<1x1x1x1x20x128xi32, #tpu.memory_space<vmem>> -> memref<1x1x1x20x128xi32, #tpu.memory_space<vmem>>
        %dma_start3A_1327 = arith.constant 0 : i32
        %dma_start3A_1328 = tpu.memref_slice %dma_start3A_1326[%dma_start3A_1316, %dma_start3A_1317, %dma_start3A_1318, %dma_start3A_1319, %dma_start3A_1327] : memref<1x1x1x20x128xi32, #tpu.memory_space<vmem>> -> memref<1x1x1x1x128xi32, #tpu.memory_space<vmem>>
        %dma_start3A_1329 = tpu.memref_squeeze %dma_start3A_1328 : memref<1x1x1x1x128xi32, #tpu.memory_space<vmem>> -> memref<128xi32, #tpu.memory_space<vmem>>
        %dma_start3A_1330 = arith.constant 0 : i32
        %dma_start3A_1331 = arith.constant 0 : i32
        %dma_start3A_1332 = tpu.memref_slice %arg5[%dma_start3A_1330, %dma_start3A_1331] : memref<10112x128xf32, #tpu.memory_space<vmem_shared>> -> memref<10112x128xf32, #tpu.memory_space<vmem_shared>>
        tpu.enqueue_indirect_dma source(%arg7 : memref<128x128xf32, #tpu.memory_space<vmem>>) target(%dma_start3A_1332 : memref<10112x128xf32, #tpu.memory_space<vmem_shared>>) offsets(%dma_start3A_1329 : memref<128xi32, #tpu.memory_space<vmem>>) semaphore(%arg11 : memref<!tpu.dma_semaphore, #tpu.memory_space<semaphore_mem>>) {add = true}
        %dma_wait3A_1333 = arith.constant 0 : i32
        %dma_wait3A_1334 = arith.constant 0 : i32
        %dma_wait3A_1335 = arith.constant 0 : i32
        %dma_wait3A_1336 = arith.constant 13 : i32
        %dma_wait3A_1337 = arith.constant 0 : i32
        %dma_wait3A_1338 = arith.constant 0 : i32
        %dma_wait3A_1339 = arith.constant 0 : i32
        %dma_wait3A_1340 = arith.constant 0 : i32
        %dma_wait3A_1341 = arith.constant 0 : i32
        %dma_wait3A_1342 = tpu.memref_slice %run_scoped3A_27[%rem3A_381, %dma_wait3A_1337, %dma_wait3A_1338, %dma_wait3A_1339, %dma_wait3A_1340, %dma_wait3A_1341] : memref<2x1x1x1x20x128xi32, #tpu.memory_space<vmem>> -> memref<1x1x1x1x20x128xi32, #tpu.memory_space<vmem>>
        %dma_wait3A_1343 = tpu.memref_squeeze %dma_wait3A_1342 : memref<1x1x1x1x20x128xi32, #tpu.memory_space<vmem>> -> memref<1x1x1x20x128xi32, #tpu.memory_space<vmem>>
        %dma_wait3A_1344 = arith.constant 0 : i32
        %dma_wait3A_1345 = tpu.memref_slice %dma_wait3A_1343[%dma_wait3A_1333, %dma_wait3A_1334, %dma_wait3A_1335, %dma_wait3A_1336, %dma_wait3A_1344] : memref<1x1x1x20x128xi32, #tpu.memory_space<vmem>> -> memref<1x1x1x1x128xi32, #tpu.memory_space<vmem>>
        %dma_wait3A_1346 = tpu.memref_squeeze %dma_wait3A_1345 : memref<1x1x1x1x128xi32, #tpu.memory_space<vmem>> -> memref<128xi32, #tpu.memory_space<vmem>>
        %dma_wait3A_1347 = arith.constant 0 : i32
        %dma_wait3A_1348 = arith.constant 0 : i32
        %dma_wait3A_1349 = tpu.memref_slice %arg5[%dma_wait3A_1347, %dma_wait3A_1348] : memref<10112x128xf32, #tpu.memory_space<vmem_shared>> -> memref<10112x128xf32, #tpu.memory_space<vmem_shared>>
        tpu.wait_indirect_dma semaphore(%arg11 : memref<!tpu.dma_semaphore, #tpu.memory_space<semaphore_mem>>) src(%arg7 : memref<128x128xf32, #tpu.memory_space<vmem>>) dst(%dma_wait3A_1349 : memref<10112x128xf32, #tpu.memory_space<vmem_shared>>)
        %dma_start3A_1350 = arith.constant 0 : i32
        %dma_start3A_1351 = arith.constant 0 : i32
        %dma_start3A_1352 = arith.constant 0 : i32
        %dma_start3A_1353 = arith.constant 15 : i32
        %dma_start3A_1354 = arith.constant 0 : i32
        %dma_start3A_1355 = arith.constant 0 : i32
        %dma_start3A_1356 = arith.constant 0 : i32
        %dma_start3A_1357 = arith.constant 0 : i32
        %dma_start3A_1358 = arith.constant 0 : i32
        %dma_start3A_1359 = tpu.memref_slice %run_scoped3A[%rem3A_379, %dma_start3A_1354, %dma_start3A_1355, %dma_start3A_1356, %dma_start3A_1357, %dma_start3A_1358] : memref<2x1x1x1x20x128xi32, #tpu.memory_space<vmem>> -> memref<1x1x1x1x20x128xi32, #tpu.memory_space<vmem>>
        %dma_start3A_1360 = tpu.memref_squeeze %dma_start3A_1359 : memref<1x1x1x1x20x128xi32, #tpu.memory_space<vmem>> -> memref<1x1x1x20x128xi32, #tpu.memory_space<vmem>>
        %dma_start3A_1361 = arith.constant 0 : i32
        %dma_start3A_1362 = tpu.memref_slice %dma_start3A_1360[%dma_start3A_1350, %dma_start3A_1351, %dma_start3A_1352, %dma_start3A_1353, %dma_start3A_1361] : memref<1x1x1x20x128xi32, #tpu.memory_space<vmem>> -> memref<1x1x1x1x128xi32, #tpu.memory_space<vmem>>
        %dma_start3A_1363 = tpu.memref_squeeze %dma_start3A_1362 : memref<1x1x1x1x128xi32, #tpu.memory_space<vmem>> -> memref<128xi32, #tpu.memory_space<vmem>>
        %dma_start3A_1364 = arith.constant 0 : i32
        %dma_start3A_1365 = arith.constant 0 : i32
        %dma_start3A_1366 = tpu.memref_slice %arg2[%dma_start3A_1364, %dma_start3A_1365] : memref<10000x128xf32, #tpu.memory_space<hbm>> -> memref<10000x128xf32, #tpu.memory_space<hbm>>
        tpu.enqueue_indirect_dma source(%dma_start3A_1366 : memref<10000x128xf32, #tpu.memory_space<hbm>>) target(%arg7 : memref<128x128xf32, #tpu.memory_space<vmem>>) offsets(%dma_start3A_1363 : memref<128xi32, #tpu.memory_space<vmem>>) semaphore(%arg9 : memref<!tpu.dma_semaphore, #tpu.memory_space<semaphore_mem>>)
        %dma_wait3A_1367 = arith.constant 0 : i32
        %dma_wait3A_1368 = arith.constant 0 : i32
        %dma_wait3A_1369 = arith.constant 0 : i32
        %dma_wait3A_1370 = arith.constant 14 : i32
        %dma_wait3A_1371 = arith.constant 0 : i32
        %dma_wait3A_1372 = arith.constant 0 : i32
        %dma_wait3A_1373 = arith.constant 0 : i32
        %dma_wait3A_1374 = arith.constant 0 : i32
        %dma_wait3A_1375 = arith.constant 0 : i32
        %dma_wait3A_1376 = tpu.memref_slice %run_scoped3A[%rem3A_379, %dma_wait3A_1371, %dma_wait3A_1372, %dma_wait3A_1373, %dma_wait3A_1374, %dma_wait3A_1375] : memref<2x1x1x1x20x128xi32, #tpu.memory_space<vmem>> -> memref<1x1x1x1x20x128xi32, #tpu.memory_space<vmem>>
        %dma_wait3A_1377 = tpu.memref_squeeze %dma_wait3A_1376 : memref<1x1x1x1x20x128xi32, #tpu.memory_space<vmem>> -> memref<1x1x1x20x128xi32, #tpu.memory_space<vmem>>
        %dma_wait3A_1378 = arith.constant 0 : i32
        %dma_wait3A_1379 = tpu.memref_slice %dma_wait3A_1377[%dma_wait3A_1367, %dma_wait3A_1368, %dma_wait3A_1369, %dma_wait3A_1370, %dma_wait3A_1378] : memref<1x1x1x20x128xi32, #tpu.memory_space<vmem>> -> memref<1x1x1x1x128xi32, #tpu.memory_space<vmem>>
        %dma_wait3A_1380 = tpu.memref_squeeze %dma_wait3A_1379 : memref<1x1x1x1x128xi32, #tpu.memory_space<vmem>> -> memref<128xi32, #tpu.memory_space<vmem>>
        %dma_wait3A_1381 = arith.constant 0 : i32
        %dma_wait3A_1382 = arith.constant 0 : i32
        %dma_wait3A_1383 = tpu.memref_slice %arg2[%dma_wait3A_1381, %dma_wait3A_1382] : memref<10000x128xf32, #tpu.memory_space<hbm>> -> memref<10000x128xf32, #tpu.memory_space<hbm>>
        tpu.wait_indirect_dma semaphore(%arg8 : memref<!tpu.dma_semaphore, #tpu.memory_space<semaphore_mem>>) src(%dma_wait3A_1383 : memref<10000x128xf32, #tpu.memory_space<hbm>>) dst(%arg6 : memref<128x128xf32, #tpu.memory_space<vmem>>)
        %dma_start3A_1384 = arith.constant 0 : i32
        %dma_start3A_1385 = arith.constant 0 : i32
        %dma_start3A_1386 = arith.constant 0 : i32
        %dma_start3A_1387 = arith.constant 14 : i32
        %dma_start3A_1388 = arith.constant 0 : i32
        %dma_start3A_1389 = arith.constant 0 : i32
        %dma_start3A_1390 = arith.constant 0 : i32
        %dma_start3A_1391 = arith.constant 0 : i32
        %dma_start3A_1392 = arith.constant 0 : i32
        %dma_start3A_1393 = tpu.memref_slice %run_scoped3A_27[%rem3A_381, %dma_start3A_1388, %dma_start3A_1389, %dma_start3A_1390, %dma_start3A_1391, %dma_start3A_1392] : memref<2x1x1x1x20x128xi32, #tpu.memory_space<vmem>> -> memref<1x1x1x1x20x128xi32, #tpu.memory_space<vmem>>
        %dma_start3A_1394 = tpu.memref_squeeze %dma_start3A_1393 : memref<1x1x1x1x20x128xi32, #tpu.memory_space<vmem>> -> memref<1x1x1x20x128xi32, #tpu.memory_space<vmem>>
        %dma_start3A_1395 = arith.constant 0 : i32
        %dma_start3A_1396 = tpu.memref_slice %dma_start3A_1394[%dma_start3A_1384, %dma_start3A_1385, %dma_start3A_1386, %dma_start3A_1387, %dma_start3A_1395] : memref<1x1x1x20x128xi32, #tpu.memory_space<vmem>> -> memref<1x1x1x1x128xi32, #tpu.memory_space<vmem>>
        %dma_start3A_1397 = tpu.memref_squeeze %dma_start3A_1396 : memref<1x1x1x1x128xi32, #tpu.memory_space<vmem>> -> memref<128xi32, #tpu.memory_space<vmem>>
        %dma_start3A_1398 = arith.constant 0 : i32
        %dma_start3A_1399 = arith.constant 0 : i32
        %dma_start3A_1400 = tpu.memref_slice %arg5[%dma_start3A_1398, %dma_start3A_1399] : memref<10112x128xf32, #tpu.memory_space<vmem_shared>> -> memref<10112x128xf32, #tpu.memory_space<vmem_shared>>
        tpu.enqueue_indirect_dma source(%arg6 : memref<128x128xf32, #tpu.memory_space<vmem>>) target(%dma_start3A_1400 : memref<10112x128xf32, #tpu.memory_space<vmem_shared>>) offsets(%dma_start3A_1397 : memref<128xi32, #tpu.memory_space<vmem>>) semaphore(%arg10 : memref<!tpu.dma_semaphore, #tpu.memory_space<semaphore_mem>>) {add = true}
        %dma_wait3A_1401 = arith.constant 0 : i32
        %dma_wait3A_1402 = arith.constant 0 : i32
        %dma_wait3A_1403 = arith.constant 0 : i32
        %dma_wait3A_1404 = arith.constant 14 : i32
        %dma_wait3A_1405 = arith.constant 0 : i32
        %dma_wait3A_1406 = arith.constant 0 : i32
        %dma_wait3A_1407 = arith.constant 0 : i32
        %dma_wait3A_1408 = arith.constant 0 : i32
        %dma_wait3A_1409 = arith.constant 0 : i32
        %dma_wait3A_1410 = tpu.memref_slice %run_scoped3A_27[%rem3A_381, %dma_wait3A_1405, %dma_wait3A_1406, %dma_wait3A_1407, %dma_wait3A_1408, %dma_wait3A_1409] : memref<2x1x1x1x20x128xi32, #tpu.memory_space<vmem>> -> memref<1x1x1x1x20x128xi32, #tpu.memory_space<vmem>>
        %dma_wait3A_1411 = tpu.memref_squeeze %dma_wait3A_1410 : memref<1x1x1x1x20x128xi32, #tpu.memory_space<vmem>> -> memref<1x1x1x20x128xi32, #tpu.memory_space<vmem>>
        %dma_wait3A_1412 = arith.constant 0 : i32
        %dma_wait3A_1413 = tpu.memref_slice %dma_wait3A_1411[%dma_wait3A_1401, %dma_wait3A_1402, %dma_wait3A_1403, %dma_wait3A_1404, %dma_wait3A_1412] : memref<1x1x1x20x128xi32, #tpu.memory_space<vmem>> -> memref<1x1x1x1x128xi32, #tpu.memory_space<vmem>>
        %dma_wait3A_1414 = tpu.memref_squeeze %dma_wait3A_1413 : memref<1x1x1x1x128xi32, #tpu.memory_space<vmem>> -> memref<128xi32, #tpu.memory_space<vmem>>
        %dma_wait3A_1415 = arith.constant 0 : i32
        %dma_wait3A_1416 = arith.constant 0 : i32
        %dma_wait3A_1417 = tpu.memref_slice %arg5[%dma_wait3A_1415, %dma_wait3A_1416] : memref<10112x128xf32, #tpu.memory_space<vmem_shared>> -> memref<10112x128xf32, #tpu.memory_space<vmem_shared>>
        tpu.wait_indirect_dma semaphore(%arg10 : memref<!tpu.dma_semaphore, #tpu.memory_space<semaphore_mem>>) src(%arg6 : memref<128x128xf32, #tpu.memory_space<vmem>>) dst(%dma_wait3A_1417 : memref<10112x128xf32, #tpu.memory_space<vmem_shared>>)
        %dma_start3A_1418 = arith.constant 0 : i32
        %dma_start3A_1419 = arith.constant 0 : i32
        %dma_start3A_1420 = arith.constant 0 : i32
        %dma_start3A_1421 = arith.constant 16 : i32
        %dma_start3A_1422 = arith.constant 0 : i32
        %dma_start3A_1423 = arith.constant 0 : i32
        %dma_start3A_1424 = arith.constant 0 : i32
        %dma_start3A_1425 = arith.constant 0 : i32
        %dma_start3A_1426 = arith.constant 0 : i32
        %dma_start3A_1427 = tpu.memref_slice %run_scoped3A[%rem3A_379, %dma_start3A_1422, %dma_start3A_1423, %dma_start3A_1424, %dma_start3A_1425, %dma_start3A_1426] : memref<2x1x1x1x20x128xi32, #tpu.memory_space<vmem>> -> memref<1x1x1x1x20x128xi32, #tpu.memory_space<vmem>>
        %dma_start3A_1428 = tpu.memref_squeeze %dma_start3A_1427 : memref<1x1x1x1x20x128xi32, #tpu.memory_space<vmem>> -> memref<1x1x1x20x128xi32, #tpu.memory_space<vmem>>
        %dma_start3A_1429 = arith.constant 0 : i32
        %dma_start3A_1430 = tpu.memref_slice %dma_start3A_1428[%dma_start3A_1418, %dma_start3A_1419, %dma_start3A_1420, %dma_start3A_1421, %dma_start3A_1429] : memref<1x1x1x20x128xi32, #tpu.memory_space<vmem>> -> memref<1x1x1x1x128xi32, #tpu.memory_space<vmem>>
        %dma_start3A_1431 = tpu.memref_squeeze %dma_start3A_1430 : memref<1x1x1x1x128xi32, #tpu.memory_space<vmem>> -> memref<128xi32, #tpu.memory_space<vmem>>
        %dma_start3A_1432 = arith.constant 0 : i32
        %dma_start3A_1433 = arith.constant 0 : i32
        %dma_start3A_1434 = tpu.memref_slice %arg2[%dma_start3A_1432, %dma_start3A_1433] : memref<10000x128xf32, #tpu.memory_space<hbm>> -> memref<10000x128xf32, #tpu.memory_space<hbm>>
        tpu.enqueue_indirect_dma source(%dma_start3A_1434 : memref<10000x128xf32, #tpu.memory_space<hbm>>) target(%arg6 : memref<128x128xf32, #tpu.memory_space<vmem>>) offsets(%dma_start3A_1431 : memref<128xi32, #tpu.memory_space<vmem>>) semaphore(%arg8 : memref<!tpu.dma_semaphore, #tpu.memory_space<semaphore_mem>>)
        %dma_wait3A_1435 = arith.constant 0 : i32
        %dma_wait3A_1436 = arith.constant 0 : i32
        %dma_wait3A_1437 = arith.constant 0 : i32
        %dma_wait3A_1438 = arith.constant 15 : i32
        %dma_wait3A_1439 = arith.constant 0 : i32
        %dma_wait3A_1440 = arith.constant 0 : i32
        %dma_wait3A_1441 = arith.constant 0 : i32
        %dma_wait3A_1442 = arith.constant 0 : i32
        %dma_wait3A_1443 = arith.constant 0 : i32
        %dma_wait3A_1444 = tpu.memref_slice %run_scoped3A[%rem3A_379, %dma_wait3A_1439, %dma_wait3A_1440, %dma_wait3A_1441, %dma_wait3A_1442, %dma_wait3A_1443] : memref<2x1x1x1x20x128xi32, #tpu.memory_space<vmem>> -> memref<1x1x1x1x20x128xi32, #tpu.memory_space<vmem>>
        %dma_wait3A_1445 = tpu.memref_squeeze %dma_wait3A_1444 : memref<1x1x1x1x20x128xi32, #tpu.memory_space<vmem>> -> memref<1x1x1x20x128xi32, #tpu.memory_space<vmem>>
        %dma_wait3A_1446 = arith.constant 0 : i32
        %dma_wait3A_1447 = tpu.memref_slice %dma_wait3A_1445[%dma_wait3A_1435, %dma_wait3A_1436, %dma_wait3A_1437, %dma_wait3A_1438, %dma_wait3A_1446] : memref<1x1x1x20x128xi32, #tpu.memory_space<vmem>> -> memref<1x1x1x1x128xi32, #tpu.memory_space<vmem>>
        %dma_wait3A_1448 = tpu.memref_squeeze %dma_wait3A_1447 : memref<1x1x1x1x128xi32, #tpu.memory_space<vmem>> -> memref<128xi32, #tpu.memory_space<vmem>>
        %dma_wait3A_1449 = arith.constant 0 : i32
        %dma_wait3A_1450 = arith.constant 0 : i32
        %dma_wait3A_1451 = tpu.memref_slice %arg2[%dma_wait3A_1449, %dma_wait3A_1450] : memref<10000x128xf32, #tpu.memory_space<hbm>> -> memref<10000x128xf32, #tpu.memory_space<hbm>>
        tpu.wait_indirect_dma semaphore(%arg9 : memref<!tpu.dma_semaphore, #tpu.memory_space<semaphore_mem>>) src(%dma_wait3A_1451 : memref<10000x128xf32, #tpu.memory_space<hbm>>) dst(%arg7 : memref<128x128xf32, #tpu.memory_space<vmem>>)
        %dma_start3A_1452 = arith.constant 0 : i32
        %dma_start3A_1453 = arith.constant 0 : i32
        %dma_start3A_1454 = arith.constant 0 : i32
        %dma_start3A_1455 = arith.constant 15 : i32
        %dma_start3A_1456 = arith.constant 0 : i32
        %dma_start3A_1457 = arith.constant 0 : i32
        %dma_start3A_1458 = arith.constant 0 : i32
        %dma_start3A_1459 = arith.constant 0 : i32
        %dma_start3A_1460 = arith.constant 0 : i32
        %dma_start3A_1461 = tpu.memref_slice %run_scoped3A_27[%rem3A_381, %dma_start3A_1456, %dma_start3A_1457, %dma_start3A_1458, %dma_start3A_1459, %dma_start3A_1460] : memref<2x1x1x1x20x128xi32, #tpu.memory_space<vmem>> -> memref<1x1x1x1x20x128xi32, #tpu.memory_space<vmem>>
        %dma_start3A_1462 = tpu.memref_squeeze %dma_start3A_1461 : memref<1x1x1x1x20x128xi32, #tpu.memory_space<vmem>> -> memref<1x1x1x20x128xi32, #tpu.memory_space<vmem>>
        %dma_start3A_1463 = arith.constant 0 : i32
        %dma_start3A_1464 = tpu.memref_slice %dma_start3A_1462[%dma_start3A_1452, %dma_start3A_1453, %dma_start3A_1454, %dma_start3A_1455, %dma_start3A_1463] : memref<1x1x1x20x128xi32, #tpu.memory_space<vmem>> -> memref<1x1x1x1x128xi32, #tpu.memory_space<vmem>>
        %dma_start3A_1465 = tpu.memref_squeeze %dma_start3A_1464 : memref<1x1x1x1x128xi32, #tpu.memory_space<vmem>> -> memref<128xi32, #tpu.memory_space<vmem>>
        %dma_start3A_1466 = arith.constant 0 : i32
        %dma_start3A_1467 = arith.constant 0 : i32
        %dma_start3A_1468 = tpu.memref_slice %arg5[%dma_start3A_1466, %dma_start3A_1467] : memref<10112x128xf32, #tpu.memory_space<vmem_shared>> -> memref<10112x128xf32, #tpu.memory_space<vmem_shared>>
        tpu.enqueue_indirect_dma source(%arg7 : memref<128x128xf32, #tpu.memory_space<vmem>>) target(%dma_start3A_1468 : memref<10112x128xf32, #tpu.memory_space<vmem_shared>>) offsets(%dma_start3A_1465 : memref<128xi32, #tpu.memory_space<vmem>>) semaphore(%arg11 : memref<!tpu.dma_semaphore, #tpu.memory_space<semaphore_mem>>) {add = true}
        %dma_wait3A_1469 = arith.constant 0 : i32
        %dma_wait3A_1470 = arith.constant 0 : i32
        %dma_wait3A_1471 = arith.constant 0 : i32
        %dma_wait3A_1472 = arith.constant 15 : i32
        %dma_wait3A_1473 = arith.constant 0 : i32
        %dma_wait3A_1474 = arith.constant 0 : i32
        %dma_wait3A_1475 = arith.constant 0 : i32
        %dma_wait3A_1476 = arith.constant 0 : i32
        %dma_wait3A_1477 = arith.constant 0 : i32
        %dma_wait3A_1478 = tpu.memref_slice %run_scoped3A_27[%rem3A_381, %dma_wait3A_1473, %dma_wait3A_1474, %dma_wait3A_1475, %dma_wait3A_1476, %dma_wait3A_1477] : memref<2x1x1x1x20x128xi32, #tpu.memory_space<vmem>> -> memref<1x1x1x1x20x128xi32, #tpu.memory_space<vmem>>
        %dma_wait3A_1479 = tpu.memref_squeeze %dma_wait3A_1478 : memref<1x1x1x1x20x128xi32, #tpu.memory_space<vmem>> -> memref<1x1x1x20x128xi32, #tpu.memory_space<vmem>>
        %dma_wait3A_1480 = arith.constant 0 : i32
        %dma_wait3A_1481 = tpu.memref_slice %dma_wait3A_1479[%dma_wait3A_1469, %dma_wait3A_1470, %dma_wait3A_1471, %dma_wait3A_1472, %dma_wait3A_1480] : memref<1x1x1x20x128xi32, #tpu.memory_space<vmem>> -> memref<1x1x1x1x128xi32, #tpu.memory_space<vmem>>
        %dma_wait3A_1482 = tpu.memref_squeeze %dma_wait3A_1481 : memref<1x1x1x1x128xi32, #tpu.memory_space<vmem>> -> memref<128xi32, #tpu.memory_space<vmem>>
        %dma_wait3A_1483 = arith.constant 0 : i32
        %dma_wait3A_1484 = arith.constant 0 : i32
        %dma_wait3A_1485 = tpu.memref_slice %arg5[%dma_wait3A_1483, %dma_wait3A_1484] : memref<10112x128xf32, #tpu.memory_space<vmem_shared>> -> memref<10112x128xf32, #tpu.memory_space<vmem_shared>>
        tpu.wait_indirect_dma semaphore(%arg11 : memref<!tpu.dma_semaphore, #tpu.memory_space<semaphore_mem>>) src(%arg7 : memref<128x128xf32, #tpu.memory_space<vmem>>) dst(%dma_wait3A_1485 : memref<10112x128xf32, #tpu.memory_space<vmem_shared>>)
        %dma_start3A_1486 = arith.constant 0 : i32
        %dma_start3A_1487 = arith.constant 0 : i32
        %dma_start3A_1488 = arith.constant 0 : i32
        %dma_start3A_1489 = arith.constant 17 : i32
        %dma_start3A_1490 = arith.constant 0 : i32
        %dma_start3A_1491 = arith.constant 0 : i32
        %dma_start3A_1492 = arith.constant 0 : i32
        %dma_start3A_1493 = arith.constant 0 : i32
        %dma_start3A_1494 = arith.constant 0 : i32
        %dma_start3A_1495 = tpu.memref_slice %run_scoped3A[%rem3A_379, %dma_start3A_1490, %dma_start3A_1491, %dma_start3A_1492, %dma_start3A_1493, %dma_start3A_1494] : memref<2x1x1x1x20x128xi32, #tpu.memory_space<vmem>> -> memref<1x1x1x1x20x128xi32, #tpu.memory_space<vmem>>
        %dma_start3A_1496 = tpu.memref_squeeze %dma_start3A_1495 : memref<1x1x1x1x20x128xi32, #tpu.memory_space<vmem>> -> memref<1x1x1x20x128xi32, #tpu.memory_space<vmem>>
        %dma_start3A_1497 = arith.constant 0 : i32
        %dma_start3A_1498 = tpu.memref_slice %dma_start3A_1496[%dma_start3A_1486, %dma_start3A_1487, %dma_start3A_1488, %dma_start3A_1489, %dma_start3A_1497] : memref<1x1x1x20x128xi32, #tpu.memory_space<vmem>> -> memref<1x1x1x1x128xi32, #tpu.memory_space<vmem>>
        %dma_start3A_1499 = tpu.memref_squeeze %dma_start3A_1498 : memref<1x1x1x1x128xi32, #tpu.memory_space<vmem>> -> memref<128xi32, #tpu.memory_space<vmem>>
        %dma_start3A_1500 = arith.constant 0 : i32
        %dma_start3A_1501 = arith.constant 0 : i32
        %dma_start3A_1502 = tpu.memref_slice %arg2[%dma_start3A_1500, %dma_start3A_1501] : memref<10000x128xf32, #tpu.memory_space<hbm>> -> memref<10000x128xf32, #tpu.memory_space<hbm>>
        tpu.enqueue_indirect_dma source(%dma_start3A_1502 : memref<10000x128xf32, #tpu.memory_space<hbm>>) target(%arg7 : memref<128x128xf32, #tpu.memory_space<vmem>>) offsets(%dma_start3A_1499 : memref<128xi32, #tpu.memory_space<vmem>>) semaphore(%arg9 : memref<!tpu.dma_semaphore, #tpu.memory_space<semaphore_mem>>)
        %dma_wait3A_1503 = arith.constant 0 : i32
        %dma_wait3A_1504 = arith.constant 0 : i32
        %dma_wait3A_1505 = arith.constant 0 : i32
        %dma_wait3A_1506 = arith.constant 16 : i32
        %dma_wait3A_1507 = arith.constant 0 : i32
        %dma_wait3A_1508 = arith.constant 0 : i32
        %dma_wait3A_1509 = arith.constant 0 : i32
        %dma_wait3A_1510 = arith.constant 0 : i32
        %dma_wait3A_1511 = arith.constant 0 : i32
        %dma_wait3A_1512 = tpu.memref_slice %run_scoped3A[%rem3A_379, %dma_wait3A_1507, %dma_wait3A_1508, %dma_wait3A_1509, %dma_wait3A_1510, %dma_wait3A_1511] : memref<2x1x1x1x20x128xi32, #tpu.memory_space<vmem>> -> memref<1x1x1x1x20x128xi32, #tpu.memory_space<vmem>>
        %dma_wait3A_1513 = tpu.memref_squeeze %dma_wait3A_1512 : memref<1x1x1x1x20x128xi32, #tpu.memory_space<vmem>> -> memref<1x1x1x20x128xi32, #tpu.memory_space<vmem>>
        %dma_wait3A_1514 = arith.constant 0 : i32
        %dma_wait3A_1515 = tpu.memref_slice %dma_wait3A_1513[%dma_wait3A_1503, %dma_wait3A_1504, %dma_wait3A_1505, %dma_wait3A_1506, %dma_wait3A_1514] : memref<1x1x1x20x128xi32, #tpu.memory_space<vmem>> -> memref<1x1x1x1x128xi32, #tpu.memory_space<vmem>>
        %dma_wait3A_1516 = tpu.memref_squeeze %dma_wait3A_1515 : memref<1x1x1x1x128xi32, #tpu.memory_space<vmem>> -> memref<128xi32, #tpu.memory_space<vmem>>
        %dma_wait3A_1517 = arith.constant 0 : i32
        %dma_wait3A_1518 = arith.constant 0 : i32
        %dma_wait3A_1519 = tpu.memref_slice %arg2[%dma_wait3A_1517, %dma_wait3A_1518] : memref<10000x128xf32, #tpu.memory_space<hbm>> -> memref<10000x128xf32, #tpu.memory_space<hbm>>
        tpu.wait_indirect_dma semaphore(%arg8 : memref<!tpu.dma_semaphore, #tpu.memory_space<semaphore_mem>>) src(%dma_wait3A_1519 : memref<10000x128xf32, #tpu.memory_space<hbm>>) dst(%arg6 : memref<128x128xf32, #tpu.memory_space<vmem>>)
        %dma_start3A_1520 = arith.constant 0 : i32
        %dma_start3A_1521 = arith.constant 0 : i32
        %dma_start3A_1522 = arith.constant 0 : i32
        %dma_start3A_1523 = arith.constant 16 : i32
        %dma_start3A_1524 = arith.constant 0 : i32
        %dma_start3A_1525 = arith.constant 0 : i32
        %dma_start3A_1526 = arith.constant 0 : i32
        %dma_start3A_1527 = arith.constant 0 : i32
        %dma_start3A_1528 = arith.constant 0 : i32
        %dma_start3A_1529 = tpu.memref_slice %run_scoped3A_27[%rem3A_381, %dma_start3A_1524, %dma_start3A_1525, %dma_start3A_1526, %dma_start3A_1527, %dma_start3A_1528] : memref<2x1x1x1x20x128xi32, #tpu.memory_space<vmem>> -> memref<1x1x1x1x20x128xi32, #tpu.memory_space<vmem>>
        %dma_start3A_1530 = tpu.memref_squeeze %dma_start3A_1529 : memref<1x1x1x1x20x128xi32, #tpu.memory_space<vmem>> -> memref<1x1x1x20x128xi32, #tpu.memory_space<vmem>>
        %dma_start3A_1531 = arith.constant 0 : i32
        %dma_start3A_1532 = tpu.memref_slice %dma_start3A_1530[%dma_start3A_1520, %dma_start3A_1521, %dma_start3A_1522, %dma_start3A_1523, %dma_start3A_1531] : memref<1x1x1x20x128xi32, #tpu.memory_space<vmem>> -> memref<1x1x1x1x128xi32, #tpu.memory_space<vmem>>
        %dma_start3A_1533 = tpu.memref_squeeze %dma_start3A_1532 : memref<1x1x1x1x128xi32, #tpu.memory_space<vmem>> -> memref<128xi32, #tpu.memory_space<vmem>>
        %dma_start3A_1534 = arith.constant 0 : i32
        %dma_start3A_1535 = arith.constant 0 : i32
        %dma_start3A_1536 = tpu.memref_slice %arg5[%dma_start3A_1534, %dma_start3A_1535] : memref<10112x128xf32, #tpu.memory_space<vmem_shared>> -> memref<10112x128xf32, #tpu.memory_space<vmem_shared>>
        tpu.enqueue_indirect_dma source(%arg6 : memref<128x128xf32, #tpu.memory_space<vmem>>) target(%dma_start3A_1536 : memref<10112x128xf32, #tpu.memory_space<vmem_shared>>) offsets(%dma_start3A_1533 : memref<128xi32, #tpu.memory_space<vmem>>) semaphore(%arg10 : memref<!tpu.dma_semaphore, #tpu.memory_space<semaphore_mem>>) {add = true}
        %dma_wait3A_1537 = arith.constant 0 : i32
        %dma_wait3A_1538 = arith.constant 0 : i32
        %dma_wait3A_1539 = arith.constant 0 : i32
        %dma_wait3A_1540 = arith.constant 16 : i32
        %dma_wait3A_1541 = arith.constant 0 : i32
        %dma_wait3A_1542 = arith.constant 0 : i32
        %dma_wait3A_1543 = arith.constant 0 : i32
        %dma_wait3A_1544 = arith.constant 0 : i32
        %dma_wait3A_1545 = arith.constant 0 : i32
        %dma_wait3A_1546 = tpu.memref_slice %run_scoped3A_27[%rem3A_381, %dma_wait3A_1541, %dma_wait3A_1542, %dma_wait3A_1543, %dma_wait3A_1544, %dma_wait3A_1545] : memref<2x1x1x1x20x128xi32, #tpu.memory_space<vmem>> -> memref<1x1x1x1x20x128xi32, #tpu.memory_space<vmem>>
        %dma_wait3A_1547 = tpu.memref_squeeze %dma_wait3A_1546 : memref<1x1x1x1x20x128xi32, #tpu.memory_space<vmem>> -> memref<1x1x1x20x128xi32, #tpu.memory_space<vmem>>
        %dma_wait3A_1548 = arith.constant 0 : i32
        %dma_wait3A_1549 = tpu.memref_slice %dma_wait3A_1547[%dma_wait3A_1537, %dma_wait3A_1538, %dma_wait3A_1539, %dma_wait3A_1540, %dma_wait3A_1548] : memref<1x1x1x20x128xi32, #tpu.memory_space<vmem>> -> memref<1x1x1x1x128xi32, #tpu.memory_space<vmem>>
        %dma_wait3A_1550 = tpu.memref_squeeze %dma_wait3A_1549 : memref<1x1x1x1x128xi32, #tpu.memory_space<vmem>> -> memref<128xi32, #tpu.memory_space<vmem>>
        %dma_wait3A_1551 = arith.constant 0 : i32
        %dma_wait3A_1552 = arith.constant 0 : i32
        %dma_wait3A_1553 = tpu.memref_slice %arg5[%dma_wait3A_1551, %dma_wait3A_1552] : memref<10112x128xf32, #tpu.memory_space<vmem_shared>> -> memref<10112x128xf32, #tpu.memory_space<vmem_shared>>
        tpu.wait_indirect_dma semaphore(%arg10 : memref<!tpu.dma_semaphore, #tpu.memory_space<semaphore_mem>>) src(%arg6 : memref<128x128xf32, #tpu.memory_space<vmem>>) dst(%dma_wait3A_1553 : memref<10112x128xf32, #tpu.memory_space<vmem_shared>>)
        %dma_start3A_1554 = arith.constant 0 : i32
        %dma_start3A_1555 = arith.constant 0 : i32
        %dma_start3A_1556 = arith.constant 0 : i32
        %dma_start3A_1557 = arith.constant 18 : i32
        %dma_start3A_1558 = arith.constant 0 : i32
        %dma_start3A_1559 = arith.constant 0 : i32
        %dma_start3A_1560 = arith.constant 0 : i32
        %dma_start3A_1561 = arith.constant 0 : i32
        %dma_start3A_1562 = arith.constant 0 : i32
        %dma_start3A_1563 = tpu.memref_slice %run_scoped3A[%rem3A_379, %dma_start3A_1558, %dma_start3A_1559, %dma_start3A_1560, %dma_start3A_1561, %dma_start3A_1562] : memref<2x1x1x1x20x128xi32, #tpu.memory_space<vmem>> -> memref<1x1x1x1x20x128xi32, #tpu.memory_space<vmem>>
        %dma_start3A_1564 = tpu.memref_squeeze %dma_start3A_1563 : memref<1x1x1x1x20x128xi32, #tpu.memory_space<vmem>> -> memref<1x1x1x20x128xi32, #tpu.memory_space<vmem>>
        %dma_start3A_1565 = arith.constant 0 : i32
        %dma_start3A_1566 = tpu.memref_slice %dma_start3A_1564[%dma_start3A_1554, %dma_start3A_1555, %dma_start3A_1556, %dma_start3A_1557, %dma_start3A_1565] : memref<1x1x1x20x128xi32, #tpu.memory_space<vmem>> -> memref<1x1x1x1x128xi32, #tpu.memory_space<vmem>>
        %dma_start3A_1567 = tpu.memref_squeeze %dma_start3A_1566 : memref<1x1x1x1x128xi32, #tpu.memory_space<vmem>> -> memref<128xi32, #tpu.memory_space<vmem>>
        %dma_start3A_1568 = arith.constant 0 : i32
        %dma_start3A_1569 = arith.constant 0 : i32
        %dma_start3A_1570 = tpu.memref_slice %arg2[%dma_start3A_1568, %dma_start3A_1569] : memref<10000x128xf32, #tpu.memory_space<hbm>> -> memref<10000x128xf32, #tpu.memory_space<hbm>>
        tpu.enqueue_indirect_dma source(%dma_start3A_1570 : memref<10000x128xf32, #tpu.memory_space<hbm>>) target(%arg6 : memref<128x128xf32, #tpu.memory_space<vmem>>) offsets(%dma_start3A_1567 : memref<128xi32, #tpu.memory_space<vmem>>) semaphore(%arg8 : memref<!tpu.dma_semaphore, #tpu.memory_space<semaphore_mem>>)
        %dma_wait3A_1571 = arith.constant 0 : i32
        %dma_wait3A_1572 = arith.constant 0 : i32
        %dma_wait3A_1573 = arith.constant 0 : i32
        %dma_wait3A_1574 = arith.constant 17 : i32
        %dma_wait3A_1575 = arith.constant 0 : i32
        %dma_wait3A_1576 = arith.constant 0 : i32
        %dma_wait3A_1577 = arith.constant 0 : i32
        %dma_wait3A_1578 = arith.constant 0 : i32
        %dma_wait3A_1579 = arith.constant 0 : i32
        %dma_wait3A_1580 = tpu.memref_slice %run_scoped3A[%rem3A_379, %dma_wait3A_1575, %dma_wait3A_1576, %dma_wait3A_1577, %dma_wait3A_1578, %dma_wait3A_1579] : memref<2x1x1x1x20x128xi32, #tpu.memory_space<vmem>> -> memref<1x1x1x1x20x128xi32, #tpu.memory_space<vmem>>
        %dma_wait3A_1581 = tpu.memref_squeeze %dma_wait3A_1580 : memref<1x1x1x1x20x128xi32, #tpu.memory_space<vmem>> -> memref<1x1x1x20x128xi32, #tpu.memory_space<vmem>>
        %dma_wait3A_1582 = arith.constant 0 : i32
        %dma_wait3A_1583 = tpu.memref_slice %dma_wait3A_1581[%dma_wait3A_1571, %dma_wait3A_1572, %dma_wait3A_1573, %dma_wait3A_1574, %dma_wait3A_1582] : memref<1x1x1x20x128xi32, #tpu.memory_space<vmem>> -> memref<1x1x1x1x128xi32, #tpu.memory_space<vmem>>
        %dma_wait3A_1584 = tpu.memref_squeeze %dma_wait3A_1583 : memref<1x1x1x1x128xi32, #tpu.memory_space<vmem>> -> memref<128xi32, #tpu.memory_space<vmem>>
        %dma_wait3A_1585 = arith.constant 0 : i32
        %dma_wait3A_1586 = arith.constant 0 : i32
        %dma_wait3A_1587 = tpu.memref_slice %arg2[%dma_wait3A_1585, %dma_wait3A_1586] : memref<10000x128xf32, #tpu.memory_space<hbm>> -> memref<10000x128xf32, #tpu.memory_space<hbm>>
        tpu.wait_indirect_dma semaphore(%arg9 : memref<!tpu.dma_semaphore, #tpu.memory_space<semaphore_mem>>) src(%dma_wait3A_1587 : memref<10000x128xf32, #tpu.memory_space<hbm>>) dst(%arg7 : memref<128x128xf32, #tpu.memory_space<vmem>>)
        %dma_start3A_1588 = arith.constant 0 : i32
        %dma_start3A_1589 = arith.constant 0 : i32
        %dma_start3A_1590 = arith.constant 0 : i32
        %dma_start3A_1591 = arith.constant 17 : i32
        %dma_start3A_1592 = arith.constant 0 : i32
        %dma_start3A_1593 = arith.constant 0 : i32
        %dma_start3A_1594 = arith.constant 0 : i32
        %dma_start3A_1595 = arith.constant 0 : i32
        %dma_start3A_1596 = arith.constant 0 : i32
        %dma_start3A_1597 = tpu.memref_slice %run_scoped3A_27[%rem3A_381, %dma_start3A_1592, %dma_start3A_1593, %dma_start3A_1594, %dma_start3A_1595, %dma_start3A_1596] : memref<2x1x1x1x20x128xi32, #tpu.memory_space<vmem>> -> memref<1x1x1x1x20x128xi32, #tpu.memory_space<vmem>>
        %dma_start3A_1598 = tpu.memref_squeeze %dma_start3A_1597 : memref<1x1x1x1x20x128xi32, #tpu.memory_space<vmem>> -> memref<1x1x1x20x128xi32, #tpu.memory_space<vmem>>
        %dma_start3A_1599 = arith.constant 0 : i32
        %dma_start3A_1600 = tpu.memref_slice %dma_start3A_1598[%dma_start3A_1588, %dma_start3A_1589, %dma_start3A_1590, %dma_start3A_1591, %dma_start3A_1599] : memref<1x1x1x20x128xi32, #tpu.memory_space<vmem>> -> memref<1x1x1x1x128xi32, #tpu.memory_space<vmem>>
        %dma_start3A_1601 = tpu.memref_squeeze %dma_start3A_1600 : memref<1x1x1x1x128xi32, #tpu.memory_space<vmem>> -> memref<128xi32, #tpu.memory_space<vmem>>
        %dma_start3A_1602 = arith.constant 0 : i32
        %dma_start3A_1603 = arith.constant 0 : i32
        %dma_start3A_1604 = tpu.memref_slice %arg5[%dma_start3A_1602, %dma_start3A_1603] : memref<10112x128xf32, #tpu.memory_space<vmem_shared>> -> memref<10112x128xf32, #tpu.memory_space<vmem_shared>>
        tpu.enqueue_indirect_dma source(%arg7 : memref<128x128xf32, #tpu.memory_space<vmem>>) target(%dma_start3A_1604 : memref<10112x128xf32, #tpu.memory_space<vmem_shared>>) offsets(%dma_start3A_1601 : memref<128xi32, #tpu.memory_space<vmem>>) semaphore(%arg11 : memref<!tpu.dma_semaphore, #tpu.memory_space<semaphore_mem>>) {add = true}
        %dma_wait3A_1605 = arith.constant 0 : i32
        %dma_wait3A_1606 = arith.constant 0 : i32
        %dma_wait3A_1607 = arith.constant 0 : i32
        %dma_wait3A_1608 = arith.constant 17 : i32
        %dma_wait3A_1609 = arith.constant 0 : i32
        %dma_wait3A_1610 = arith.constant 0 : i32
        %dma_wait3A_1611 = arith.constant 0 : i32
        %dma_wait3A_1612 = arith.constant 0 : i32
        %dma_wait3A_1613 = arith.constant 0 : i32
        %dma_wait3A_1614 = tpu.memref_slice %run_scoped3A_27[%rem3A_381, %dma_wait3A_1609, %dma_wait3A_1610, %dma_wait3A_1611, %dma_wait3A_1612, %dma_wait3A_1613] : memref<2x1x1x1x20x128xi32, #tpu.memory_space<vmem>> -> memref<1x1x1x1x20x128xi32, #tpu.memory_space<vmem>>
        %dma_wait3A_1615 = tpu.memref_squeeze %dma_wait3A_1614 : memref<1x1x1x1x20x128xi32, #tpu.memory_space<vmem>> -> memref<1x1x1x20x128xi32, #tpu.memory_space<vmem>>
        %dma_wait3A_1616 = arith.constant 0 : i32
        %dma_wait3A_1617 = tpu.memref_slice %dma_wait3A_1615[%dma_wait3A_1605, %dma_wait3A_1606, %dma_wait3A_1607, %dma_wait3A_1608, %dma_wait3A_1616] : memref<1x1x1x20x128xi32, #tpu.memory_space<vmem>> -> memref<1x1x1x1x128xi32, #tpu.memory_space<vmem>>
        %dma_wait3A_1618 = tpu.memref_squeeze %dma_wait3A_1617 : memref<1x1x1x1x128xi32, #tpu.memory_space<vmem>> -> memref<128xi32, #tpu.memory_space<vmem>>
        %dma_wait3A_1619 = arith.constant 0 : i32
        %dma_wait3A_1620 = arith.constant 0 : i32
        %dma_wait3A_1621 = tpu.memref_slice %arg5[%dma_wait3A_1619, %dma_wait3A_1620] : memref<10112x128xf32, #tpu.memory_space<vmem_shared>> -> memref<10112x128xf32, #tpu.memory_space<vmem_shared>>
        tpu.wait_indirect_dma semaphore(%arg11 : memref<!tpu.dma_semaphore, #tpu.memory_space<semaphore_mem>>) src(%arg7 : memref<128x128xf32, #tpu.memory_space<vmem>>) dst(%dma_wait3A_1621 : memref<10112x128xf32, #tpu.memory_space<vmem_shared>>)
        %dma_start3A_1622 = arith.constant 0 : i32
        %dma_start3A_1623 = arith.constant 0 : i32
        %dma_start3A_1624 = arith.constant 0 : i32
        %dma_start3A_1625 = arith.constant 19 : i32
        %dma_start3A_1626 = arith.constant 0 : i32
        %dma_start3A_1627 = arith.constant 0 : i32
        %dma_start3A_1628 = arith.constant 0 : i32
        %dma_start3A_1629 = arith.constant 0 : i32
        %dma_start3A_1630 = arith.constant 0 : i32
        %dma_start3A_1631 = tpu.memref_slice %run_scoped3A[%rem3A_379, %dma_start3A_1626, %dma_start3A_1627, %dma_start3A_1628, %dma_start3A_1629, %dma_start3A_1630] : memref<2x1x1x1x20x128xi32, #tpu.memory_space<vmem>> -> memref<1x1x1x1x20x128xi32, #tpu.memory_space<vmem>>
        %dma_start3A_1632 = tpu.memref_squeeze %dma_start3A_1631 : memref<1x1x1x1x20x128xi32, #tpu.memory_space<vmem>> -> memref<1x1x1x20x128xi32, #tpu.memory_space<vmem>>
        %dma_start3A_1633 = arith.constant 0 : i32
        %dma_start3A_1634 = tpu.memref_slice %dma_start3A_1632[%dma_start3A_1622, %dma_start3A_1623, %dma_start3A_1624, %dma_start3A_1625, %dma_start3A_1633] : memref<1x1x1x20x128xi32, #tpu.memory_space<vmem>> -> memref<1x1x1x1x128xi32, #tpu.memory_space<vmem>>
        %dma_start3A_1635 = tpu.memref_squeeze %dma_start3A_1634 : memref<1x1x1x1x128xi32, #tpu.memory_space<vmem>> -> memref<128xi32, #tpu.memory_space<vmem>>
        %dma_start3A_1636 = arith.constant 0 : i32
        %dma_start3A_1637 = arith.constant 0 : i32
        %dma_start3A_1638 = tpu.memref_slice %arg2[%dma_start3A_1636, %dma_start3A_1637] : memref<10000x128xf32, #tpu.memory_space<hbm>> -> memref<10000x128xf32, #tpu.memory_space<hbm>>
        tpu.enqueue_indirect_dma source(%dma_start3A_1638 : memref<10000x128xf32, #tpu.memory_space<hbm>>) target(%arg7 : memref<128x128xf32, #tpu.memory_space<vmem>>) offsets(%dma_start3A_1635 : memref<128xi32, #tpu.memory_space<vmem>>) semaphore(%arg9 : memref<!tpu.dma_semaphore, #tpu.memory_space<semaphore_mem>>)
        %dma_wait3A_1639 = arith.constant 0 : i32
        %dma_wait3A_1640 = arith.constant 0 : i32
        %dma_wait3A_1641 = arith.constant 0 : i32
        %dma_wait3A_1642 = arith.constant 18 : i32
        %dma_wait3A_1643 = arith.constant 0 : i32
        %dma_wait3A_1644 = arith.constant 0 : i32
        %dma_wait3A_1645 = arith.constant 0 : i32
        %dma_wait3A_1646 = arith.constant 0 : i32
        %dma_wait3A_1647 = arith.constant 0 : i32
        %dma_wait3A_1648 = tpu.memref_slice %run_scoped3A[%rem3A_379, %dma_wait3A_1643, %dma_wait3A_1644, %dma_wait3A_1645, %dma_wait3A_1646, %dma_wait3A_1647] : memref<2x1x1x1x20x128xi32, #tpu.memory_space<vmem>> -> memref<1x1x1x1x20x128xi32, #tpu.memory_space<vmem>>
        %dma_wait3A_1649 = tpu.memref_squeeze %dma_wait3A_1648 : memref<1x1x1x1x20x128xi32, #tpu.memory_space<vmem>> -> memref<1x1x1x20x128xi32, #tpu.memory_space<vmem>>
        %dma_wait3A_1650 = arith.constant 0 : i32
        %dma_wait3A_1651 = tpu.memref_slice %dma_wait3A_1649[%dma_wait3A_1639, %dma_wait3A_1640, %dma_wait3A_1641, %dma_wait3A_1642, %dma_wait3A_1650] : memref<1x1x1x20x128xi32, #tpu.memory_space<vmem>> -> memref<1x1x1x1x128xi32, #tpu.memory_space<vmem>>
        %dma_wait3A_1652 = tpu.memref_squeeze %dma_wait3A_1651 : memref<1x1x1x1x128xi32, #tpu.memory_space<vmem>> -> memref<128xi32, #tpu.memory_space<vmem>>
        %dma_wait3A_1653 = arith.constant 0 : i32
        %dma_wait3A_1654 = arith.constant 0 : i32
        %dma_wait3A_1655 = tpu.memref_slice %arg2[%dma_wait3A_1653, %dma_wait3A_1654] : memref<10000x128xf32, #tpu.memory_space<hbm>> -> memref<10000x128xf32, #tpu.memory_space<hbm>>
        tpu.wait_indirect_dma semaphore(%arg8 : memref<!tpu.dma_semaphore, #tpu.memory_space<semaphore_mem>>) src(%dma_wait3A_1655 : memref<10000x128xf32, #tpu.memory_space<hbm>>) dst(%arg6 : memref<128x128xf32, #tpu.memory_space<vmem>>)
        %dma_start3A_1656 = arith.constant 0 : i32
        %dma_start3A_1657 = arith.constant 0 : i32
        %dma_start3A_1658 = arith.constant 0 : i32
        %dma_start3A_1659 = arith.constant 18 : i32
        %dma_start3A_1660 = arith.constant 0 : i32
        %dma_start3A_1661 = arith.constant 0 : i32
        %dma_start3A_1662 = arith.constant 0 : i32
        %dma_start3A_1663 = arith.constant 0 : i32
        %dma_start3A_1664 = arith.constant 0 : i32
        %dma_start3A_1665 = tpu.memref_slice %run_scoped3A_27[%rem3A_381, %dma_start3A_1660, %dma_start3A_1661, %dma_start3A_1662, %dma_start3A_1663, %dma_start3A_1664] : memref<2x1x1x1x20x128xi32, #tpu.memory_space<vmem>> -> memref<1x1x1x1x20x128xi32, #tpu.memory_space<vmem>>
        %dma_start3A_1666 = tpu.memref_squeeze %dma_start3A_1665 : memref<1x1x1x1x20x128xi32, #tpu.memory_space<vmem>> -> memref<1x1x1x20x128xi32, #tpu.memory_space<vmem>>
        %dma_start3A_1667 = arith.constant 0 : i32
        %dma_start3A_1668 = tpu.memref_slice %dma_start3A_1666[%dma_start3A_1656, %dma_start3A_1657, %dma_start3A_1658, %dma_start3A_1659, %dma_start3A_1667] : memref<1x1x1x20x128xi32, #tpu.memory_space<vmem>> -> memref<1x1x1x1x128xi32, #tpu.memory_space<vmem>>
        %dma_start3A_1669 = tpu.memref_squeeze %dma_start3A_1668 : memref<1x1x1x1x128xi32, #tpu.memory_space<vmem>> -> memref<128xi32, #tpu.memory_space<vmem>>
        %dma_start3A_1670 = arith.constant 0 : i32
        %dma_start3A_1671 = arith.constant 0 : i32
        %dma_start3A_1672 = tpu.memref_slice %arg5[%dma_start3A_1670, %dma_start3A_1671] : memref<10112x128xf32, #tpu.memory_space<vmem_shared>> -> memref<10112x128xf32, #tpu.memory_space<vmem_shared>>
        tpu.enqueue_indirect_dma source(%arg6 : memref<128x128xf32, #tpu.memory_space<vmem>>) target(%dma_start3A_1672 : memref<10112x128xf32, #tpu.memory_space<vmem_shared>>) offsets(%dma_start3A_1669 : memref<128xi32, #tpu.memory_space<vmem>>) semaphore(%arg10 : memref<!tpu.dma_semaphore, #tpu.memory_space<semaphore_mem>>) {add = true}
        %dma_wait3A_1673 = arith.constant 0 : i32
        %dma_wait3A_1674 = arith.constant 0 : i32
        %dma_wait3A_1675 = arith.constant 0 : i32
        %dma_wait3A_1676 = arith.constant 19 : i32
        %dma_wait3A_1677 = arith.constant 0 : i32
        %dma_wait3A_1678 = arith.constant 0 : i32
        %dma_wait3A_1679 = arith.constant 0 : i32
        %dma_wait3A_1680 = arith.constant 0 : i32
        %dma_wait3A_1681 = arith.constant 0 : i32
        %dma_wait3A_1682 = tpu.memref_slice %run_scoped3A[%rem3A_379, %dma_wait3A_1677, %dma_wait3A_1678, %dma_wait3A_1679, %dma_wait3A_1680, %dma_wait3A_1681] : memref<2x1x1x1x20x128xi32, #tpu.memory_space<vmem>> -> memref<1x1x1x1x20x128xi32, #tpu.memory_space<vmem>>
        %dma_wait3A_1683 = tpu.memref_squeeze %dma_wait3A_1682 : memref<1x1x1x1x20x128xi32, #tpu.memory_space<vmem>> -> memref<1x1x1x20x128xi32, #tpu.memory_space<vmem>>
        %dma_wait3A_1684 = arith.constant 0 : i32
        %dma_wait3A_1685 = tpu.memref_slice %dma_wait3A_1683[%dma_wait3A_1673, %dma_wait3A_1674, %dma_wait3A_1675, %dma_wait3A_1676, %dma_wait3A_1684] : memref<1x1x1x20x128xi32, #tpu.memory_space<vmem>> -> memref<1x1x1x1x128xi32, #tpu.memory_space<vmem>>
        %dma_wait3A_1686 = tpu.memref_squeeze %dma_wait3A_1685 : memref<1x1x1x1x128xi32, #tpu.memory_space<vmem>> -> memref<128xi32, #tpu.memory_space<vmem>>
        %dma_wait3A_1687 = arith.constant 0 : i32
        %dma_wait3A_1688 = arith.constant 0 : i32
        %dma_wait3A_1689 = tpu.memref_slice %arg2[%dma_wait3A_1687, %dma_wait3A_1688] : memref<10000x128xf32, #tpu.memory_space<hbm>> -> memref<10000x128xf32, #tpu.memory_space<hbm>>
        tpu.wait_indirect_dma semaphore(%arg9 : memref<!tpu.dma_semaphore, #tpu.memory_space<semaphore_mem>>) src(%dma_wait3A_1689 : memref<10000x128xf32, #tpu.memory_space<hbm>>) dst(%arg7 : memref<128x128xf32, #tpu.memory_space<vmem>>)
        %dma_start3A_1690 = arith.constant 0 : i32
        %dma_start3A_1691 = arith.constant 0 : i32
        %dma_start3A_1692 = arith.constant 0 : i32
        %dma_start3A_1693 = arith.constant 19 : i32
        %dma_start3A_1694 = arith.constant 0 : i32
        %dma_start3A_1695 = arith.constant 0 : i32
        %dma_start3A_1696 = arith.constant 0 : i32
        %dma_start3A_1697 = arith.constant 0 : i32
        %dma_start3A_1698 = arith.constant 0 : i32
        %dma_start3A_1699 = tpu.memref_slice %run_scoped3A_27[%rem3A_381, %dma_start3A_1694, %dma_start3A_1695, %dma_start3A_1696, %dma_start3A_1697, %dma_start3A_1698] : memref<2x1x1x1x20x128xi32, #tpu.memory_space<vmem>> -> memref<1x1x1x1x20x128xi32, #tpu.memory_space<vmem>>
        %dma_start3A_1700 = tpu.memref_squeeze %dma_start3A_1699 : memref<1x1x1x1x20x128xi32, #tpu.memory_space<vmem>> -> memref<1x1x1x20x128xi32, #tpu.memory_space<vmem>>
        %dma_start3A_1701 = arith.constant 0 : i32
        %dma_start3A_1702 = tpu.memref_slice %dma_start3A_1700[%dma_start3A_1690, %dma_start3A_1691, %dma_start3A_1692, %dma_start3A_1693, %dma_start3A_1701] : memref<1x1x1x20x128xi32, #tpu.memory_space<vmem>> -> memref<1x1x1x1x128xi32, #tpu.memory_space<vmem>>
        %dma_start3A_1703 = tpu.memref_squeeze %dma_start3A_1702 : memref<1x1x1x1x128xi32, #tpu.memory_space<vmem>> -> memref<128xi32, #tpu.memory_space<vmem>>
        %dma_start3A_1704 = arith.constant 0 : i32
        %dma_start3A_1705 = arith.constant 0 : i32
        %dma_start3A_1706 = tpu.memref_slice %arg5[%dma_start3A_1704, %dma_start3A_1705] : memref<10112x128xf32, #tpu.memory_space<vmem_shared>> -> memref<10112x128xf32, #tpu.memory_space<vmem_shared>>
        tpu.enqueue_indirect_dma source(%arg7 : memref<128x128xf32, #tpu.memory_space<vmem>>) target(%dma_start3A_1706 : memref<10112x128xf32, #tpu.memory_space<vmem_shared>>) offsets(%dma_start3A_1703 : memref<128xi32, #tpu.memory_space<vmem>>) semaphore(%arg11 : memref<!tpu.dma_semaphore, #tpu.memory_space<semaphore_mem>>) {add = true}
        %dma_wait3A_1707 = arith.constant 0 : i32
        %dma_wait3A_1708 = arith.constant 0 : i32
        %dma_wait3A_1709 = arith.constant 0 : i32
        %dma_wait3A_1710 = arith.constant 19 : i32
        %dma_wait3A_1711 = arith.constant 0 : i32
        %dma_wait3A_1712 = arith.constant 0 : i32
        %dma_wait3A_1713 = arith.constant 0 : i32
        %dma_wait3A_1714 = arith.constant 0 : i32
        %dma_wait3A_1715 = arith.constant 0 : i32
        %dma_wait3A_1716 = tpu.memref_slice %run_scoped3A_27[%rem3A_381, %dma_wait3A_1711, %dma_wait3A_1712, %dma_wait3A_1713, %dma_wait3A_1714, %dma_wait3A_1715] : memref<2x1x1x1x20x128xi32, #tpu.memory_space<vmem>> -> memref<1x1x1x1x20x128xi32, #tpu.memory_space<vmem>>
        %dma_wait3A_1717 = tpu.memref_squeeze %dma_wait3A_1716 : memref<1x1x1x1x20x128xi32, #tpu.memory_space<vmem>> -> memref<1x1x1x20x128xi32, #tpu.memory_space<vmem>>
        %dma_wait3A_1718 = arith.constant 0 : i32
        %dma_wait3A_1719 = tpu.memref_slice %dma_wait3A_1717[%dma_wait3A_1707, %dma_wait3A_1708, %dma_wait3A_1709, %dma_wait3A_1710, %dma_wait3A_1718] : memref<1x1x1x20x128xi32, #tpu.memory_space<vmem>> -> memref<1x1x1x1x128xi32, #tpu.memory_space<vmem>>
        %dma_wait3A_1720 = tpu.memref_squeeze %dma_wait3A_1719 : memref<1x1x1x1x128xi32, #tpu.memory_space<vmem>> -> memref<128xi32, #tpu.memory_space<vmem>>
        %dma_wait3A_1721 = arith.constant 0 : i32
        %dma_wait3A_1722 = arith.constant 0 : i32
        %dma_wait3A_1723 = tpu.memref_slice %arg5[%dma_wait3A_1721, %dma_wait3A_1722] : memref<10112x128xf32, #tpu.memory_space<vmem_shared>> -> memref<10112x128xf32, #tpu.memory_space<vmem_shared>>
        tpu.wait_indirect_dma semaphore(%arg11 : memref<!tpu.dma_semaphore, #tpu.memory_space<semaphore_mem>>) src(%arg7 : memref<128x128xf32, #tpu.memory_space<vmem>>) dst(%dma_wait3A_1723 : memref<10112x128xf32, #tpu.memory_space<vmem_shared>>)
        %dma_wait3A_1724 = arith.constant 0 : i32
        %dma_wait3A_1725 = arith.constant 0 : i32
        %dma_wait3A_1726 = arith.constant 0 : i32
        %dma_wait3A_1727 = arith.constant 18 : i32
        %dma_wait3A_1728 = arith.constant 0 : i32
        %dma_wait3A_1729 = arith.constant 0 : i32
        %dma_wait3A_1730 = arith.constant 0 : i32
        %dma_wait3A_1731 = arith.constant 0 : i32
        %dma_wait3A_1732 = arith.constant 0 : i32
        %dma_wait3A_1733 = tpu.memref_slice %run_scoped3A_27[%rem3A_381, %dma_wait3A_1728, %dma_wait3A_1729, %dma_wait3A_1730, %dma_wait3A_1731, %dma_wait3A_1732] : memref<2x1x1x1x20x128xi32, #tpu.memory_space<vmem>> -> memref<1x1x1x1x20x128xi32, #tpu.memory_space<vmem>>
        %dma_wait3A_1734 = tpu.memref_squeeze %dma_wait3A_1733 : memref<1x1x1x1x20x128xi32, #tpu.memory_space<vmem>> -> memref<1x1x1x20x128xi32, #tpu.memory_space<vmem>>
        %dma_wait3A_1735 = arith.constant 0 : i32
        %dma_wait3A_1736 = tpu.memref_slice %dma_wait3A_1734[%dma_wait3A_1724, %dma_wait3A_1725, %dma_wait3A_1726, %dma_wait3A_1727, %dma_wait3A_1735] : memref<1x1x1x20x128xi32, #tpu.memory_space<vmem>> -> memref<1x1x1x1x128xi32, #tpu.memory_space<vmem>>
        %dma_wait3A_1737 = tpu.memref_squeeze %dma_wait3A_1736 : memref<1x1x1x1x128xi32, #tpu.memory_space<vmem>> -> memref<128xi32, #tpu.memory_space<vmem>>
        %dma_wait3A_1738 = arith.constant 0 : i32
        %dma_wait3A_1739 = arith.constant 0 : i32
        %dma_wait3A_1740 = tpu.memref_slice %arg5[%dma_wait3A_1738, %dma_wait3A_1739] : memref<10112x128xf32, #tpu.memory_space<vmem_shared>> -> memref<10112x128xf32, #tpu.memory_space<vmem_shared>>
        tpu.wait_indirect_dma semaphore(%arg10 : memref<!tpu.dma_semaphore, #tpu.memory_space<semaphore_mem>>) src(%arg6 : memref<128x128xf32, #tpu.memory_space<vmem>>) dst(%dma_wait3A_1740 : memref<10112x128xf32, #tpu.memory_space<vmem_shared>>)
        "tpu.trace_stop"() : () -> ()
        %ne3A_1741 = arith.cmpi ne, %add3A_255, %add3A_293 : i32
        %ne3A_1742 = arith.cmpi ne, %add3A_257, %add3A_295 : i32
        %or3A_1743 = arith.constant false
        %or3A_1744 = arith.ori %or3A_1743, %ne3A_1741 : i1
        %or3A_1745 = arith.ori %or3A_1744, %ne3A_1742 : i1
        %or3A_1746 = arith.constant false
        %or3A_1747 = arith.ori %or3A_1745, %or3A_1746 : i1
        %or3A_1748 = arith.constant false
        %or3A_1749 = arith.ori %or3A_1747, %or3A_1748 : i1
        %or3A_1750 = arith.ori %or3A_1749, %eq3A_253 : i1
        %convert_element_type3A_1751 = arith.extui %or3A_1750 : i1 to i32
        %cond3A_1752 = arith.constant 0 : i32
        %cond3A_1753 = arith.cmpi ne, %convert_element_type3A_1751, %cond3A_1752 : i32
        scf.if %cond3A_1753 {
        } else {
        }
        %and3A_1754 = arith.constant false
        %and3A_1755 = arith.andi %or3A_1750, %and3A_1754 : i1
        %ne3A_1756 = arith.cmpi ne, %add3A_255, %add3A_293 : i32
        %ne3A_1757 = arith.cmpi ne, %add3A_257, %add3A_295 : i32
        %or3A_1758 = arith.constant false
        %or3A_1759 = arith.ori %or3A_1758, %ne3A_1756 : i1
        %or3A_1760 = arith.ori %or3A_1759, %ne3A_1757 : i1
        %or3A_1761 = arith.constant false
        %or3A_1762 = arith.ori %or3A_1760, %or3A_1761 : i1
        %or3A_1763 = arith.constant false
        %or3A_1764 = arith.ori %or3A_1762, %or3A_1763 : i1
        %or3A_1765 = arith.ori %or3A_1764, %eq3A_253 : i1
        %convert_element_type3A_1766 = arith.extui %or3A_1765 : i1 to i32
        %cond3A_1767 = arith.constant 0 : i32
        %cond3A_1768 = arith.cmpi ne, %convert_element_type3A_1766, %cond3A_1767 : i32
        scf.if %cond3A_1768 {
        } else {
        }
        %and3A_1769 = arith.constant false
        %and3A_1770 = arith.andi %or3A_1765, %and3A_1769 : i1
        %ne3A_1771 = arith.cmpi ne, %add3A_255, %add3A_274 : i32
        %ne3A_1772 = arith.cmpi ne, %add3A_257, %add3A_276 : i32
        %or3A_1773 = arith.constant false
        %or3A_1774 = arith.ori %or3A_1773, %ne3A_1771 : i1
        %or3A_1775 = arith.ori %or3A_1774, %ne3A_1772 : i1
        %or3A_1776 = arith.constant false
        %or3A_1777 = arith.ori %or3A_1775, %or3A_1776 : i1
        %or3A_1778 = arith.constant false
        %or3A_1779 = arith.ori %or3A_1777, %or3A_1778 : i1
        %not3A_1780 = arith.constant true
        %not3A_1781 = arith.xori %eq3A_251, %not3A_1780 : i1
        %and3A_1782 = arith.andi %or3A_1779, %not3A_1781 : i1
        %convert_element_type3A_1783 = arith.extui %and3A_1782 : i1 to i32
        %cond3A_1784 = arith.constant 0 : i32
        %cond3A_1785 = arith.cmpi ne, %convert_element_type3A_1783, %cond3A_1784 : i32
        scf.if %cond3A_1785 {
        } else {
        }
        %and3A_1786 = arith.constant false
        %and3A_1787 = arith.andi %and3A_1782, %and3A_1786 : i1
        %ne3A_1788 = arith.cmpi ne, %add3A_255, %add3A_274 : i32
        %ne3A_1789 = arith.cmpi ne, %add3A_257, %add3A_276 : i32
        %or3A_1790 = arith.constant false
        %or3A_1791 = arith.ori %or3A_1790, %ne3A_1788 : i1
        %or3A_1792 = arith.ori %or3A_1791, %ne3A_1789 : i1
        %or3A_1793 = arith.constant false
        %or3A_1794 = arith.ori %or3A_1792, %or3A_1793 : i1
        %or3A_1795 = arith.constant false
        %or3A_1796 = arith.ori %or3A_1794, %or3A_1795 : i1
        %not3A_1797 = arith.constant true
        %not3A_1798 = arith.xori %eq3A_251, %not3A_1797 : i1
        %and3A_1799 = arith.andi %or3A_1796, %not3A_1798 : i1
        %convert_element_type3A_1800 = arith.extui %and3A_1799 : i1 to i32
        %cond3A_1801 = arith.constant 0 : i32
        %cond3A_1802 = arith.cmpi ne, %convert_element_type3A_1800, %cond3A_1801 : i32
        scf.if %cond3A_1802 {
        } else {
        }
        %and3A_1803 = arith.constant false
        %and3A_1804 = arith.andi %and3A_1799, %and3A_1803 : i1
        %ne3A_1805 = arith.cmpi ne, %add3A_255, %add3A_293 : i32
        %ne3A_1806 = arith.cmpi ne, %add3A_257, %add3A_295 : i32
        %or3A_1807 = arith.constant false
        %or3A_1808 = arith.ori %or3A_1807, %ne3A_1805 : i1
        %or3A_1809 = arith.ori %or3A_1808, %ne3A_1806 : i1
        %or3A_1810 = arith.constant false
        %or3A_1811 = arith.ori %or3A_1809, %or3A_1810 : i1
        %or3A_1812 = arith.constant false
        %or3A_1813 = arith.ori %or3A_1811, %or3A_1812 : i1
        %or3A_1814 = arith.ori %or3A_1813, %eq3A_253 : i1
        %add3A_1815 = arith.constant 1 : i32
        %add3A_1816 = arith.addi %scan3A_245, %add3A_1815 : i32
        %select_n3A_1817 = arith.select %or3A_1814, %add3A_1816, %scan3A_245 : i32
        %ne3A_1818 = arith.cmpi ne, %add3A_255, %add3A_293 : i32
        %ne3A_1819 = arith.cmpi ne, %add3A_257, %add3A_295 : i32
        %or3A_1820 = arith.constant false
        %or3A_1821 = arith.ori %or3A_1820, %ne3A_1818 : i1
        %or3A_1822 = arith.ori %or3A_1821, %ne3A_1819 : i1
        %or3A_1823 = arith.constant false
        %or3A_1824 = arith.ori %or3A_1822, %or3A_1823 : i1
        %or3A_1825 = arith.constant false
        %or3A_1826 = arith.ori %or3A_1824, %or3A_1825 : i1
        %or3A_1827 = arith.ori %or3A_1826, %eq3A_253 : i1
        %add3A_1828 = arith.constant 1 : i32
        %add3A_1829 = arith.addi %scan3A_247, %add3A_1828 : i32
        %select_n3A_1830 = arith.select %or3A_1827, %add3A_1829, %scan3A_247 : i32
        %add3A_1831 = arith.constant 1 : i32
        %add3A_1832 = arith.addi %scan3A_249, %add3A_1831 : i32
        %select_n3A_1833 = arith.constant true
        %select_n3A_1834 = arith.select %select_n3A_1833, %add3A_1832, %scan3A_249 : i32
        %eq3A_1835 = arith.constant 4 : i32
        %eq3A_1836 = arith.cmpi eq, %select_n3A_1834, %eq3A_1835 : i32
        %select_n3A_1837 = arith.constant 0 : i32
        %select_n3A_1838 = arith.select %eq3A_1836, %select_n3A_1837, %select_n3A_1834 : i32
        %select_n3A_1839 = arith.constant 0 : i32
        %select_n3A_1840 = arith.constant 1 : i32
        %select_n3A_1841 = arith.select %eq3A_1836, %select_n3A_1840, %select_n3A_1839 : i32
        %eq3A_1842 = arith.constant 1 : i32
        %eq3A_1843 = arith.cmpi eq, %select_n3A_1841, %eq3A_1842 : i32
        %select_n3A_1844 = arith.constant 0 : i32
        %select_n3A_1845 = arith.select %eq3A_1843, %select_n3A_1844, %select_n3A_1841 : i32
        %scan3A_1846 = arith.constant 0 : i32
        scf.yield %select_n3A_329, %select_n3A_1817, %select_n3A_351, %select_n3A_1830, %scan3A_1846, %select_n3A_1838 : i32, i32, i32, i32, i32, i32
      }
      %scan3A_167 = arith.constant 4 : i32
      %sub3A = arith.constant 1 : i32
      %sub3A_168 = arith.subi %scan3A_166#5, %sub3A : i32
      %select_n3A_169 = arith.constant true
      %select_n3A_170 = arith.select %select_n3A_169, %sub3A_168, %scan3A_166#5 : i32
      %eq3A_171 = arith.constant -1 : i32
      %eq3A_172 = arith.cmpi eq, %select_n3A_170, %eq3A_171 : i32
      %select_n3A_173 = arith.constant 3 : i32
      %select_n3A_174 = arith.select %eq3A_172, %select_n3A_173, %select_n3A_170 : i32
      %sub3A_175 = arith.constant 1 : i32
      %sub3A_176 = arith.subi %scan3A_166#4, %sub3A_175 : i32
      %select_n3A_177 = arith.select %eq3A_172, %sub3A_176, %scan3A_166#4 : i32
      %eq3A_178 = arith.constant -1 : i32
      %eq3A_179 = arith.cmpi eq, %select_n3A_177, %eq3A_178 : i32
      %select_n3A_180 = arith.constant 0 : i32
      %select_n3A_181 = arith.select %eq3A_179, %select_n3A_180, %select_n3A_177 : i32
      %add3A_182 = arith.constant 0 : i32
      %add3A_183 = arith.addi %add3A_182, %mul3A_22 : i32
      %add3A_184 = arith.constant 0 : i32
      %add3A_185 = arith.addi %select_n3A_174, %add3A_184 : i32
      %sub3A_186 = arith.constant 1 : i32
      %sub3A_187 = arith.subi %select_n3A_174, %sub3A_186 : i32
      %select_n3A_188 = arith.constant true
      %select_n3A_189 = arith.select %select_n3A_188, %sub3A_187, %select_n3A_174 : i32
      %eq3A_190 = arith.constant -1 : i32
      %eq3A_191 = arith.cmpi eq, %select_n3A_189, %eq3A_190 : i32
      %select_n3A_192 = arith.constant 3 : i32
      %select_n3A_193 = arith.select %eq3A_191, %select_n3A_192, %select_n3A_189 : i32
      %select_n3A_194 = arith.constant 0 : i32
      %select_n3A_195 = arith.constant -1 : i32
      %select_n3A_196 = arith.select %eq3A_191, %select_n3A_195, %select_n3A_194 : i32
      %eq3A_197 = arith.constant -1 : i32
      %eq3A_198 = arith.cmpi eq, %select_n3A_196, %eq3A_197 : i32
      %select_n3A_199 = arith.constant 0 : i32
      %select_n3A_200 = arith.select %eq3A_198, %select_n3A_199, %select_n3A_196 : i32
      %add3A_201 = arith.constant 0 : i32
      %add3A_202 = arith.addi %add3A_201, %mul3A_22 : i32
      %add3A_203 = arith.constant 0 : i32
      %add3A_204 = arith.addi %select_n3A_193, %add3A_203 : i32
      %add3A_205 = arith.constant 1 : i32
      %add3A_206 = arith.addi %select_n3A_174, %add3A_205 : i32
      %select_n3A_207 = arith.constant true
      %select_n3A_208 = arith.select %select_n3A_207, %add3A_206, %select_n3A_174 : i32
      %eq3A_209 = arith.constant 4 : i32
      %eq3A_210 = arith.cmpi eq, %select_n3A_208, %eq3A_209 : i32
      %select_n3A_211 = arith.constant 0 : i32
      %select_n3A_212 = arith.select %eq3A_210, %select_n3A_211, %select_n3A_208 : i32
      %select_n3A_213 = arith.constant 0 : i32
      %select_n3A_214 = arith.constant 1 : i32
      %select_n3A_215 = arith.select %eq3A_210, %select_n3A_214, %select_n3A_213 : i32
      %eq3A_216 = arith.constant 1 : i32
      %eq3A_217 = arith.cmpi eq, %select_n3A_215, %eq3A_216 : i32
      %select_n3A_218 = arith.constant 0 : i32
      %select_n3A_219 = arith.select %eq3A_217, %select_n3A_218, %select_n3A_215 : i32
      %add3A_220 = arith.constant 0 : i32
      %add3A_221 = arith.addi %add3A_220, %mul3A_22 : i32
      %add3A_222 = arith.constant 0 : i32
      %add3A_223 = arith.addi %select_n3A_212, %add3A_222 : i32
      %add3A_224 = arith.constant 1 : i32
      %add3A_225 = arith.addi %select_n3A_212, %add3A_224 : i32
      %select_n3A_226 = arith.constant true
      %select_n3A_227 = arith.select %select_n3A_226, %add3A_225, %select_n3A_212 : i32
      %eq3A_228 = arith.constant 4 : i32
      %eq3A_229 = arith.cmpi eq, %select_n3A_227, %eq3A_228 : i32
      %select_n3A_230 = arith.constant 0 : i32
      %select_n3A_231 = arith.select %eq3A_229, %select_n3A_230, %select_n3A_227 : i32
      %select_n3A_232 = arith.constant 0 : i32
      %select_n3A_233 = arith.constant 1 : i32
      %select_n3A_234 = arith.select %eq3A_229, %select_n3A_233, %select_n3A_232 : i32
      %eq3A_235 = arith.constant 1 : i32
      %eq3A_236 = arith.cmpi eq, %select_n3A_234, %eq3A_235 : i32
      %select_n3A_237 = arith.constant 0 : i32
      %select_n3A_238 = arith.select %eq3A_236, %select_n3A_237, %select_n3A_234 : i32
      %add3A_239 = arith.constant 0 : i32
      %add3A_240 = arith.addi %add3A_239, %mul3A_22 : i32
      %add3A_241 = arith.constant 0 : i32
      %add3A_242 = arith.addi %select_n3A_231, %add3A_241 : i32
      tpu.yield
    }) : () -> ()
    %barrier3A_23 = arith.constant 0 : index
    tpu.barrier barrier_id(%barrier3A_23)
    %mul3A_24 = arith.constant 632 : i32
    %mul3A_25 = arith.muli %arg1, %mul3A_24 : i32
    "tpu.region"() ({
      %run_scoped3A = tpu.sem_alloc : memref<!tpu.dma_semaphore, #tpu.memory_space<semaphore_mem>>
      %dma_start3A = arith.constant 0 : i32
      %dma_start3A_26 = tpu.memref_slice %arg4[%arg0, %mul3A_25, %dma_start3A] : memref<2x10112x128xf32, #tpu.memory_space<hbm>> -> memref<1x632x128xf32, #tpu.memory_space<hbm>>
      %dma_start3A_27 = tpu.memref_squeeze %dma_start3A_26 : memref<1x632x128xf32, #tpu.memory_space<hbm>> -> memref<632x128xf32, #tpu.memory_space<hbm>>
      %dma_start3A_28 = arith.constant 0 : i32
      %dma_start3A_29 = tpu.memref_slice %arg5[%mul3A_25, %dma_start3A_28] : memref<10112x128xf32, #tpu.memory_space<vmem_shared>> -> memref<632x128xf32, #tpu.memory_space<vmem_shared>>
      tpu.enqueue_dma source(%dma_start3A_29 : memref<632x128xf32, #tpu.memory_space<vmem_shared>>) target(%dma_start3A_27 : memref<632x128xf32, #tpu.memory_space<hbm>>) target_semaphore(%run_scoped3A : memref<!tpu.dma_semaphore, #tpu.memory_space<semaphore_mem>>)
      %dma_wait3A = arith.constant 0 : i32
      %dma_wait3A_30 = tpu.memref_slice %arg4[%arg0, %mul3A_25, %dma_wait3A] : memref<2x10112x128xf32, #tpu.memory_space<hbm>> -> memref<1x632x128xf32, #tpu.memory_space<hbm>>
      %dma_wait3A_31 = tpu.memref_squeeze %dma_wait3A_30 : memref<1x632x128xf32, #tpu.memory_space<hbm>> -> memref<632x128xf32, #tpu.memory_space<hbm>>
      %dma_wait3A_32 = arith.constant 0 : i32
      %dma_wait3A_33 = tpu.memref_slice %arg5[%mul3A_25, %dma_wait3A_32] : memref<10112x128xf32, #tpu.memory_space<vmem_shared>> -> memref<632x128xf32, #tpu.memory_space<vmem_shared>>
      tpu.wait_dma2 semaphore(%run_scoped3A : memref<!tpu.dma_semaphore, #tpu.memory_space<semaphore_mem>>) src(%dma_wait3A_33 : memref<632x128xf32, #tpu.memory_space<vmem_shared>>) dst(%dma_wait3A_31 : memref<632x128xf32, #tpu.memory_space<hbm>>)
      tpu.yield
    }) : () -> ()
    return
  }
}

</mosaic_0001>

<sc_bundles>
// kernel: _sc_aggregate.3.cloned.1.call-start
scs
__scs_entry_jumppad:
0x0: {  	(pc) =	sbr.rel $0x88, $3  }
0x1: {  	(tag) =	ssettag $0x0;
	lr =	simm.s32 $0x1  }
0x2: {  	[smem:$0x3F9F] =	sst lr;
	_ =	strace $0xD0000000  }
0x3: {  	_ = 	snop  }
0x4: {  	_ = 	snop  }
0x5: {  	_ = 	snop  }
0x6: {  	_ = 	snop  }
0x7: {  	_ = 	snop  }
__scs_overlays_trampoline_lowered:
0x8: {  	[smem:$0x3FAE] =	sst s0  }
0x9: {  	[smem:$0x3FAF] =	sst s1  }
0xa: {  	[smem:$0x3FB0] =	sst s2  }
0xb: {  	[smem:$0x3FB1] =	sst s3  }
0xc: {  	[smem:$0x3FB2] =	sst s4  }
0xd: {  	[smem:$0x3FB3] =	sst s5  }
0xe: {  	[smem:$0x3FB4] =	sst s6  }
0xf: {  	[smem:$0x3FB5] =	sst s7  }
0x10: {  	[smem:$0x3FB6] =	sst s8  }
0x11: {  	[smem:$0x3FB7] =	sst s9;
	s0 =	simm.s32 @!p0 $0x0  }
0x12: {  	s1 =	sld [smem:$0x3F9D];
	s0 =	simm.s32 @p0 $0x1  }
0x13: {  	[smem:$0x3FB8] =	sst s0;
	s0 =	simm.s32 @!p1 $0x0  }
0x14: {  	s2 =	sld [smem:$0x3F9C];
	s0 =	simm.s32 @p1 $0x1  }
0x15: {  	[smem:$0x3FB9] =	sst s0;
	s0 =	simm.s32 @!p2 $0x0  }
0x16: {  	s3 =	sld [smem:$0x3FDB];
	s0 =	simm.s32 @p2 $0x1  }
0x17: {  	s4 =	simm.s32 $0x1BF5;
	[smem:$0x3FBB] =	sst s0  }
0x18: {  	s0 =	sld [smem:$0x3F9E];
	_ =	swait.ge [sflag:s4], $0x0  }
0x19: {  	s7 =	sld [smem:$0x3F9F]  }
0x1a: {  	s8 =	sadd.s32 $0xFFFFE003, lr  }
0x1b: {  	s9 =	sadd.s32 $0xFFFFFEF7, lr;
	s5 =	simm.s32 $0xFFFFFFFF;
	p2 =	slt.u32 s8, $0xFFFFF086  }
0x1c: {  	p1 =	slt.u32 s9, $0xF7A;
	s5 =	simm.s32 @!p2 $0x0  }
0x1d: {  	s5 =	simm.s32 @p1 $0x1;
	p0 =	seq.s32 s7, s2  }
0x1e: {  	s7 =	smul.u32 @!p0 $0xF7A, s2;
	p2 =	seq.s32 @!p0 s5, $0x0  }
0x1f: {  	s9 =	smul.u32 $0xF7A, s1;
	s8 =	simm.s32 @!p0 $0x1BF5;
	p2 =	por !p2, p0  }
0x20: {  	[sflag:s8] =	ssyncset.s32 @!p0 $0xFFFFF086;
	s6 =	sadd.s32 @!p0 s3, s7;
	s7 =	simm.s32 @!p0 $0x108  }
0x21: {  	s3 =	sadd.s32 s3, s9;
	s6 =	sadd.s32 @!p0 $0x88, s6;
	s7 =	simm.s32 @p2 $0x1082  }
0x22: {  	[simem:s7], [sflag:s8] =	dma.local @!p0 [hbm:s6], $0xF7A  }
0x23: {  	s9 =	sor.u32 $0xD0000000, s2;
	s6 =	simm.s32 $0x108;
	_ =	swait.ge @!p0 [sflag:s8], $0x0  }
0x24: {  	s3 =	sadd.s32 $0x88, s3;
	s6 =	simm.s32 @!p1 $0x1082;
	[sflag:s4] =	ssyncset.s32 $0xFFFFF086  }
0x25: {  	[simem:s6], [sflag:s4] =	dma.local [hbm:s3], $0xF7A  }
0x26: {  	[smem:$0x3F9F] =	sst s1;
	(tag) =	ssettag s2;
	_ =	strace s9  }
0x27: {  	s1 =	sld [smem:$0x3FAF]  }
0x28: {  	s2 =	sld [smem:$0x3FB0]  }
0x29: {  	s4 =	sld [smem:$0x3FB2]  }
0x2a: {  	p0 =	seq.s32 s5, $0x0;
	s5 =	sld [smem:$0x3FB3]  }
0x2b: {  	s6 =	sld [smem:$0x3FB4]  }
0x2c: {  	s7 =	sld [smem:$0x3FB5]  }
0x2d: {  	s3 =	simm.s32 $0x108;
	s8 =	sld [smem:$0x3FB6]  }
0x2e: {  	s3 =	simm.s32 @!p0 $0x1082;
	s9 =	sld [smem:$0x3FB7]  }
0x2f: {  	lr =	sadd.s32 s0, s3;
	s0 =	sld [smem:$0x3FAE]  }
0x30: {  	s3 =	sld [smem:$0x3FB1]  }
0x31: {  	[smem:$0x3FBA] =	sst s10  }
0x32: {  	s10 =	sld [smem:$0x3FB8];
	_ =	sdelay $0x3  }
0x33: {  	p0 =	seq.s32 s10, $0x1;
	s10 =	sld [smem:$0x3FBA];
	_ =	sdelay $0x3  }
0x34: {  	[smem:$0x3FBA] =	sst s10  }
0x35: {  	s10 =	sld [smem:$0x3FB9];
	_ =	sdelay $0x3  }
0x36: {  	p1 =	seq.s32 s10, $0x1;
	s10 =	sld [smem:$0x3FBA];
	_ =	sdelay $0x3  }
0x37: {  	[smem:$0x3FBA] =	sst s10  }
0x38: {  	s10 =	sld [smem:$0x3FBB]  }
0x39: {  	_ = 	snop;
	(pc) =	sbr.ind lr, $3  }
0x3a: {  	_ = 	snop  }
0x3b: {  	_ = 	snop  }
0x3c: {  	p2 =	seq.s32 s10, $0x1;
	s10 =	sld [smem:$0x3FBA]  }
0x3d: {  	_ =	shalt  }
0x3e: {  	_ =	shalt  }
0x3f: {  	_ =	shalt  }
0x40: {  	_ =	shalt  }
0x41: {  	_ =	shalt  }
0x42: {  	_ =	shalt  }
0x43: {  	_ =	shalt  }
0x44: {  	_ =	shalt  }
0x45: {  	_ =	shalt  }
0x46: {  	_ =	shalt  }
0x47: {  	_ =	shalt  }
0x48: {  	_ =	shalt  }
0x49: {  	_ =	shalt  }
0x4a: {  	_ =	shalt  }
0x4b: {  	_ =	shalt  }
0x4c: {  	_ =	shalt  }
0x4d: {  	_ =	shalt  }
0x4e: {  	_ =	shalt  }
0x4f: {  	_ =	shalt  }
0x50: {  	_ =	shalt  }
0x51: {  	_ =	shalt  }
0x52: {  	_ =	shalt  }
0x53: {  	_ =	shalt  }
0x54: {  	_ =	shalt  }
0x55: {  	_ =	shalt  }
0x56: {  	_ =	shalt  }
0x57: {  	_ =	shalt  }
0x58: {  	_ =	shalt  }
0x59: {  	_ =	shalt  }
0x5a: {  	_ =	shalt  }
0x5b: {  	_ =	shalt  }
0x5c: {  	_ =	shalt  }
0x5d: {  	_ =	shalt  }
0x5e: {  	_ =	shalt  }
0x5f: {  	_ =	shalt  }
0x60: {  	_ =	shalt  }
0x61: {  	_ =	shalt  }
0x62: {  	_ =	shalt  }
0x63: {  	_ =	shalt  }
0x64: {  	_ =	shalt  }
0x65: {  	_ =	shalt  }
0x66: {  	_ =	shalt  }
0x67: {  	_ =	shalt  }
0x68: {  	_ =	shalt  }
0x69: {  	_ =	shalt  }
0x6a: {  	_ =	shalt  }
0x6b: {  	_ =	shalt  }
0x6c: {  	_ =	shalt  }
0x6d: {  	_ =	shalt  }
0x6e: {  	_ =	shalt  }
0x6f: {  	_ =	shalt  }
0x70: {  	_ =	shalt  }
0x71: {  	_ =	shalt  }
0x72: {  	_ =	shalt  }
0x73: {  	_ =	shalt  }
0x74: {  	_ =	shalt  }
0x75: {  	_ =	shalt  }
0x76: {  	_ =	shalt  }
0x77: {  	_ =	shalt  }
0x78: {  	_ =	shalt  }
0x79: {  	_ =	shalt  }
0x7a: {  	_ =	shalt  }
0x7b: {  	_ =	shalt  }
0x7c: {  	_ =	shalt  }
0x7d: {  	_ =	shalt  }
0x7e: {  	_ =	shalt  }
0x7f: {  	_ =	shalt  }
0x80: {  	_ =	shalt  }
0x81: {  	_ =	shalt  }
0x82: {  	_ =	shalt  }
0x83: {  	_ =	shalt  }
0x84: {  	_ =	shalt  }
0x85: {  	_ =	shalt  }
0x86: {  	_ =	shalt  }
0x87: {  	_ =	shalt  }
.Lfunc_end0:
.L_simem_size_0:
called_computation_lowered:
.L_overlay_start_0:
0x88: {  	s2 =	sld [smem:$0x3FD9]  }
0x89: {  	s3 =	sld [smem:$0x3FFE];
	_ =	sdelay $0x1  }
0x8a: {  	s1 =	srdreg.scid  }
0x8b: {  	s0 =	sand.u32 $0x1, s1  }
0x8c: {  	s17 =	sshll.u32 s0, $0xA;
	s2 =	sadd.s32 s3, s2  }
0x8d: {  	s2 =	sadd.s32 s2, s17  }
0x8e: {  	[smem:$0x3FC6] =	sst s2  }
0x8f: {  	_ = 	snop  }
0x90: {  	s2 =	sld [smem:$0x3FC9]  }
0x91: {  	s18 =	sld [smem:$0x3FD0];
	(tm) =	ssettm $0x1  }
0x92: {  	s4 =	sld [smem:$0x3FFB];
	_ =	sdelay $0x3  }
0x93: {  	_ =	strace s4  }
0x94: {  	s4 =	sld [smem:$0x3FFC];
	_ =	sdelay $0x3  }
0x95: {  	_ =	strace s4  }
0x96: {  	s4 =	sld [smem:$0x3FFD];
	_ =	sdelay $0x3  }
0x97: {  	_ =	strace s4  }
0x98: {  	_ =	strace $0x8FFFFFFF  }
0x99: {  	s19 =	sld [smem:$0x3FDB];
	_ =	sdelay $0x1  }
0x9a: {  	s5 =	simm.s32 $_scs_section_size  }
0x9b: {  	s6 =	simm.s32 $_size__tile_overlayer_lowered;
	s7 =	simm.s32 $_tile_overlayer_lowered  }
0x9c: {  	s22 =	simm.s32 $0x1BFF;
	s21 =	sshll.u32 s7, $0x1;
	s4 =	sadd.s32 s5, s19  }
0x9d: {  	s8 =	simm.s32 $0x0;
	s20 =	sshll.u32 s6, $0x1;
	s6 =	sadd.s32 s21, s4  }
0x9e: {  	[timem:s8], [sflag:s22] =	dma.local [hbm:s6], s20  }
0x9f: {  	_ =	swait.ge [sflag:s22], s20  }
0xa0: {  	s5 =	ssub.s32 $0x0, s20;
	[sflag:s22] =	ssyncset.done $0x0  }
0xa1: {  	[sflag:s22] =	ssyncadd.s32 s5;
	_ =	sdelay $0x1  }
0xa2: {  	s23 =	simm.s32 $0x1B8B  }
0xa3: {  	_ =	swait.ge [sflag:s23], $0x1  }
0xa4: {  	[sflag:s23] =	ssyncset.done $0x0  }
0xa5: {  	s25 =	simm.s32 $0x1B8E;
	s24 =	sld [smem:$0x3FFE];
	[sflag:s23] =	ssyncadd.s32 $0xFFFFFFFF  }
0xa6: {  	s26 =	simm.s32 $execute0_lowered;
	[smem:$0x3FD2] =	sst s25  }
0xa7: {  	s6 =	sshll.u32 s26, $0x1;
	_ =	strace $0x80000046;
	[dreg:$0x1] =	wrdreg $0xFFFFFFFF  }
0xa8: {  	s28 =	simm.s32 $_size_execute0_lowered;
	s4 =	sadd.s32 s4, s6;
	[dreg:$0x0] =	wrdreg $0x0  }
0xa9: {  	s6 =	sshll.u32 s28, $0x1;
	[dreg:$0x2] =	wrdreg s4  }
0xaa: {  	[dreg:$0x3] =	wrdreg s6  }
0xab: {  	[dreg:$0x4] =	wrdreg $0xC0  }
0xac: {  	_ =	task [dreg:s8], $0x5FFFF  }
0xad: {  	[dreg:$0x1] =	wrdreg $0xFFFFFFFF  }
0xae: {  	[dreg:$0x0] =	wrdreg $0x60  }
0xaf: {  	[dreg:$0x2] =	wrdreg s2  }
0xb0: {  	[dreg:$0x3] =	wrdreg s24  }
0xb1: {  	[dreg:$0x4] =	wrdreg s18  }
0xb2: {  	[dreg:$0x5] =	wrdreg $0x0  }
0xb3: {  	[dreg:$0x6] =	wrdreg $0x9  }
0xb4: {  	_ =	task.clear_ibuf [dreg:s8], $0x7FFFF;
	_ =	strace $0x90000046  }
0xb5: {  	s29 =	simm.s32 $0x9;
	_ =	strace $0x8000004E  }
0xb6: {  	_ =	swait.ge [sflag:s29], $0x1  }
0xb7: {  	[sflag:s29] =	ssyncadd.s32 $0xFFFFFFFF  }
0xb8: {  	_ =	strace $0x9000004E  }
0xb9: {  	_ =	sfence  }
0xba: {  	s30 =	sld [smem:$0x0];
	_ =	sdelay $0x2  }
0xbb: {  	s31 =	sshll.u32 s1, $0xD;
	s1 =	sshrl.u32 s1, $0x2  }
0xbc: {  	s3 =	sand.u32 $0x4000, s31;
	s1 =	sadd.s32 s1, s30  }
0xbd: {  	s0 =	sor.u32 s3, s0;
	s1 =	sshll.u32 s1, $0x11  }
0xbe: {  	s0 =	sor.u32 s1, s0  }
0xbf: {  	s0 =	sadd.s32 $0x8F2B, s0  }
0xc0: {  	[sflag:s0] =	ssyncadd.remote.s32 $0x1  }
0xc1: {  	_ =	sfence.sel $0xFFFF  }
0xc2: {  	[dreg:$0x0] =	wrdreg $0xFFFFFFFF;
	(pc) =	sbr.abs _section_cstart, $3  }
0xc3: {  	[dreg:$0x1] =	wrdreg $0xFFFFFFFF  }
0xc4: {  	_ =	task.clear_ibuf [dreg:s8], $0x2FFFF;
	_ =	strace $0x9FFFFFFF  }
0xc5: {  	(tm) =	ssettm $0x7FFFFFFF  }
tec
execute0_lowered:
.L_overlay_start_1:
0x0: {  	(tag) =	ssettag $0x1  }
0x1: {  	s1 =	rddreg [dreg:$0x0]  }
0x2: {  	s0 =	rddreg [dreg:$0x1]  }
0x3: {  	s3 =	rddreg [dreg:$0x2]  }
0x4: {  	s2 =	rddreg [dreg:$0x3];
	s12 =	simm.s32 $0x0;
	s5 =	srdreg.scid  }
0x5: {  	s4 =	stileid.u32;
	s17 =	simm.s32 $0x13C00;
	s19 =	simm.s32 $0x17C00  }
0x6: {  	[smem:$0x7FF] =	sst s12;
	s8 =	sand.u32 $0x1, s5;
	s6 =	smul.u32 $0x4F000, s4  }
0x7: {  	s5 =	sadd.s32 $0x400, s0;
	s25 =	smul.u32 $0x13C00, s4;
	s7 =	sshll.u32 s8, $0x4  }
0x8: {  	_ =	strace $0x80000047;
	s7 =	sor.u32 s4, s7;
	s10 =	sshrl.u32 s6, $0x2  }
0x9: {  	s22 =	ssub.s32 $0x2, s8;
	s6 =	smul.u32 $0x3000, s7;
	s7 =	sadd.s32 s10, s2  }
0xa: {  	s8 =	smul.u32 $0x13C000, s8;
	s23 =	sadd.s32 $0x4000, s7;
	[dreg:$0x8] =	wrdreg s7  }
0xb: {  	s9 =	sshrl.u32 s22, $0x1;
	s24 =	sadd.s32 $0x8000, s7;
	[dreg:$0x9] =	wrdreg s23  }
0xc: {  	s0 =	ssub.s32 s22, s9;
	s26 =	sadd.s32 $0xC000, s7;
	[dreg:$0xa] =	wrdreg s24  }
0xd: {  	s8 =	sadd.s32 s25, s8;
	s28 =	sadd.s32 $0x10000, s7;
	[dreg:$0xb] =	wrdreg s26  }
0xe: {  	s22 =	simm.s32 $0x80;
	s0 =	smax.u32 s0, $0x1;
	[dreg:$0xc] =	wrdreg s28  }
0xf: {  	s25 =	simm.s32 $0x2;
	s8 =	sshrl.u32 s8, $0x3;
	[dreg:$0x10] =	wrdreg s0  }
0x10: {  	s4 =	sadd.s32 $0x60000, s6;
	s3 =	sadd.s32 s3, s8;
	[dreg:$0x6] =	wrdreg s6  }
0x11: {  	s29 =	sshrl.u32 s6, $0x3;
	s8 =	simm.s32 $0x5;
	[dreg:$0xf] =	wrdreg s3  }
0x12: {  	s11 =	sshrl.u32 s4, $0x3;
	s30 =	sadd.s32 s5, s29;
	[dreg:$0x5] =	wrdreg s4  }
0x13: {  	s23 =	simm.s32 $0x1;
	[dreg:$0xd] =	wrdreg s30;
	s31 =	sadd.s32 s5, s11  }
0x14: {  	v0 =	vimm.f32 $0.0e+00;
	s24 =	simm.s32 $0x3;
	s26 =	simm.s32 $0x4;
	[dreg:$0xe] =	wrdreg s31  }
.LBB2_1:
0x15: {  	[dreg:$0x7] =	wrdreg s12;
	s0 =	simm.s32 $0x0;
	s3 =	simm.s32 $0x200  }
.LBB2_2:
0x16: {  	p0 =	sne.s32 s3, $0xFE00;
	[tilespmem:s0+$0x17C70] =	vst v0  }
0x17: {  	[tilespmem:s0+$0x13C00] =	vst v0  }
0x18: {  	[tilespmem:s0+$0x13C10] =	vst v0  }
0x19: {  	[tilespmem:s0+$0x13C20] =	vst v0  }
0x1a: {  	[tilespmem:s0+$0x13C30] =	vst v0  }
0x1b: {  	[tilespmem:s0+$0x13C40] =	vst v0  }
0x1c: {  	[tilespmem:s0+$0x13C50] =	vst v0  }
0x1d: {  	[tilespmem:s0+$0x13C60] =	vst v0  }
0x1e: {  	[tilespmem:s0+$0x13C70] =	vst v0  }
0x1f: {  	[tilespmem:s0+$0x17C00] =	vst v0  }
0x20: {  	[tilespmem:s0+$0x17C10] =	vst v0  }
.Ltmp0:
0x21: {  	[tilespmem:s0+$0x17C20] =	vst v0;
	(pc) =	sbr.rel @p0 .LBB2_2-.Ltmp0, $4  }
0x22: {  	[tilespmem:s0+$0x17C30] =	vst v0  }
0x23: {  	[tilespmem:s0+$0x17C40] =	vst v0  }
0x24: {  	[tilespmem:s0+$0x17C50] =	vst v0  }
0x25: {  	[tilespmem:s0+$0x17C60] =	vst v0;
	s0 =	sshra.s32 s3, $0x2;
	s3 =	sadd.s32 $0x200, s3  }
0x26: {  	[tilespmem:s0+$0x17C70] =	vst v0  }
0x27: {  	[tilespmem:s0+$0x13C00] =	vst v0  }
0x28: {  	[tilespmem:s0+$0x13C10] =	vst v0  }
0x29: {  	[tilespmem:s0+$0x13C20] =	vst v0  }
0x2a: {  	[tilespmem:s0+$0x13C30] =	vst v0  }
0x2b: {  	[tilespmem:s0+$0x13C40] =	vst v0  }
0x2c: {  	[tilespmem:s0+$0x13C50] =	vst v0  }
0x2d: {  	[tilespmem:s0+$0x13C60] =	vst v0  }
0x2e: {  	[tilespmem:s0+$0x13C70] =	vst v0  }
0x2f: {  	[tilespmem:s0+$0x17C00] =	vst v0  }
0x30: {  	[tilespmem:s0+$0x17C10] =	vst v0  }
0x31: {  	[tilespmem:s0+$0x17C20] =	vst v0  }
0x32: {  	[tilespmem:s0+$0x17C30] =	vst v0  }
0x33: {  	[tilespmem:s0+$0x17C40] =	vst v0  }
0x34: {  	[tilespmem:s0+$0x17C50] =	vst v0  }
0x35: {  	[tilespmem:s0+$0x17C60] =	vst v0  }
0x36: {  	[spmem:s7] =	stream.linear.scatter [tilespmem:s17], [sflag:$0x5], $0x4000, $0x38;
	[tilespmem:$0x1E400] =	vst v63  }
0x37: {  	_ =	swait.ge [sflag:s8], $0x4000  }
0x38: {  	[sflag:s8] =	ssyncset.done $0x0  }
0x39: {  	s7 =	rddreg [dreg:$0x9];
	[sflag:s8] =	ssyncadd.s32 $0xFFFFC000  }
0x3a: {  	[spmem:s7] =	stream.linear.scatter [tilespmem:s19], [sflag:$0x5], $0x4000, $0x38;
	[tilespmem:$0x1E400] =	vst v63  }
0x3b: {  	_ =	swait.ge [sflag:s8], $0x4000  }
0x3c: {  	[sflag:s8] =	ssyncset.done $0x0  }
0x3d: {  	s9 =	rddreg [dreg:$0xa];
	[sflag:s8] =	ssyncadd.s32 $0xFFFFC000  }
0x3e: {  	[spmem:s9] =	stream.linear.scatter [tilespmem:s17], [sflag:$0x5], $0x4000, $0x38;
	[tilespmem:$0x1E400] =	vst v63  }
0x3f: {  	_ =	swait.ge [sflag:s8], $0x4000  }
0x40: {  	[sflag:s8] =	ssyncset.done $0x0  }
0x41: {  	s10 =	rddreg [dreg:$0xb];
	[sflag:s8] =	ssyncadd.s32 $0xFFFFC000  }
0x42: {  	[spmem:s10] =	stream.linear.scatter [tilespmem:s19], [sflag:$0x5], $0x4000, $0x38;
	[tilespmem:$0x1E400] =	vst v63  }
0x43: {  	_ =	swait.ge [sflag:s8], $0x4000  }
0x44: {  	[sflag:s8] =	ssyncset.done $0x0  }
0x45: {  	s11 =	rddreg [dreg:$0xc];
	[sflag:s8] =	ssyncadd.s32 $0xFFFFC000  }
0x46: {  	[spmem:s11] =	stream.linear.scatter [tilespmem:s17], [sflag:$0x5], $0x3C00, $0x38;
	[tilespmem:$0x1E400] =	vst v63  }
0x47: {  	_ =	swait.ge [sflag:s8], $0x3C00  }
0x48: {  	[sflag:s8] =	ssyncset.done $0x0  }
0x49: {  	[sflag:s8] =	ssyncadd.s32 $0xFFFFC400  }
0x4a: {  	[bflag:$0x0] =	sbarrier.arrive $0xFFFF  }
0x4b: {  	_ =	strace $0x80000048  }
0x4c: {  	s12 =	simm.s32 $0x0;
	s14 =	simm.s32 $0x1BC00;
	s3 =	rddreg [dreg:$0xd]  }
0x4d: {  	[tilespmem:s14], [sflag:$0x5] =	stream.linear.gather [hbm4b:s3+s12], $0xA00, $0x200038;
	[tilespmem:$0x1E400] =	vst v63  }
0x4e: {  	s16 =	simm.s32 $0x1D000;
	p0 =	por $0x0, $0x0;
	s3 =	simm.s32 $0x1  }
0x4f: {  	s15 =	rddreg [dreg:$0xe];
	s3 =	simm.s32 @p0 $0x0;
	p0 =	por $0x0, $0x0  }
0x50: {  	[tilespmem:s16], [sflag:$0x7] =	stream.linear.gather [hbm4b:s15+s12], $0xA00, $0x200038;
	[tilespmem:$0x1E400] =	vst v63  }
0x51: {  	p1 =	seq.s32 @!p0 s3, $0x0  }
0x52: {  	s8 =	simm.s32 $0x1;
	p2 =	por p1, p0  }
0x53: {  	s9 =	smul.u32 @!p2 $0xC00, s3;
	s10 =	sand.u32 @!p2 $0x1, s8  }
0x54: {  	_ =	strace $0x90000048;
	s11 =	smul.u32 @!p2 $0x2800, s10  }
0x55: {  	s20 =	simm.s32 @!p2 $0x0;
	_ =	strace @!p2 $0x80000049;
	s13 =	sadd.s32 @!p2 s6, s9  }
0x56: {  	s15 =	sadd.s32 @!p2 $0x5, s10;
	s11 =	sshrl.u32 @!p2 s11, $0x2;
	s13 =	sshrl.u32 @!p2 s13, $0x3  }
0x57: {  	s9 =	sadd.s32 @!p2 s9, s4;
	s13 =	sadd.s32 @!p2 s5, s13;
	s14 =	sadd.s32 @!p2 $0x1BC00, s11  }
0x58: {  	[tilespmem:s14], [sflag:s15] =	stream.linear.gather @!p2 [hbm4b:s13+s20], $0xA00, $0x200038;
	[tilespmem:$0x1E400] =	vst v63  }
0x59: {  	s10 =	sadd.s32 @!p2 $0x7, s10;
	s9 =	sshrl.u32 @!p2 s9, $0x3;
	_ =	strace @!p2 $0x90000049  }
0x5a: {  	s9 =	sadd.s32 @!p2 s5, s9;
	s11 =	sor.u32 @!p2 $0x1D000, s11;
	_ =	strace @!p2 $0x8000004A  }
0x5b: {  	[tilespmem:s11], [sflag:s10] =	stream.linear.gather @!p2 [hbm4b:s9+s20], $0xA00, $0x200038;
	[tilespmem:$0x1E400] =	vst v63  }
0x5c: {  	s0 =	sand.u32 $0x1, s12;
	_ =	strace @!p2 $0x9000004A  }
0x5d: {  	s18 =	sadd.s32 $0x5, s0;
	_ =	strace $0x8000004B  }
0x5e: {  	_ =	swait.ge [sflag:s18], $0xA00  }
0x5f: {  	[sflag:s18] =	ssyncset.done $0x0  }
0x60: {  	[sflag:s18] =	ssyncadd.s32 $0xFFFFF600  }
0x61: {  	_ =	strace $0x9000004B  }
0x62: {  	s20 =	sadd.s32 $0x7, s0;
	_ =	strace $0x8000004C  }
0x63: {  	_ =	swait.ge [sflag:s20], $0xA00  }
0x64: {  	p3 =	seq.s32 s0, $0x1;
	[sflag:s20] =	ssyncset.done $0x0  }
0x65: {  	p3 =	por p3, p3;
	s9 =	simm.s32 $0xA00;
	[sflag:s20] =	ssyncadd.s32 $0xFFFFF600  }
0x66: {  	s9 =	simm.s32 @!p3 $0x0;
	_ =	strace $0x9000004C  }
0x67: {  	s21 =	sadd.s32 $0x1BC00, s9;
	_ =	strace $0x8000004D  }
0x68: {  	[tilespmem:s17], [sflag:$0x1] =	stream.indirect.gather [hbm4b:s1+s22], $0x80, s21, s22, $0x2000b8;
	[tilespmem:$0x1E400] =	vst v63  }
0x69: {  	s4 =	sadd.s32 $0x1BC80, s9  }
0x6a: {  	[tilespmem:s19], [sflag:$0x2] =	stream.indirect.gather [hbm4b:s1+s22], $0x80, s4, s22, $0x2000b8;
	[tilespmem:$0x1E400] =	vst v63  }
0x6b: {  	_ =	swait.ge [sflag:s23], $0x4000  }
0x6c: {  	[sflag:s23] =	ssyncset.done $0x0  }
0x6d: {  	s6 =	sor.u32 $0x1D000, s9;
	[sflag:s23] =	ssyncadd.s32 $0xFFFFC000  }
0x6e: {  	[spmem:s2] =	stream.indirect.scatter.add.f32 [tilespmem:s17], [sflag:$0x3], $0x80, s6, s22, $0x2000b8;
	[tilespmem:$0x1E400] =	vst v63  }
0x6f: {  	_ =	swait.ge [sflag:s24], $0x4000  }
0x70: {  	[sflag:s24] =	ssyncset.done $0x0  }
0x71: {  	s7 =	sadd.s32 $0x1BD00, s9;
	[sflag:s24] =	ssyncadd.s32 $0xFFFFC000  }
0x72: {  	[tilespmem:s17], [sflag:$0x1] =	stream.indirect.gather [hbm4b:s1+s22], $0x80, s7, s22, $0x2000b8;
	[tilespmem:$0x1E400] =	vst v63  }
0x73: {  	_ =	swait.ge [sflag:s25], $0x4000  }
0x74: {  	[sflag:s25] =	ssyncset.done $0x0  }
0x75: {  	s10 =	sor.u32 $0x1D080, s9;
	[sflag:s25] =	ssyncadd.s32 $0xFFFFC000  }
0x76: {  	[spmem:s2] =	stream.indirect.scatter.add.f32 [tilespmem:s19], [sflag:$0x4], $0x80, s10, s22, $0x2000b8;
	[tilespmem:$0x1E400] =	vst v63  }
0x77: {  	_ =	swait.ge [sflag:s26], $0x4000  }
0x78: {  	[sflag:s26] =	ssyncset.done $0x0  }
0x79: {  	s11 =	sadd.s32 $0x1BD80, s9;
	[sflag:s26] =	ssyncadd.s32 $0xFFFFC000  }
0x7a: {  	[tilespmem:s19], [sflag:$0x2] =	stream.indirect.gather [hbm4b:s1+s22], $0x80, s11, s22, $0x2000b8;
	[tilespmem:$0x1E400] =	vst v63  }
0x7b: {  	_ =	swait.ge [sflag:s23], $0x4000  }
0x7c: {  	[sflag:s23] =	ssyncset.done $0x0  }
0x7d: {  	s12 =	sor.u32 $0x1D100, s9;
	[sflag:s23] =	ssyncadd.s32 $0xFFFFC000  }
0x7e: {  	[spmem:s2] =	stream.indirect.scatter.add.f32 [tilespmem:s17], [sflag:$0x3], $0x80, s12, s22, $0x2000b8;
	[tilespmem:$0x1E400] =	vst v63  }
0x7f: {  	_ =	swait.ge [sflag:s24], $0x4000  }
0x80: {  	[sflag:s24] =	ssyncset.done $0x0  }
0x81: {  	s13 =	sadd.s32 $0x1BE00, s9;
	[sflag:s24] =	ssyncadd.s32 $0xFFFFC000  }
0x82: {  	[tilespmem:s17], [sflag:$0x1] =	stream.indirect.gather [hbm4b:s1+s22], $0x80, s13, s22, $0x2000b8;
	[tilespmem:$0x1E400] =	vst v63  }
0x83: {  	_ =	swait.ge [sflag:s25], $0x4000  }
0x84: {  	[sflag:s25] =	ssyncset.done $0x0  }
0x85: {  	s14 =	sor.u32 $0x1D180, s9;
	[sflag:s25] =	ssyncadd.s32 $0xFFFFC000  }
0x86: {  	[spmem:s2] =	stream.indirect.scatter.add.f32 [tilespmem:s19], [sflag:$0x4], $0x80, s14, s22, $0x2000b8;
	[tilespmem:$0x1E400] =	vst v63  }
0x87: {  	_ =	swait.ge [sflag:s26], $0x4000  }
0x88: {  	[sflag:s26] =	ssyncset.done $0x0  }
0x89: {  	s15 =	sadd.s32 $0x1BE80, s9;
	[sflag:s26] =	ssyncadd.s32 $0xFFFFC000  }
0x8a: {  	[tilespmem:s19], [sflag:$0x2] =	stream.indirect.gather [hbm4b:s1+s22], $0x80, s15, s22, $0x2000b8;
	[tilespmem:$0x1E400] =	vst v63  }
0x8b: {  	_ =	swait.ge [sflag:s23], $0x4000  }
0x8c: {  	[sflag:s23] =	ssyncset.done $0x0  }
0x8d: {  	s16 =	sadd.s32 $0x1D200, s9;
	[sflag:s23] =	ssyncadd.s32 $0xFFFFC000  }
0x8e: {  	[spmem:s2] =	stream.indirect.scatter.add.f32 [tilespmem:s17], [sflag:$0x3], $0x80, s16, s22, $0x2000b8;
	[tilespmem:$0x1E400] =	vst v63  }
0x8f: {  	_ =	swait.ge [sflag:s24], $0x4000  }
0x90: {  	[sflag:s24] =	ssyncset.done $0x0  }
0x91: {  	s18 =	sadd.s32 $0x1BF00, s9;
	[sflag:s24] =	ssyncadd.s32 $0xFFFFC000  }
0x92: {  	[tilespmem:s17], [sflag:$0x1] =	stream.indirect.gather [hbm4b:s1+s22], $0x80, s18, s22, $0x2000b8;
	[tilespmem:$0x1E400] =	vst v63  }
0x93: {  	_ =	swait.ge [sflag:s25], $0x4000  }
0x94: {  	[sflag:s25] =	ssyncset.done $0x0  }
0x95: {  	s20 =	sadd.s32 $0x1D280, s9;
	[sflag:s25] =	ssyncadd.s32 $0xFFFFC000  }
0x96: {  	[spmem:s2] =	stream.indirect.scatter.add.f32 [tilespmem:s19], [sflag:$0x4], $0x80, s20, s22, $0x2000b8;
	[tilespmem:$0x1E400] =	vst v63  }
0x97: {  	_ =	swait.ge [sflag:s26], $0x4000  }
0x98: {  	[sflag:s26] =	ssyncset.done $0x0  }
0x99: {  	s21 =	sadd.s32 $0x1BF80, s9;
	[sflag:s26] =	ssyncadd.s32 $0xFFFFC000  }
0x9a: {  	[tilespmem:s19], [sflag:$0x2] =	stream.indirect.gather [hbm4b:s1+s22], $0x80, s21, s22, $0x2000b8;
	[tilespmem:$0x1E400] =	vst v63  }
0x9b: {  	_ =	swait.ge [sflag:s23], $0x4000  }
0x9c: {  	[sflag:s23] =	ssyncset.done $0x0  }
0x9d: {  	s4 =	sadd.s32 $0x1D300, s9;
	[sflag:s23] =	ssyncadd.s32 $0xFFFFC000  }
0x9e: {  	[spmem:s2] =	stream.indirect.scatter.add.f32 [tilespmem:s17], [sflag:$0x3], $0x80, s4, s22, $0x2000b8;
	[tilespmem:$0x1E400] =	vst v63  }
0x9f: {  	_ =	swait.ge [sflag:s24], $0x4000  }
0xa0: {  	[sflag:s24] =	ssyncset.done $0x0  }
0xa1: {  	s6 =	sor.u32 $0x1C000, s9;
	[sflag:s24] =	ssyncadd.s32 $0xFFFFC000  }
0xa2: {  	[tilespmem:s17], [sflag:$0x1] =	stream.indirect.gather [hbm4b:s1+s22], $0x80, s6, s22, $0x2000b8;
	[tilespmem:$0x1E400] =	vst v63  }
0xa3: {  	_ =	swait.ge [sflag:s25], $0x4000  }
0xa4: {  	[sflag:s25] =	ssyncset.done $0x0  }
0xa5: {  	s7 =	sadd.s32 $0x1D380, s9;
	[sflag:s25] =	ssyncadd.s32 $0xFFFFC000  }
0xa6: {  	[spmem:s2] =	stream.indirect.scatter.add.f32 [tilespmem:s19], [sflag:$0x4], $0x80, s7, s22, $0x2000b8;
	[tilespmem:$0x1E400] =	vst v63  }
0xa7: {  	_ =	swait.ge [sflag:s26], $0x4000  }
0xa8: {  	[sflag:s26] =	ssyncset.done $0x0  }
0xa9: {  	s10 =	sor.u32 $0x1C080, s9;
	[sflag:s26] =	ssyncadd.s32 $0xFFFFC000  }
0xaa: {  	[tilespmem:s19], [sflag:$0x2] =	stream.indirect.gather [hbm4b:s1+s22], $0x80, s10, s22, $0x2000b8;
	[tilespmem:$0x1E400] =	vst v63  }
0xab: {  	_ =	swait.ge [sflag:s23], $0x4000  }
0xac: {  	[sflag:s23] =	ssyncset.done $0x0  }
0xad: {  	s11 =	sor.u32 $0x1D400, s9;
	[sflag:s23] =	ssyncadd.s32 $0xFFFFC000  }
0xae: {  	[spmem:s2] =	stream.indirect.scatter.add.f32 [tilespmem:s17], [sflag:$0x3], $0x80, s11, s22, $0x2000b8;
	[tilespmem:$0x1E400] =	vst v63  }
0xaf: {  	_ =	swait.ge [sflag:s24], $0x4000  }
0xb0: {  	[sflag:s24] =	ssyncset.done $0x0  }
0xb1: {  	s12 =	sor.u32 $0x1C100, s9;
	[sflag:s24] =	ssyncadd.s32 $0xFFFFC000  }
0xb2: {  	[tilespmem:s17], [sflag:$0x1] =	stream.indirect.gather [hbm4b:s1+s22], $0x80, s12, s22, $0x2000b8;
	[tilespmem:$0x1E400] =	vst v63  }
0xb3: {  	_ =	swait.ge [sflag:s25], $0x4000  }
0xb4: {  	[sflag:s25] =	ssyncset.done $0x0  }
0xb5: {  	s13 =	sor.u32 $0x1D480, s9;
	[sflag:s25] =	ssyncadd.s32 $0xFFFFC000  }
0xb6: {  	[spmem:s2] =	stream.indirect.scatter.add.f32 [tilespmem:s19], [sflag:$0x4], $0x80, s13, s22, $0x2000b8;
	[tilespmem:$0x1E400] =	vst v63  }
0xb7: {  	_ =	swait.ge [sflag:s26], $0x4000  }
0xb8: {  	[sflag:s26] =	ssyncset.done $0x0  }
0xb9: {  	s14 =	sor.u32 $0x1C180, s9;
	[sflag:s26] =	ssyncadd.s32 $0xFFFFC000  }
0xba: {  	[tilespmem:s19], [sflag:$0x2] =	stream.indirect.gather [hbm4b:s1+s22], $0x80, s14, s22, $0x2000b8;
	[tilespmem:$0x1E400] =	vst v63  }
0xbb: {  	_ =	swait.ge [sflag:s23], $0x4000  }
0xbc: {  	[sflag:s23] =	ssyncset.done $0x0  }
0xbd: {  	s15 =	sor.u32 $0x1D500, s9;
	[sflag:s23] =	ssyncadd.s32 $0xFFFFC000  }
0xbe: {  	[spmem:s2] =	stream.indirect.scatter.add.f32 [tilespmem:s17], [sflag:$0x3], $0x80, s15, s22, $0x2000b8;
	[tilespmem:$0x1E400] =	vst v63  }
0xbf: {  	_ =	swait.ge [sflag:s24], $0x4000  }
0xc0: {  	[sflag:s24] =	ssyncset.done $0x0  }
0xc1: {  	s16 =	sadd.s32 $0x1C200, s9;
	[sflag:s24] =	ssyncadd.s32 $0xFFFFC000  }
0xc2: {  	[tilespmem:s17], [sflag:$0x1] =	stream.indirect.gather [hbm4b:s1+s22], $0x80, s16, s22, $0x2000b8;
	[tilespmem:$0x1E400] =	vst v63  }
0xc3: {  	_ =	swait.ge [sflag:s25], $0x4000  }
0xc4: {  	[sflag:s25] =	ssyncset.done $0x0  }
0xc5: {  	s18 =	sor.u32 $0x1D580, s9;
	[sflag:s25] =	ssyncadd.s32 $0xFFFFC000  }
0xc6: {  	[spmem:s2] =	stream.indirect.scatter.add.f32 [tilespmem:s19], [sflag:$0x4], $0x80, s18, s22, $0x2000b8;
	[tilespmem:$0x1E400] =	vst v63  }
0xc7: {  	_ =	swait.ge [sflag:s26], $0x4000  }
0xc8: {  	[sflag:s26] =	ssyncset.done $0x0  }
0xc9: {  	s20 =	sadd.s32 $0x1C280, s9;
	[sflag:s26] =	ssyncadd.s32 $0xFFFFC000  }
0xca: {  	[tilespmem:s19], [sflag:$0x2] =	stream.indirect.gather [hbm4b:s1+s22], $0x80, s20, s22, $0x2000b8;
	[tilespmem:$0x1E400] =	vst v63  }
0xcb: {  	_ =	swait.ge [sflag:s23], $0x4000  }
0xcc: {  	[sflag:s23] =	ssyncset.done $0x0  }
0xcd: {  	s21 =	sadd.s32 $0x1D600, s9;
	[sflag:s23] =	ssyncadd.s32 $0xFFFFC000  }
0xce: {  	[spmem:s2] =	stream.indirect.scatter.add.f32 [tilespmem:s17], [sflag:$0x3], $0x80, s21, s22, $0x2000b8;
	[tilespmem:$0x1E400] =	vst v63  }
0xcf: {  	_ =	swait.ge [sflag:s24], $0x4000  }
0xd0: {  	[sflag:s24] =	ssyncset.done $0x0  }
0xd1: {  	s4 =	sadd.s32 $0x1C300, s9;
	[sflag:s24] =	ssyncadd.s32 $0xFFFFC000  }
0xd2: {  	[tilespmem:s17], [sflag:$0x1] =	stream.indirect.gather [hbm4b:s1+s22], $0x80, s4, s22, $0x2000b8;
	[tilespmem:$0x1E400] =	vst v63  }
0xd3: {  	_ =	swait.ge [sflag:s25], $0x4000  }
0xd4: {  	[sflag:s25] =	ssyncset.done $0x0  }
0xd5: {  	s6 =	sadd.s32 $0x1D680, s9;
	[sflag:s25] =	ssyncadd.s32 $0xFFFFC000  }
0xd6: {  	[spmem:s2] =	stream.indirect.scatter.add.f32 [tilespmem:s19], [sflag:$0x4], $0x80, s6, s22, $0x2000b8;
	[tilespmem:$0x1E400] =	vst v63  }
0xd7: {  	_ =	swait.ge [sflag:s26], $0x4000  }
0xd8: {  	[sflag:s26] =	ssyncset.done $0x0  }
0xd9: {  	s7 =	sadd.s32 $0x1C380, s9;
	[sflag:s26] =	ssyncadd.s32 $0xFFFFC000  }
0xda: {  	[tilespmem:s19], [sflag:$0x2] =	stream.indirect.gather [hbm4b:s1+s22], $0x80, s7, s22, $0x2000b8;
	[tilespmem:$0x1E400] =	vst v63  }
0xdb: {  	_ =	swait.ge [sflag:s23], $0x4000  }
0xdc: {  	[sflag:s23] =	ssyncset.done $0x0  }
0xdd: {  	s10 =	sadd.s32 $0x1D700, s9;
	[sflag:s23] =	ssyncadd.s32 $0xFFFFC000  }
0xde: {  	[spmem:s2] =	stream.indirect.scatter.add.f32 [tilespmem:s17], [sflag:$0x3], $0x80, s10, s22, $0x2000b8;
	[tilespmem:$0x1E400] =	vst v63  }
0xdf: {  	p4 =	por $0x0, $0x0;
	_ =	swait.ge [sflag:s24], $0x4000  }
0xe0: {  	p5 =	sne.s32 s3, $0x0;
	p1 =	por !p1, p0;
	[sflag:s24] =	ssyncset.done $0x0  }
0xe1: {  	s0 =	simm.s32 @!p2 $0x2;
	s11 =	sor.u32 $0x1C400, s9;
	[sflag:s24] =	ssyncadd.s32 $0xFFFFC000  }
0xe2: {  	[tilespmem:s17], [sflag:$0x1] =	stream.indirect.gather [hbm4b:s1+s22], $0x80, s11, s22, $0x2000b8;
	[tilespmem:$0x1E400] =	vst v63  }
0xe3: {  	p2 =	por p0, p5;
	s12 =	sadd.s32 $0x1D780, s9;
	_ =	swait.ge [sflag:s25], $0x4000  }
0xe4: {  	s13 =	sor.u32 $0x1C480, s9;
	s14 =	sadd.s32 $0x1D800, s9;
	[sflag:s25] =	ssyncset.done $0x0  }
0xe5: {  	s15 =	sor.u32 $0x1C500, s9;
	s10 =	simm.s32 $0x0;
	[sflag:s25] =	ssyncadd.s32 $0xFFFFC000  }
0xe6: {  	[spmem:s2] =	stream.indirect.scatter.add.f32 [tilespmem:s19], [sflag:$0x4], $0x80, s12, s22, $0x2000b8;
	[tilespmem:$0x1E400] =	vst v63  }
0xe7: {  	s16 =	sadd.s32 $0x1D880, s9;
	s10 =	simm.s32 @p1 $0x1;
	_ =	swait.ge [sflag:s26], $0x4000  }
0xe8: {  	s18 =	sor.u32 $0x1C580, s9;
	s10 =	simm.s32 @p0 $0x0;
	[sflag:s26] =	ssyncset.done $0x0  }
0xe9: {  	s20 =	sadd.s32 $0x1, s3;
	s29 =	sadd.s32 $0x1, s10;
	[sflag:s26] =	ssyncadd.s32 $0xFFFFC000  }
0xea: {  	[tilespmem:s19], [sflag:$0x2] =	stream.indirect.gather [hbm4b:s1+s22], $0x80, s13, s22, $0x2000b8;
	[tilespmem:$0x1E400] =	vst v63  }
0xeb: {  	s10 =	simm.s32 $0x1;
	s11 =	simm.s32 $0x1;
	_ =	swait.ge [sflag:s23], $0x4000  }
0xec: {  	s10 =	smov.u32 @p1 s0;
	s0 =	simm.s32 $0x2;
	[sflag:s23] =	ssyncset.done $0x0  }
0xed: {  	s11 =	simm.s32 @!p2 $0x0;
	s10 =	smov.u32 @p0 s8;
	[sflag:s23] =	ssyncadd.s32 $0xFFFFC000  }
0xee: {  	[spmem:s2] =	stream.indirect.scatter.add.f32 [tilespmem:s17], [sflag:$0x3], $0x80, s14, s22, $0x2000b8;
	[tilespmem:$0x1E400] =	vst v63  }
0xef: {  	p0 =	seq.s32 s20, $0x4;
	s21 =	sadd.s32 $0x0, s11;
	_ =	swait.ge [sflag:s24], $0x4000  }
0xf0: {  	s20 =	simm.s32 @p0 $0x0;
	s28 =	sand.u32 $0x1, s21;
	[sflag:s24] =	ssyncset.done $0x0  }
0xf1: {  	p5 =	seq.s32 @!p4 s3, s20;
	p0 =	sne.s32 s3, s20;
	[sflag:s24] =	ssyncadd.s32 $0xFFFFC000  }
0xf2: {  	[tilespmem:s17], [sflag:$0x1] =	stream.indirect.gather [hbm4b:s1+s22], $0x80, s15, s22, $0x2000b8;
	[tilespmem:$0x1E400] =	vst v63  }
0xf3: {  	s31 =	smov.u32 s21;
	s3 =	smov.u32 s10;
	_ =	swait.ge [sflag:s25], $0x4000  }
0xf4: {  	p6 =	seq.s32 s28, $0x1;
	p3 =	por p5, p4;
	[sflag:s25] =	ssyncset.done $0x0  }
0xf5: {  	p5 =	por !p5, p4;
	s30 =	smov.u32 s28;
	[sflag:s25] =	ssyncadd.s32 $0xFFFFC000  }
0xf6: {  	[spmem:s2] =	stream.indirect.scatter.add.f32 [tilespmem:s19], [sflag:$0x4], $0x80, s16, s22, $0x2000b8;
	[tilespmem:$0x1E400] =	vst v63  }
0xf7: {  	p1 =	por p6, p6;
	p2 =	por p6, p6;
	_ =	swait.ge [sflag:s26], $0x4000  }
0xf8: {  	s11 =	sand.u32 @!p3 $0x1, s10;
	s13 =	sadd.s32 $0x1D980, s9;
	[sflag:s26] =	ssyncset.done $0x0  }
0xf9: {  	s14 =	sadd.s32 $0x1D900, s9;
	s15 =	smul.u32 @!p3 $0xC00, s20;
	[sflag:s26] =	ssyncadd.s32 $0xFFFFC000  }
0xfa: {  	[tilespmem:s19], [sflag:$0x2] =	stream.indirect.gather [hbm4b:s1+s22], $0x80, s18, s22, $0x2000b8;
	[tilespmem:$0x1E400] =	vst v63  }
.LBB2_4:
0xfb: {  	_ =	swait.ge [sflag:s23], $0x4000  }
0xfc: {  	[sflag:s23] =	ssyncset.done $0x0  }
0xfd: {  	s12 =	rddreg [dreg:$0x6];
	[sflag:s23] =	ssyncadd.s32 $0xFFFFC000  }
0xfe: {  	[spmem:s2] =	stream.indirect.scatter.add.f32 [tilespmem:s17], [sflag:$0x3], $0x80, s14, s22, $0x2000b8;
	[tilespmem:$0x1E400] =	vst v63  }
0xff: {  	s14 =	rddreg [dreg:$0x5];
	_ =	swait.ge [sflag:s25], $0x4000  }
0x100: {  	s16 =	sadd.s32 @!p3 $0x1, s10;
	p0 =	por p4, p0;
	[sflag:s25] =	ssyncset.done $0x0  }
0x101: {  	s9 =	smov.u32 s0;
	s7 =	smul.u32 @!p3 $0x2800, s11;
	[sflag:s25] =	ssyncadd.s32 $0xFFFFC000  }
0x102: {  	[spmem:s2] =	stream.indirect.scatter.add.f32 [tilespmem:s19], [sflag:$0x4], $0x80, s13, s22, $0x2000b8;
	[tilespmem:$0x1E400] =	vst v63  }
0x103: {  	s4 =	sand.u32 @!p3 $0x1, s29;
	s18 =	simm.s32 $0x0;
	_ =	swait.ge [sflag:s26], $0x4000  }
0x104: {  	s11 =	sadd.s32 @!p3 $0x5, s11;
	s0 =	sadd.s32 $0xFFFFFFFF, s0;
	[sflag:s26] =	ssyncset.done $0x0  }
0x105: {  	s18 =	simm.s32 @p5 $0x1;
	s3 =	smov.u32 @p5 s16;
	[sflag:s26] =	ssyncadd.s32 $0xFFFFC000  }
0x106: {  	s12 =	sadd.s32 @!p3 s12, s15;
	s7 =	sshrl.u32 @!p3 s7, $0x2;
	_ =	swait.ge [sflag:s24], $0x4000  }
0x107: {  	s18 =	simm.s32 @p4 $0x0;
	s3 =	smov.u32 @p4 s10;
	[sflag:s24] =	ssyncset.done $0x0  }
0x108: {  	p4 =	sne.s32 s0, $0x0;
	s12 =	sshrl.u32 @!p3 s12, $0x3;
	[sflag:s24] =	ssyncadd.s32 $0xFFFFC000  }
0x109: {  	s7 =	sadd.s32 @!p3 $0x1BC00, s7;
	s29 =	sadd.s32 s29, s18;
	_ =	strace $0x9000004D  }
0x10a: {  	s18 =	simm.s32 @!p3 $0x0;
	s12 =	sadd.s32 @!p3 s5, s12;
	_ =	strace @!p3 $0x80000049  }
0x10b: {  	[tilespmem:s7], [sflag:s11] =	stream.linear.gather @!p3 [hbm4b:s12+s18], $0xA00, $0x200038;
	[tilespmem:$0x1E400] =	vst v63  }
0x10c: {  	s7 =	simm.s32 @!p4 $0x0  }
0x10d: {  	s14 =	sadd.s32 @!p3 s15, s14;
	s15 =	smul.u32 @!p3 $0x2800, s4;
	s7 =	simm.s32 @p4 $0x1  }
0x10e: {  	s4 =	sadd.s32 @!p3 $0x7, s4;
	[smem:$0x7FD] =	sst s7  }
0x10f: {  	s14 =	sshrl.u32 @!p3 s14, $0x3;
	s15 =	sshrl.u32 @!p3 s15, $0x2;
	_ =	strace @!p3 $0x90000049  }
0x110: {  	s13 =	sadd.s32 @!p3 s5, s14;
	s14 =	sor.u32 @!p3 $0x1D000, s15;
	_ =	strace @!p3 $0x8000004A  }
0x111: {  	[tilespmem:s14], [sflag:s4] =	stream.linear.gather @!p3 [hbm4b:s13+s18], $0xA00, $0x200038;
	[tilespmem:$0x1E400] =	vst v63  }
0x112: {  	_ =	strace @!p3 $0x9000004A  }
0x113: {  	s6 =	simm.s32 $0x1;
	s14 =	sadd.s32 $0x5, s28;
	_ =	strace $0x8000004B  }
0x114: {  	s6 =	simm.s32 @!p0 $0x0;
	_ =	swait.ge [sflag:s14], $0xA00  }
0x115: {  	s21 =	sadd.s32 s6, s21;
	[sflag:s14] =	ssyncset.done $0x0  }
0x116: {  	s15 =	sand.u32 $0x1, s21;
	[sflag:s14] =	ssyncadd.s32 $0xFFFFF600  }
0x117: {  	p0 =	seq.s32 s15, $0x1;
	_ =	strace $0x9000004B  }
0x118: {  	s28 =	smov.u32 s15;
	s15 =	sadd.s32 $0x7, s30;
	_ =	strace $0x8000004C  }
0x119: {  	_ =	swait.ge [sflag:s15], $0xA00  }
0x11a: {  	[sflag:s15] =	ssyncset.done $0x0  }
0x11b: {  	s10 =	simm.s32 $0xA00;
	[sflag:s15] =	ssyncadd.s32 $0xFFFFF600  }
0x11c: {  	s10 =	simm.s32 @!p1 $0x0;
	_ =	strace $0x9000004C  }
0x11d: {  	s16 =	sadd.s32 $0x1BC00, s10;
	_ =	strace $0x8000004D  }
0x11e: {  	[tilespmem:s17], [sflag:$0x1] =	stream.indirect.gather [hbm4b:s1+s22], $0x80, s16, s22, $0x2000b8;
	[tilespmem:$0x1E400] =	vst v63  }
0x11f: {  	s31 =	sadd.s32 s6, s31;
	s18 =	sadd.s32 $0x1BC80, s10  }
0x120: {  	[tilespmem:s19], [sflag:$0x2] =	stream.indirect.gather [hbm4b:s1+s22], $0x80, s18, s22, $0x2000b8;
	[tilespmem:$0x1E400] =	vst v63  }
0x121: {  	s6 =	sand.u32 $0x1, s31;
	s11 =	simm.s32 $0xA00;
	_ =	swait.ge [sflag:s23], $0x4000  }
0x122: {  	p6 =	seq.s32 s6, $0x1;
	s11 =	simm.s32 @!p2 $0x0;
	[sflag:s23] =	ssyncset.done $0x0  }
0x123: {  	s30 =	smov.u32 s6;
	s6 =	sor.u32 $0x1D000, s11;
	[sflag:s23] =	ssyncadd.s32 $0xFFFFC000  }
0x124: {  	[spmem:s2] =	stream.indirect.scatter.add.f32 [tilespmem:s17], [sflag:$0x3], $0x80, s6, s22, $0x2000b8;
	[tilespmem:$0x1E400] =	vst v63  }
0x125: {  	_ =	swait.ge [sflag:s24], $0x4000  }
0x126: {  	[sflag:s24] =	ssyncset.done $0x0  }
0x127: {  	s7 =	sadd.s32 $0x1BD00, s10;
	[sflag:s24] =	ssyncadd.s32 $0xFFFFC000  }
0x128: {  	[tilespmem:s17], [sflag:$0x1] =	stream.indirect.gather [hbm4b:s1+s22], $0x80, s7, s22, $0x2000b8;
	[tilespmem:$0x1E400] =	vst v63  }
0x129: {  	_ =	swait.ge [sflag:s25], $0x4000  }
0x12a: {  	[sflag:s25] =	ssyncset.done $0x0  }
0x12b: {  	s12 =	sor.u32 $0x1D080, s11;
	[sflag:s25] =	ssyncadd.s32 $0xFFFFC000  }
0x12c: {  	[spmem:s2] =	stream.indirect.scatter.add.f32 [tilespmem:s19], [sflag:$0x4], $0x80, s12, s22, $0x2000b8;
	[tilespmem:$0x1E400] =	vst v63  }
0x12d: {  	_ =	swait.ge [sflag:s26], $0x4000  }
0x12e: {  	[sflag:s26] =	ssyncset.done $0x0  }
0x12f: {  	s13 =	sadd.s32 $0x1BD80, s10;
	[sflag:s26] =	ssyncadd.s32 $0xFFFFC000  }
0x130: {  	[tilespmem:s19], [sflag:$0x2] =	stream.indirect.gather [hbm4b:s1+s22], $0x80, s13, s22, $0x2000b8;
	[tilespmem:$0x1E400] =	vst v63  }
0x131: {  	_ =	swait.ge [sflag:s23], $0x4000  }
0x132: {  	[sflag:s23] =	ssyncset.done $0x0  }
0x133: {  	s14 =	sor.u32 $0x1D100, s11;
	[sflag:s23] =	ssyncadd.s32 $0xFFFFC000  }
0x134: {  	[spmem:s2] =	stream.indirect.scatter.add.f32 [tilespmem:s17], [sflag:$0x3], $0x80, s14, s22, $0x2000b8;
	[tilespmem:$0x1E400] =	vst v63  }
0x135: {  	_ =	swait.ge [sflag:s24], $0x4000  }
0x136: {  	[sflag:s24] =	ssyncset.done $0x0  }
0x137: {  	s15 =	sadd.s32 $0x1BE00, s10;
	[sflag:s24] =	ssyncadd.s32 $0xFFFFC000  }
0x138: {  	[tilespmem:s17], [sflag:$0x1] =	stream.indirect.gather [hbm4b:s1+s22], $0x80, s15, s22, $0x2000b8;
	[tilespmem:$0x1E400] =	vst v63  }
0x139: {  	_ =	swait.ge [sflag:s25], $0x4000  }
0x13a: {  	[sflag:s25] =	ssyncset.done $0x0  }
0x13b: {  	s16 =	sor.u32 $0x1D180, s11;
	[sflag:s25] =	ssyncadd.s32 $0xFFFFC000  }
0x13c: {  	[spmem:s2] =	stream.indirect.scatter.add.f32 [tilespmem:s19], [sflag:$0x4], $0x80, s16, s22, $0x2000b8;
	[tilespmem:$0x1E400] =	vst v63  }
0x13d: {  	_ =	swait.ge [sflag:s26], $0x4000  }
0x13e: {  	[sflag:s26] =	ssyncset.done $0x0  }
0x13f: {  	s18 =	sadd.s32 $0x1BE80, s10;
	[sflag:s26] =	ssyncadd.s32 $0xFFFFC000  }
0x140: {  	[tilespmem:s19], [sflag:$0x2] =	stream.indirect.gather [hbm4b:s1+s22], $0x80, s18, s22, $0x2000b8;
	[tilespmem:$0x1E400] =	vst v63  }
0x141: {  	_ =	swait.ge [sflag:s23], $0x4000  }
0x142: {  	[sflag:s23] =	ssyncset.done $0x0  }
0x143: {  	s6 =	sadd.s32 $0x1D200, s11;
	[sflag:s23] =	ssyncadd.s32 $0xFFFFC000  }
0x144: {  	[spmem:s2] =	stream.indirect.scatter.add.f32 [tilespmem:s17], [sflag:$0x3], $0x80, s6, s22, $0x2000b8;
	[tilespmem:$0x1E400] =	vst v63  }
0x145: {  	_ =	swait.ge [sflag:s24], $0x4000  }
0x146: {  	[sflag:s24] =	ssyncset.done $0x0  }
0x147: {  	s7 =	sadd.s32 $0x1BF00, s10;
	[sflag:s24] =	ssyncadd.s32 $0xFFFFC000  }
0x148: {  	[tilespmem:s17], [sflag:$0x1] =	stream.indirect.gather [hbm4b:s1+s22], $0x80, s7, s22, $0x2000b8;
	[tilespmem:$0x1E400] =	vst v63  }
0x149: {  	_ =	swait.ge [sflag:s25], $0x4000  }
0x14a: {  	[sflag:s25] =	ssyncset.done $0x0  }
0x14b: {  	s12 =	sadd.s32 $0x1D280, s11;
	[sflag:s25] =	ssyncadd.s32 $0xFFFFC000  }
0x14c: {  	[spmem:s2] =	stream.indirect.scatter.add.f32 [tilespmem:s19], [sflag:$0x4], $0x80, s12, s22, $0x2000b8;
	[tilespmem:$0x1E400] =	vst v63  }
0x14d: {  	_ =	swait.ge [sflag:s26], $0x4000  }
0x14e: {  	[sflag:s26] =	ssyncset.done $0x0  }
0x14f: {  	s13 =	sadd.s32 $0x1BF80, s10;
	[sflag:s26] =	ssyncadd.s32 $0xFFFFC000  }
0x150: {  	[tilespmem:s19], [sflag:$0x2] =	stream.indirect.gather [hbm4b:s1+s22], $0x80, s13, s22, $0x2000b8;
	[tilespmem:$0x1E400] =	vst v63  }
0x151: {  	_ =	swait.ge [sflag:s23], $0x4000  }
0x152: {  	[sflag:s23] =	ssyncset.done $0x0  }
0x153: {  	s14 =	sadd.s32 $0x1D300, s11;
	[sflag:s23] =	ssyncadd.s32 $0xFFFFC000  }
0x154: {  	[spmem:s2] =	stream.indirect.scatter.add.f32 [tilespmem:s17], [sflag:$0x3], $0x80, s14, s22, $0x2000b8;
	[tilespmem:$0x1E400] =	vst v63  }
0x155: {  	_ =	swait.ge [sflag:s24], $0x4000  }
0x156: {  	[sflag:s24] =	ssyncset.done $0x0  }
0x157: {  	s15 =	sor.u32 $0x1C000, s10;
	[sflag:s24] =	ssyncadd.s32 $0xFFFFC000  }
0x158: {  	[tilespmem:s17], [sflag:$0x1] =	stream.indirect.gather [hbm4b:s1+s22], $0x80, s15, s22, $0x2000b8;
	[tilespmem:$0x1E400] =	vst v63  }
0x159: {  	_ =	swait.ge [sflag:s25], $0x4000  }
0x15a: {  	[sflag:s25] =	ssyncset.done $0x0  }
0x15b: {  	s16 =	sadd.s32 $0x1D380, s11;
	[sflag:s25] =	ssyncadd.s32 $0xFFFFC000  }
0x15c: {  	[spmem:s2] =	stream.indirect.scatter.add.f32 [tilespmem:s19], [sflag:$0x4], $0x80, s16, s22, $0x2000b8;
	[tilespmem:$0x1E400] =	vst v63  }
0x15d: {  	_ =	swait.ge [sflag:s26], $0x4000  }
0x15e: {  	[sflag:s26] =	ssyncset.done $0x0  }
0x15f: {  	s18 =	sor.u32 $0x1C080, s10;
	[sflag:s26] =	ssyncadd.s32 $0xFFFFC000  }
0x160: {  	[tilespmem:s19], [sflag:$0x2] =	stream.indirect.gather [hbm4b:s1+s22], $0x80, s18, s22, $0x2000b8;
	[tilespmem:$0x1E400] =	vst v63  }
0x161: {  	_ =	swait.ge [sflag:s23], $0x4000  }
0x162: {  	[sflag:s23] =	ssyncset.done $0x0  }
0x163: {  	s6 =	sor.u32 $0x1D400, s11;
	[sflag:s23] =	ssyncadd.s32 $0xFFFFC000  }
0x164: {  	[spmem:s2] =	stream.indirect.scatter.add.f32 [tilespmem:s17], [sflag:$0x3], $0x80, s6, s22, $0x2000b8;
	[tilespmem:$0x1E400] =	vst v63  }
0x165: {  	_ =	swait.ge [sflag:s24], $0x4000  }
0x166: {  	[sflag:s24] =	ssyncset.done $0x0  }
0x167: {  	s7 =	sor.u32 $0x1C100, s10;
	[sflag:s24] =	ssyncadd.s32 $0xFFFFC000  }
0x168: {  	[tilespmem:s17], [sflag:$0x1] =	stream.indirect.gather [hbm4b:s1+s22], $0x80, s7, s22, $0x2000b8;
	[tilespmem:$0x1E400] =	vst v63  }
0x169: {  	_ =	swait.ge [sflag:s25], $0x4000  }
0x16a: {  	[sflag:s25] =	ssyncset.done $0x0  }
0x16b: {  	s12 =	sor.u32 $0x1D480, s11;
	[sflag:s25] =	ssyncadd.s32 $0xFFFFC000  }
0x16c: {  	[spmem:s2] =	stream.indirect.scatter.add.f32 [tilespmem:s19], [sflag:$0x4], $0x80, s12, s22, $0x2000b8;
	[tilespmem:$0x1E400] =	vst v63  }
0x16d: {  	_ =	swait.ge [sflag:s26], $0x4000  }
0x16e: {  	[sflag:s26] =	ssyncset.done $0x0  }
0x16f: {  	s13 =	sor.u32 $0x1C180, s10;
	[sflag:s26] =	ssyncadd.s32 $0xFFFFC000  }
0x170: {  	[tilespmem:s19], [sflag:$0x2] =	stream.indirect.gather [hbm4b:s1+s22], $0x80, s13, s22, $0x2000b8;
	[tilespmem:$0x1E400] =	vst v63  }
0x171: {  	_ =	swait.ge [sflag:s23], $0x4000  }
0x172: {  	[sflag:s23] =	ssyncset.done $0x0  }
0x173: {  	s14 =	sor.u32 $0x1D500, s11;
	[sflag:s23] =	ssyncadd.s32 $0xFFFFC000  }
0x174: {  	[spmem:s2] =	stream.indirect.scatter.add.f32 [tilespmem:s17], [sflag:$0x3], $0x80, s14, s22, $0x2000b8;
	[tilespmem:$0x1E400] =	vst v63  }
0x175: {  	_ =	swait.ge [sflag:s24], $0x4000  }
0x176: {  	[sflag:s24] =	ssyncset.done $0x0  }
0x177: {  	s15 =	sadd.s32 $0x1C200, s10;
	[sflag:s24] =	ssyncadd.s32 $0xFFFFC000  }
0x178: {  	[tilespmem:s17], [sflag:$0x1] =	stream.indirect.gather [hbm4b:s1+s22], $0x80, s15, s22, $0x2000b8;
	[tilespmem:$0x1E400] =	vst v63  }
0x179: {  	_ =	swait.ge [sflag:s25], $0x4000  }
0x17a: {  	[sflag:s25] =	ssyncset.done $0x0  }
0x17b: {  	s16 =	sor.u32 $0x1D580, s11;
	[sflag:s25] =	ssyncadd.s32 $0xFFFFC000  }
0x17c: {  	[spmem:s2] =	stream.indirect.scatter.add.f32 [tilespmem:s19], [sflag:$0x4], $0x80, s16, s22, $0x2000b8;
	[tilespmem:$0x1E400] =	vst v63  }
0x17d: {  	_ =	swait.ge [sflag:s26], $0x4000  }
0x17e: {  	[sflag:s26] =	ssyncset.done $0x0  }
0x17f: {  	s18 =	sadd.s32 $0x1C280, s10;
	[sflag:s26] =	ssyncadd.s32 $0xFFFFC000  }
0x180: {  	[tilespmem:s19], [sflag:$0x2] =	stream.indirect.gather [hbm4b:s1+s22], $0x80, s18, s22, $0x2000b8;
	[tilespmem:$0x1E400] =	vst v63  }
0x181: {  	_ =	swait.ge [sflag:s23], $0x4000  }
0x182: {  	[sflag:s23] =	ssyncset.done $0x0  }
0x183: {  	s6 =	sadd.s32 $0x1D600, s11;
	[sflag:s23] =	ssyncadd.s32 $0xFFFFC000  }
0x184: {  	[spmem:s2] =	stream.indirect.scatter.add.f32 [tilespmem:s17], [sflag:$0x3], $0x80, s6, s22, $0x2000b8;
	[tilespmem:$0x1E400] =	vst v63  }
0x185: {  	_ =	swait.ge [sflag:s24], $0x4000  }
0x186: {  	[sflag:s24] =	ssyncset.done $0x0  }
0x187: {  	s7 =	sadd.s32 $0x1C300, s10;
	[sflag:s24] =	ssyncadd.s32 $0xFFFFC000  }
0x188: {  	[tilespmem:s17], [sflag:$0x1] =	stream.indirect.gather [hbm4b:s1+s22], $0x80, s7, s22, $0x2000b8;
	[tilespmem:$0x1E400] =	vst v63  }
0x189: {  	_ =	swait.ge [sflag:s25], $0x4000  }
0x18a: {  	[sflag:s25] =	ssyncset.done $0x0  }
0x18b: {  	s12 =	sadd.s32 $0x1D680, s11;
	[sflag:s25] =	ssyncadd.s32 $0xFFFFC000  }
0x18c: {  	[spmem:s2] =	stream.indirect.scatter.add.f32 [tilespmem:s19], [sflag:$0x4], $0x80, s12, s22, $0x2000b8;
	[tilespmem:$0x1E400] =	vst v63  }
0x18d: {  	_ =	swait.ge [sflag:s26], $0x4000  }
0x18e: {  	[sflag:s26] =	ssyncset.done $0x0  }
0x18f: {  	s13 =	sadd.s32 $0x1C380, s10;
	[sflag:s26] =	ssyncadd.s32 $0xFFFFC000  }
0x190: {  	[tilespmem:s19], [sflag:$0x2] =	stream.indirect.gather [hbm4b:s1+s22], $0x80, s13, s22, $0x2000b8;
	[tilespmem:$0x1E400] =	vst v63  }
0x191: {  	_ =	swait.ge [sflag:s23], $0x4000  }
0x192: {  	[sflag:s23] =	ssyncset.done $0x0  }
0x193: {  	s14 =	sadd.s32 $0x1D700, s11;
	[sflag:s23] =	ssyncadd.s32 $0xFFFFC000  }
0x194: {  	[spmem:s2] =	stream.indirect.scatter.add.f32 [tilespmem:s17], [sflag:$0x3], $0x80, s14, s22, $0x2000b8;
	[tilespmem:$0x1E400] =	vst v63  }
0x195: {  	_ =	swait.ge [sflag:s24], $0x4000  }
0x196: {  	[sflag:s24] =	ssyncset.done $0x0  }
0x197: {  	s15 =	sor.u32 $0x1C400, s10;
	[sflag:s24] =	ssyncadd.s32 $0xFFFFC000  }
0x198: {  	[tilespmem:s17], [sflag:$0x1] =	stream.indirect.gather [hbm4b:s1+s22], $0x80, s15, s22, $0x2000b8;
	[tilespmem:$0x1E400] =	vst v63  }
0x199: {  	_ =	swait.ge [sflag:s25], $0x4000  }
0x19a: {  	[sflag:s25] =	ssyncset.done $0x0  }
0x19b: {  	s16 =	sadd.s32 $0x1D780, s11;
	[sflag:s25] =	ssyncadd.s32 $0xFFFFC000  }
0x19c: {  	[spmem:s2] =	stream.indirect.scatter.add.f32 [tilespmem:s19], [sflag:$0x4], $0x80, s16, s22, $0x2000b8;
	[tilespmem:$0x1E400] =	vst v63  }
0x19d: {  	_ =	swait.ge [sflag:s26], $0x4000  }
0x19e: {  	[sflag:s26] =	ssyncset.done $0x0  }
0x19f: {  	s18 =	sor.u32 $0x1C480, s10;
	[sflag:s26] =	ssyncadd.s32 $0xFFFFC000  }
0x1a0: {  	[tilespmem:s19], [sflag:$0x2] =	stream.indirect.gather [hbm4b:s1+s22], $0x80, s18, s22, $0x2000b8;
	[tilespmem:$0x1E400] =	vst v63  }
0x1a1: {  	_ =	swait.ge [sflag:s23], $0x4000  }
0x1a2: {  	[sflag:s23] =	ssyncset.done $0x0  }
0x1a3: {  	s6 =	sadd.s32 $0x1D800, s11;
	[sflag:s23] =	ssyncadd.s32 $0xFFFFC000  }
0x1a4: {  	[spmem:s2] =	stream.indirect.scatter.add.f32 [tilespmem:s17], [sflag:$0x3], $0x80, s6, s22, $0x2000b8;
	[tilespmem:$0x1E400] =	vst v63  }
0x1a5: {  	_ =	swait.ge [sflag:s24], $0x4000  }
0x1a6: {  	[sflag:s24] =	ssyncset.done $0x0  }
0x1a7: {  	s7 =	sor.u32 $0x1C500, s10;
	[sflag:s24] =	ssyncadd.s32 $0xFFFFC000  }
0x1a8: {  	[tilespmem:s17], [sflag:$0x1] =	stream.indirect.gather [hbm4b:s1+s22], $0x80, s7, s22, $0x2000b8;
	[tilespmem:$0x1E400] =	vst v63  }
0x1a9: {  	_ =	swait.ge [sflag:s25], $0x4000  }
0x1aa: {  	[sflag:s25] =	ssyncset.done $0x0  }
0x1ab: {  	s16 =	sadd.s32 $0x1D880, s11;
	[sflag:s25] =	ssyncadd.s32 $0xFFFFC000  }
0x1ac: {  	[spmem:s2] =	stream.indirect.scatter.add.f32 [tilespmem:s19], [sflag:$0x4], $0x80, s16, s22, $0x2000b8;
	[tilespmem:$0x1E400] =	vst v63  }
0x1ad: {  	_ =	swait.ge [sflag:s26], $0x4000  }
0x1ae: {  	s8 =	smov.u32 s20;
	s20 =	sadd.s32 $0x1, s20;
	s18 =	sld [smem:$0x7FD]  }
0x1af: {  	p1 =	por p0, p0;
	p0 =	seq.s32 s20, $0x4  }
0x1b0: {  	s20 =	simm.s32 @p0 $0x0;
	p4 =	seq.s32 s9, $0x1  }
0x1b1: {  	p2 =	por p6, p6;
	p5 =	seq.s32 @!p4 s8, s20;
	p6 =	seq.s32 s18, $0x1  }
.Ltmp1:
0x1b2: {  	p0 =	sne.s32 s8, s20;
	p3 =	por p5, p4;
	(pc) =	sbr.rel @p6 .LBB2_4-.Ltmp1, $4  }
0x1b3: {  	p5 =	por !p5, p4;
	s12 =	sor.u32 $0x1C580, s10;
	s10 =	smov.u32 s3  }
0x1b4: {  	s13 =	sadd.s32 $0x1D980, s11;
	s14 =	sadd.s32 $0x1D900, s11;
	[sflag:s26] =	ssyncset.done $0x0  }
0x1b5: {  	s15 =	smul.u32 @!p3 $0xC00, s20;
	s11 =	sand.u32 @!p3 $0x1, s3;
	[sflag:s26] =	ssyncadd.s32 $0xFFFFC000  }
0x1b6: {  	[tilespmem:s19], [sflag:$0x2] =	stream.indirect.gather [hbm4b:s1+s22], $0x80, s12, s22, $0x2000b8;
	[tilespmem:$0x1E400] =	vst v63  }
0x1b7: {  	_ =	swait.ge [sflag:s23], $0x4000  }
0x1b8: {  	[sflag:s23] =	ssyncset.done $0x0  }
0x1b9: {  	[sflag:s23] =	ssyncadd.s32 $0xFFFFC000  }
0x1ba: {  	[spmem:s2] =	stream.indirect.scatter.add.f32 [tilespmem:s17], [sflag:$0x3], $0x80, s14, s22, $0x2000b8;
	[tilespmem:$0x1E400] =	vst v63  }
0x1bb: {  	_ =	swait.ge [sflag:s25], $0x4000  }
0x1bc: {  	[sflag:s25] =	ssyncset.done $0x0  }
0x1bd: {  	[sflag:s25] =	ssyncadd.s32 $0xFFFFC000  }
0x1be: {  	[spmem:s2] =	stream.indirect.scatter.add.f32 [tilespmem:s19], [sflag:$0x4], $0x80, s13, s22, $0x2000b8;
	[tilespmem:$0x1E400] =	vst v63  }
0x1bf: {  	_ =	swait.ge [sflag:s26], $0x4000  }
0x1c0: {  	[sflag:s26] =	ssyncset.done $0x0  }
0x1c1: {  	[sflag:s26] =	ssyncadd.s32 $0xFFFFC000  }
0x1c2: {  	s0 =	smul.u32 @!p3 $0x2800, s11;
	_ =	swait.ge [sflag:s24], $0x4000  }
0x1c3: {  	s4 =	sadd.s32 @!p3 $0x5, s11;
	s10 =	rddreg [dreg:$0x6];
	[sflag:s24] =	ssyncset.done $0x0  }
0x1c4: {  	s6 =	simm.s32 @!p3 $0x0;
	s3 =	sadd.s32 @!p3 s10, s15;
	[sflag:s24] =	ssyncadd.s32 $0xFFFFC000  }
0x1c5: {  	s0 =	sshrl.u32 @!p3 s0, $0x2;
	s3 =	sshrl.u32 @!p3 s3, $0x3;
	_ =	strace $0x9000004D  }
0x1c6: {  	s0 =	sadd.s32 @!p3 $0x1BC00, s0;
	s3 =	sadd.s32 @!p3 s5, s3;
	_ =	strace @!p3 $0x80000049  }
0x1c7: {  	[tilespmem:s0], [sflag:s4] =	stream.linear.gather @!p3 [hbm4b:s3+s6], $0xA00, $0x200038;
	[tilespmem:$0x1E400] =	vst v63  }
0x1c8: {  	s0 =	sand.u32 @!p3 $0x1, s29  }
0x1c9: {  	s9 =	rddreg [dreg:$0x5];
	s4 =	smul.u32 @!p3 $0x2800, s0  }
0x1ca: {  	s3 =	sadd.s32 @!p3 s15, s9;
	s0 =	sadd.s32 @!p3 $0x7, s0  }
0x1cb: {  	_ =	strace @!p3 $0x90000049;
	s3 =	sshrl.u32 @!p3 s3, $0x3;
	s4 =	sshrl.u32 @!p3 s4, $0x2  }
0x1cc: {  	_ =	strace @!p3 $0x8000004A;
	s3 =	sadd.s32 @!p3 s5, s3;
	s4 =	sor.u32 @!p3 $0x1D000, s4  }
0x1cd: {  	[tilespmem:s4], [sflag:s0] =	stream.linear.gather @!p3 [hbm4b:s3+s6], $0xA00, $0x200038;
	[tilespmem:$0x1E400] =	vst v63  }
0x1ce: {  	_ =	strace @!p3 $0x9000004A  }
0x1cf: {  	s12 =	sadd.s32 $0x5, s28;
	_ =	strace $0x8000004B  }
0x1d0: {  	_ =	swait.ge [sflag:s12], $0xA00  }
0x1d1: {  	[sflag:s12] =	ssyncset.done $0x0  }
0x1d2: {  	[sflag:s12] =	ssyncadd.s32 $0xFFFFF600  }
0x1d3: {  	_ =	strace $0x9000004B  }
0x1d4: {  	s13 =	sadd.s32 $0x7, s30;
	_ =	strace $0x8000004C  }
0x1d5: {  	_ =	swait.ge [sflag:s13], $0xA00  }
0x1d6: {  	[sflag:s13] =	ssyncset.done $0x0  }
0x1d7: {  	s3 =	simm.s32 $0xA00;
	[sflag:s13] =	ssyncadd.s32 $0xFFFFF600  }
0x1d8: {  	s3 =	simm.s32 @!p1 $0x0;
	_ =	strace $0x9000004C  }
0x1d9: {  	s14 =	sadd.s32 $0x1BC00, s3;
	_ =	strace $0x8000004D  }
0x1da: {  	[tilespmem:s17], [sflag:$0x1] =	stream.indirect.gather [hbm4b:s1+s22], $0x80, s14, s22, $0x2000b8;
	[tilespmem:$0x1E400] =	vst v63  }
0x1db: {  	s15 =	sadd.s32 $0x1BC80, s3  }
0x1dc: {  	[tilespmem:s19], [sflag:$0x2] =	stream.indirect.gather [hbm4b:s1+s22], $0x80, s15, s22, $0x2000b8;
	[tilespmem:$0x1E400] =	vst v63  }
0x1dd: {  	s0 =	simm.s32 $0xA00;
	_ =	swait.ge [sflag:s23], $0x4000  }
0x1de: {  	s0 =	simm.s32 @!p2 $0x0;
	[sflag:s23] =	ssyncset.done $0x0  }
0x1df: {  	s16 =	sor.u32 $0x1D000, s0;
	[sflag:s23] =	ssyncadd.s32 $0xFFFFC000  }
0x1e0: {  	[spmem:s2] =	stream.indirect.scatter.add.f32 [tilespmem:s17], [sflag:$0x3], $0x80, s16, s22, $0x2000b8;
	[tilespmem:$0x1E400] =	vst v63  }
0x1e1: {  	_ =	swait.ge [sflag:s24], $0x4000  }
0x1e2: {  	[sflag:s24] =	ssyncset.done $0x0  }
0x1e3: {  	s18 =	sadd.s32 $0x1BD00, s3;
	[sflag:s24] =	ssyncadd.s32 $0xFFFFC000  }
0x1e4: {  	[tilespmem:s17], [sflag:$0x1] =	stream.indirect.gather [hbm4b:s1+s22], $0x80, s18, s22, $0x2000b8;
	[tilespmem:$0x1E400] =	vst v63  }
0x1e5: {  	_ =	swait.ge [sflag:s25], $0x4000  }
0x1e6: {  	[sflag:s25] =	ssyncset.done $0x0  }
0x1e7: {  	s20 =	sor.u32 $0x1D080, s0;
	[sflag:s25] =	ssyncadd.s32 $0xFFFFC000  }
0x1e8: {  	[spmem:s2] =	stream.indirect.scatter.add.f32 [tilespmem:s19], [sflag:$0x4], $0x80, s20, s22, $0x2000b8;
	[tilespmem:$0x1E400] =	vst v63  }
0x1e9: {  	_ =	swait.ge [sflag:s26], $0x4000  }
0x1ea: {  	[sflag:s26] =	ssyncset.done $0x0  }
0x1eb: {  	s21 =	sadd.s32 $0x1BD80, s3;
	[sflag:s26] =	ssyncadd.s32 $0xFFFFC000  }
0x1ec: {  	[tilespmem:s19], [sflag:$0x2] =	stream.indirect.gather [hbm4b:s1+s22], $0x80, s21, s22, $0x2000b8;
	[tilespmem:$0x1E400] =	vst v63  }
0x1ed: {  	_ =	swait.ge [sflag:s23], $0x4000  }
0x1ee: {  	[sflag:s23] =	ssyncset.done $0x0  }
0x1ef: {  	s28 =	sor.u32 $0x1D100, s0;
	[sflag:s23] =	ssyncadd.s32 $0xFFFFC000  }
0x1f0: {  	[spmem:s2] =	stream.indirect.scatter.add.f32 [tilespmem:s17], [sflag:$0x3], $0x80, s28, s22, $0x2000b8;
	[tilespmem:$0x1E400] =	vst v63  }
0x1f1: {  	_ =	swait.ge [sflag:s24], $0x4000  }
0x1f2: {  	[sflag:s24] =	ssyncset.done $0x0  }
0x1f3: {  	s29 =	sadd.s32 $0x1BE00, s3;
	[sflag:s24] =	ssyncadd.s32 $0xFFFFC000  }
0x1f4: {  	[tilespmem:s17], [sflag:$0x1] =	stream.indirect.gather [hbm4b:s1+s22], $0x80, s29, s22, $0x2000b8;
	[tilespmem:$0x1E400] =	vst v63  }
0x1f5: {  	_ =	swait.ge [sflag:s25], $0x4000  }
0x1f6: {  	[sflag:s25] =	ssyncset.done $0x0  }
0x1f7: {  	s30 =	sor.u32 $0x1D180, s0;
	[sflag:s25] =	ssyncadd.s32 $0xFFFFC000  }
0x1f8: {  	[spmem:s2] =	stream.indirect.scatter.add.f32 [tilespmem:s19], [sflag:$0x4], $0x80, s30, s22, $0x2000b8;
	[tilespmem:$0x1E400] =	vst v63  }
0x1f9: {  	_ =	swait.ge [sflag:s26], $0x4000  }
0x1fa: {  	[sflag:s26] =	ssyncset.done $0x0  }
0x1fb: {  	s31 =	sadd.s32 $0x1BE80, s3;
	[sflag:s26] =	ssyncadd.s32 $0xFFFFC000  }
0x1fc: {  	[tilespmem:s19], [sflag:$0x2] =	stream.indirect.gather [hbm4b:s1+s22], $0x80, s31, s22, $0x2000b8;
	[tilespmem:$0x1E400] =	vst v63  }
0x1fd: {  	_ =	swait.ge [sflag:s23], $0x4000  }
0x1fe: {  	[sflag:s23] =	ssyncset.done $0x0  }
0x1ff: {  	s6 =	sadd.s32 $0x1D200, s0;
	[sflag:s23] =	ssyncadd.s32 $0xFFFFC000  }
0x200: {  	[spmem:s2] =	stream.indirect.scatter.add.f32 [tilespmem:s17], [sflag:$0x3], $0x80, s6, s22, $0x2000b8;
	[tilespmem:$0x1E400] =	vst v63  }
0x201: {  	_ =	swait.ge [sflag:s24], $0x4000  }
0x202: {  	[sflag:s24] =	ssyncset.done $0x0  }
0x203: {  	s7 =	sadd.s32 $0x1BF00, s3;
	[sflag:s24] =	ssyncadd.s32 $0xFFFFC000  }
0x204: {  	[tilespmem:s17], [sflag:$0x1] =	stream.indirect.gather [hbm4b:s1+s22], $0x80, s7, s22, $0x2000b8;
	[tilespmem:$0x1E400] =	vst v63  }
0x205: {  	_ =	swait.ge [sflag:s25], $0x4000  }
0x206: {  	[sflag:s25] =	ssyncset.done $0x0  }
0x207: {  	s8 =	sadd.s32 $0x1D280, s0;
	[sflag:s25] =	ssyncadd.s32 $0xFFFFC000  }
0x208: {  	[spmem:s2] =	stream.indirect.scatter.add.f32 [tilespmem:s19], [sflag:$0x4], $0x80, s8, s22, $0x2000b8;
	[tilespmem:$0x1E400] =	vst v63  }
0x209: {  	_ =	swait.ge [sflag:s26], $0x4000  }
0x20a: {  	[sflag:s26] =	ssyncset.done $0x0  }
0x20b: {  	s11 =	sadd.s32 $0x1BF80, s3;
	[sflag:s26] =	ssyncadd.s32 $0xFFFFC000  }
0x20c: {  	[tilespmem:s19], [sflag:$0x2] =	stream.indirect.gather [hbm4b:s1+s22], $0x80, s11, s22, $0x2000b8;
	[tilespmem:$0x1E400] =	vst v63  }
0x20d: {  	_ =	swait.ge [sflag:s23], $0x4000  }
0x20e: {  	[sflag:s23] =	ssyncset.done $0x0  }
0x20f: {  	s12 =	sadd.s32 $0x1D300, s0;
	[sflag:s23] =	ssyncadd.s32 $0xFFFFC000  }
0x210: {  	[spmem:s2] =	stream.indirect.scatter.add.f32 [tilespmem:s17], [sflag:$0x3], $0x80, s12, s22, $0x2000b8;
	[tilespmem:$0x1E400] =	vst v63  }
0x211: {  	_ =	swait.ge [sflag:s24], $0x4000  }
0x212: {  	[sflag:s24] =	ssyncset.done $0x0  }
0x213: {  	s13 =	sor.u32 $0x1C000, s3;
	[sflag:s24] =	ssyncadd.s32 $0xFFFFC000  }
0x214: {  	[tilespmem:s17], [sflag:$0x1] =	stream.indirect.gather [hbm4b:s1+s22], $0x80, s13, s22, $0x2000b8;
	[tilespmem:$0x1E400] =	vst v63  }
0x215: {  	_ =	swait.ge [sflag:s25], $0x4000  }
0x216: {  	[sflag:s25] =	ssyncset.done $0x0  }
0x217: {  	s14 =	sadd.s32 $0x1D380, s0;
	[sflag:s25] =	ssyncadd.s32 $0xFFFFC000  }
0x218: {  	[spmem:s2] =	stream.indirect.scatter.add.f32 [tilespmem:s19], [sflag:$0x4], $0x80, s14, s22, $0x2000b8;
	[tilespmem:$0x1E400] =	vst v63  }
0x219: {  	_ =	swait.ge [sflag:s26], $0x4000  }
0x21a: {  	[sflag:s26] =	ssyncset.done $0x0  }
0x21b: {  	s15 =	sor.u32 $0x1C080, s3;
	[sflag:s26] =	ssyncadd.s32 $0xFFFFC000  }
0x21c: {  	[tilespmem:s19], [sflag:$0x2] =	stream.indirect.gather [hbm4b:s1+s22], $0x80, s15, s22, $0x2000b8;
	[tilespmem:$0x1E400] =	vst v63  }
0x21d: {  	_ =	swait.ge [sflag:s23], $0x4000  }
0x21e: {  	[sflag:s23] =	ssyncset.done $0x0  }
0x21f: {  	s16 =	sor.u32 $0x1D400, s0;
	[sflag:s23] =	ssyncadd.s32 $0xFFFFC000  }
0x220: {  	[spmem:s2] =	stream.indirect.scatter.add.f32 [tilespmem:s17], [sflag:$0x3], $0x80, s16, s22, $0x2000b8;
	[tilespmem:$0x1E400] =	vst v63  }
0x221: {  	_ =	swait.ge [sflag:s24], $0x4000  }
0x222: {  	[sflag:s24] =	ssyncset.done $0x0  }
0x223: {  	s18 =	sor.u32 $0x1C100, s3;
	[sflag:s24] =	ssyncadd.s32 $0xFFFFC000  }
0x224: {  	[tilespmem:s17], [sflag:$0x1] =	stream.indirect.gather [hbm4b:s1+s22], $0x80, s18, s22, $0x2000b8;
	[tilespmem:$0x1E400] =	vst v63  }
0x225: {  	_ =	swait.ge [sflag:s25], $0x4000  }
0x226: {  	[sflag:s25] =	ssyncset.done $0x0  }
0x227: {  	s20 =	sor.u32 $0x1D480, s0;
	[sflag:s25] =	ssyncadd.s32 $0xFFFFC000  }
0x228: {  	[spmem:s2] =	stream.indirect.scatter.add.f32 [tilespmem:s19], [sflag:$0x4], $0x80, s20, s22, $0x2000b8;
	[tilespmem:$0x1E400] =	vst v63  }
0x229: {  	_ =	swait.ge [sflag:s26], $0x4000  }
0x22a: {  	[sflag:s26] =	ssyncset.done $0x0  }
0x22b: {  	s21 =	sor.u32 $0x1C180, s3;
	[sflag:s26] =	ssyncadd.s32 $0xFFFFC000  }
0x22c: {  	[tilespmem:s19], [sflag:$0x2] =	stream.indirect.gather [hbm4b:s1+s22], $0x80, s21, s22, $0x2000b8;
	[tilespmem:$0x1E400] =	vst v63  }
0x22d: {  	_ =	swait.ge [sflag:s23], $0x4000  }
0x22e: {  	[sflag:s23] =	ssyncset.done $0x0  }
0x22f: {  	s28 =	sor.u32 $0x1D500, s0;
	[sflag:s23] =	ssyncadd.s32 $0xFFFFC000  }
0x230: {  	[spmem:s2] =	stream.indirect.scatter.add.f32 [tilespmem:s17], [sflag:$0x3], $0x80, s28, s22, $0x2000b8;
	[tilespmem:$0x1E400] =	vst v63  }
0x231: {  	_ =	swait.ge [sflag:s24], $0x4000  }
0x232: {  	[sflag:s24] =	ssyncset.done $0x0  }
0x233: {  	s29 =	sadd.s32 $0x1C200, s3;
	[sflag:s24] =	ssyncadd.s32 $0xFFFFC000  }
0x234: {  	[tilespmem:s17], [sflag:$0x1] =	stream.indirect.gather [hbm4b:s1+s22], $0x80, s29, s22, $0x2000b8;
	[tilespmem:$0x1E400] =	vst v63  }
0x235: {  	_ =	swait.ge [sflag:s25], $0x4000  }
0x236: {  	[sflag:s25] =	ssyncset.done $0x0  }
0x237: {  	s30 =	sor.u32 $0x1D580, s0;
	[sflag:s25] =	ssyncadd.s32 $0xFFFFC000  }
0x238: {  	[spmem:s2] =	stream.indirect.scatter.add.f32 [tilespmem:s19], [sflag:$0x4], $0x80, s30, s22, $0x2000b8;
	[tilespmem:$0x1E400] =	vst v63  }
0x239: {  	_ =	swait.ge [sflag:s26], $0x4000  }
0x23a: {  	[sflag:s26] =	ssyncset.done $0x0  }
0x23b: {  	s31 =	sadd.s32 $0x1C280, s3;
	[sflag:s26] =	ssyncadd.s32 $0xFFFFC000  }
0x23c: {  	[tilespmem:s19], [sflag:$0x2] =	stream.indirect.gather [hbm4b:s1+s22], $0x80, s31, s22, $0x2000b8;
	[tilespmem:$0x1E400] =	vst v63  }
0x23d: {  	_ =	swait.ge [sflag:s23], $0x4000  }
0x23e: {  	[sflag:s23] =	ssyncset.done $0x0  }
0x23f: {  	s6 =	sadd.s32 $0x1D600, s0;
	[sflag:s23] =	ssyncadd.s32 $0xFFFFC000  }
0x240: {  	[spmem:s2] =	stream.indirect.scatter.add.f32 [tilespmem:s17], [sflag:$0x3], $0x80, s6, s22, $0x2000b8;
	[tilespmem:$0x1E400] =	vst v63  }
0x241: {  	_ =	swait.ge [sflag:s24], $0x4000  }
0x242: {  	[sflag:s24] =	ssyncset.done $0x0  }
0x243: {  	s7 =	sadd.s32 $0x1C300, s3;
	[sflag:s24] =	ssyncadd.s32 $0xFFFFC000  }
0x244: {  	[tilespmem:s17], [sflag:$0x1] =	stream.indirect.gather [hbm4b:s1+s22], $0x80, s7, s22, $0x2000b8;
	[tilespmem:$0x1E400] =	vst v63  }
0x245: {  	_ =	swait.ge [sflag:s25], $0x4000  }
0x246: {  	[sflag:s25] =	ssyncset.done $0x0  }
0x247: {  	s8 =	sadd.s32 $0x1D680, s0;
	[sflag:s25] =	ssyncadd.s32 $0xFFFFC000  }
0x248: {  	[spmem:s2] =	stream.indirect.scatter.add.f32 [tilespmem:s19], [sflag:$0x4], $0x80, s8, s22, $0x2000b8;
	[tilespmem:$0x1E400] =	vst v63  }
0x249: {  	_ =	swait.ge [sflag:s26], $0x4000  }
0x24a: {  	[sflag:s26] =	ssyncset.done $0x0  }
0x24b: {  	s11 =	sadd.s32 $0x1C380, s3;
	[sflag:s26] =	ssyncadd.s32 $0xFFFFC000  }
0x24c: {  	[tilespmem:s19], [sflag:$0x2] =	stream.indirect.gather [hbm4b:s1+s22], $0x80, s11, s22, $0x2000b8;
	[tilespmem:$0x1E400] =	vst v63  }
0x24d: {  	_ =	swait.ge [sflag:s23], $0x4000  }
0x24e: {  	[sflag:s23] =	ssyncset.done $0x0  }
0x24f: {  	s12 =	sadd.s32 $0x1D700, s0;
	[sflag:s23] =	ssyncadd.s32 $0xFFFFC000  }
0x250: {  	[spmem:s2] =	stream.indirect.scatter.add.f32 [tilespmem:s17], [sflag:$0x3], $0x80, s12, s22, $0x2000b8;
	[tilespmem:$0x1E400] =	vst v63  }
0x251: {  	_ =	swait.ge [sflag:s24], $0x4000  }
0x252: {  	[sflag:s24] =	ssyncset.done $0x0  }
0x253: {  	s13 =	sor.u32 $0x1C400, s3;
	[sflag:s24] =	ssyncadd.s32 $0xFFFFC000  }
0x254: {  	[tilespmem:s17], [sflag:$0x1] =	stream.indirect.gather [hbm4b:s1+s22], $0x80, s13, s22, $0x2000b8;
	[tilespmem:$0x1E400] =	vst v63  }
0x255: {  	_ =	swait.ge [sflag:s25], $0x4000  }
0x256: {  	[sflag:s25] =	ssyncset.done $0x0  }
0x257: {  	s14 =	sadd.s32 $0x1D780, s0;
	[sflag:s25] =	ssyncadd.s32 $0xFFFFC000  }
0x258: {  	[spmem:s2] =	stream.indirect.scatter.add.f32 [tilespmem:s19], [sflag:$0x4], $0x80, s14, s22, $0x2000b8;
	[tilespmem:$0x1E400] =	vst v63  }
0x259: {  	_ =	swait.ge [sflag:s26], $0x4000  }
0x25a: {  	[sflag:s26] =	ssyncset.done $0x0  }
0x25b: {  	s15 =	sor.u32 $0x1C480, s3;
	[sflag:s26] =	ssyncadd.s32 $0xFFFFC000  }
0x25c: {  	[tilespmem:s19], [sflag:$0x2] =	stream.indirect.gather [hbm4b:s1+s22], $0x80, s15, s22, $0x2000b8;
	[tilespmem:$0x1E400] =	vst v63  }
0x25d: {  	_ =	swait.ge [sflag:s23], $0x4000  }
0x25e: {  	[sflag:s23] =	ssyncset.done $0x0  }
0x25f: {  	s16 =	sadd.s32 $0x1D800, s0;
	[sflag:s23] =	ssyncadd.s32 $0xFFFFC000  }
0x260: {  	[spmem:s2] =	stream.indirect.scatter.add.f32 [tilespmem:s17], [sflag:$0x3], $0x80, s16, s22, $0x2000b8;
	[tilespmem:$0x1E400] =	vst v63  }
0x261: {  	_ =	swait.ge [sflag:s24], $0x4000  }
0x262: {  	[sflag:s24] =	ssyncset.done $0x0  }
0x263: {  	s18 =	sor.u32 $0x1C500, s3;
	[sflag:s24] =	ssyncadd.s32 $0xFFFFC000  }
0x264: {  	[tilespmem:s17], [sflag:$0x1] =	stream.indirect.gather [hbm4b:s1+s22], $0x80, s18, s22, $0x2000b8;
	[tilespmem:$0x1E400] =	vst v63  }
0x265: {  	_ =	swait.ge [sflag:s25], $0x4000  }
0x266: {  	[sflag:s25] =	ssyncset.done $0x0  }
0x267: {  	s20 =	sadd.s32 $0x1D880, s0;
	[sflag:s25] =	ssyncadd.s32 $0xFFFFC000  }
0x268: {  	[spmem:s2] =	stream.indirect.scatter.add.f32 [tilespmem:s19], [sflag:$0x4], $0x80, s20, s22, $0x2000b8;
	[tilespmem:$0x1E400] =	vst v63  }
0x269: {  	_ =	swait.ge [sflag:s26], $0x4000  }
0x26a: {  	[sflag:s26] =	ssyncset.done $0x0  }
0x26b: {  	s3 =	sor.u32 $0x1C580, s3;
	[sflag:s26] =	ssyncadd.s32 $0xFFFFC000  }
0x26c: {  	[tilespmem:s19], [sflag:$0x2] =	stream.indirect.gather [hbm4b:s1+s22], $0x80, s3, s22, $0x2000b8;
	[tilespmem:$0x1E400] =	vst v63  }
0x26d: {  	_ =	swait.ge [sflag:s23], $0x4000  }
0x26e: {  	[sflag:s23] =	ssyncset.done $0x0  }
0x26f: {  	s21 =	sadd.s32 $0x1D900, s0;
	[sflag:s23] =	ssyncadd.s32 $0xFFFFC000  }
0x270: {  	[spmem:s2] =	stream.indirect.scatter.add.f32 [tilespmem:s17], [sflag:$0x3], $0x80, s21, s22, $0x2000b8;
	[tilespmem:$0x1E400] =	vst v63  }
0x271: {  	_ =	swait.ge [sflag:s25], $0x4000  }
0x272: {  	[sflag:s25] =	ssyncset.done $0x0  }
0x273: {  	s0 =	sadd.s32 $0x1D980, s0;
	[sflag:s25] =	ssyncadd.s32 $0xFFFFC000  }
0x274: {  	[spmem:s2] =	stream.indirect.scatter.add.f32 [tilespmem:s19], [sflag:$0x4], $0x80, s0, s22, $0x2000b8;
	[tilespmem:$0x1E400] =	vst v63  }
0x275: {  	_ =	swait.ge [sflag:s26], $0x4000  }
0x276: {  	[sflag:s26] =	ssyncset.done $0x0  }
0x277: {  	[sflag:s26] =	ssyncadd.s32 $0xFFFFC000  }
0x278: {  	_ =	swait.ge [sflag:s24], $0x4000  }
0x279: {  	[sflag:s24] =	ssyncset.done $0x0  }
0x27a: {  	[sflag:s24] =	ssyncadd.s32 $0xFFFFC000  }
0x27b: {  	_ =	strace $0x9000004D  }
0x27c: {  	s28 =	stileid.u32;
	[bflag:$0x0] =	sbarrier.arrive $0xFFFF  }
0x27d: {  	s8 =	simm.s32 $0x5;
	s0 =	sshll.u32 s28, $0x6;
	s7 =	rddreg [dreg:$0x8]  }
0x27e: {  	s0 =	sor.u32 $0x1C05, s0;
	s30 =	rddreg [dreg:$0xf];
	s29 =	sshrl.u32 s7, $0x3  }
0x27f: {  	[hbm:s30], [sflag:s0] =	dma.local [spmem:s29], $0x2780  }
0x280: {  	_ =	swait.ge [sflag:s8], $0x2780  }
0x281: {  	s12 =	rddreg [dreg:$0x7]  }
0x282: {  	s31 =	rddreg [dreg:$0x10];
	s12 =	sadd.s32 $0x1, s12  }
0x283: {  	p0 =	sne.s32 s12, s31  }
.Ltmp2:
0x284: {  	_ = 	snop;
	(pc) =	sbr.rel @p0 .LBB2_1-.Ltmp2, $3  }
0x285: {  	_ =	sdelay $0x1  }
0x286: {  	[sflag:s8] =	ssyncset.done $0x0  }
0x287: {  	s4 =	smov.u32 s9;
	s6 =	smov.u32 s10;
	[sflag:s8] =	ssyncadd.s32 $0xFFFFD880  }
0x288: {  	_ =	sfence.sel $0x180000  }
0x289: {  	[bflag:$0x0] =	sbarrier.arrive $0xFFFF  }
0x28a: {  	_ =	strace $0x90000047  }
0x28b: {  	s0 =	stileid.u32;
	[bflag:$0x2] =	sbarrier.arrive $0xFFFF  }
0x28c: {  	p0 =	sne.s32 s0, $0x0;
	s0 =	rddreg [dreg:$0x4]  }
0x28d: {  	s0 =	sadd.s32 @!p0 $0x100000, s0  }
0x28e: {  	[sflag:s0] =	ssyncadd.tile.s32 @!p0 $0x1;
	_ =	shalt  }
.Lfunc_end2:
_tile_overlayer_lowered:
.L_overlay_start_2:
0x28f: {  	(tag) =	ssettag $0x2  }
0x290: {  	s0 =	rddreg [dreg:$0x0];
	s2 =	stileid.u32  }
0x291: {  	s1 =	rddreg [dreg:$0x1];
	p0 =	sne.s32 s2, $0x0  }
0x292: {  	s3 =	rddreg [dreg:$0x2];
	[bflag:$0x3] =	sbarrier.arrive $0xFFFF;
	s2 =	simm.s32 @!p0 $0x1C05  }
0x293: {  	[timem:s3], [sflag:s2] =	dma.local @!p0 [hbm:s0], s1  }
0x294: {  	s0 =	simm.s32 @!p0 $0x5  }
0x295: {  	_ =	swait.ge @!p0 [sflag:s0], s1  }
0x296: {  	s1 =	ssub.s32 @!p0 $0x0, s1;
	[sflag:s0] =	ssyncset.done @!p0 $0x0  }
0x297: {  	[sflag:s0] =	ssyncadd.s32 @!p0 s1  }
0x298: {  	[bflag:$0x3] =	sbarrier.arrive $0xFFFF  }
0x299: {  	_ =	shalt  }

</sc_bundles>
